<compile_context>
chip_gen: v7x
topology: tpu7x:2x2x1
jax: 0.10.2.dev20260603
libtpu: 0.0.44.dev20260713+nightly
codegen_flags: <defaults>
</compile_context>

<pallas_src>
import functools

import jax
import jax.numpy as jnp
from jax import lax
from jax.experimental import pallas as pl
from jax.experimental.pallas import tpu as pltpu
from jax.experimental.pallas import tpu_sc as plsc

_N = 10000
_E = 320000
_D = 128
_NC = 2
_NS = 16
_NW = _NC * _NS
_EPW = _E // _NW
_K = 80
_NCHUNK = _EPW // _K
_KB = 128
_NCB = _EPW // _KB
_KT = _EPW - _NCB * _KB
_NPAD = 10240
_RPT = _NPAD // _NS
_BLK = 1000
_GRID = _N // _BLK


def _mesh():
  return plsc.VectorSubcoreMesh(core_axis_name="c", subcore_axis_name="s",
                                num_cores=_NC, num_subcores=_NS)


def _sc_agg_body(table, src, dst, z128, out_agg,
                 src_v0, dst_v0, rows_v0, src_v1, dst_v1, rows_v1,
                 src_t, dst_t, rows_t, sh_agg, sem0, sem1, semi0, semi1):
  cid = lax.axis_index("c")
  sid = lax.axis_index("s")
  base = (cid * _NS + sid) * _EPW
  r0 = sid * _RPT
  pltpu.sync_copy(z128, sh_agg.at[pl.ds(r0, _RPT)])
  plsc.subcore_barrier()

  bufs = ((src_v0, dst_v0, rows_v0, sem0, semi0),
          (src_v1, dst_v1, rows_v1, sem1, semi1))

  def idx_start(i, p):
    src_p, dst_p, _, _, semi_p = bufs[p]
    off = base + i * _KB
    pltpu.async_copy(src.at[pl.ds(off, _KB)], src_p, semi_p)
    pltpu.async_copy(dst.at[pl.ds(off, _KB)], dst_p, semi_p)

  def idx_wait(p):
    src_p, dst_p, _, _, semi_p = bufs[p]
    pltpu.make_async_copy(src.at[pl.ds(base, _KB)], src_p, semi_p).wait()
    pltpu.make_async_copy(dst.at[pl.ds(base, _KB)], dst_p, semi_p).wait()

  idx_start(0, 0)
  idx_wait(0)
  pltpu.async_copy(table.at[src_v0], rows_v0, sem0)
  idx_start(1, 1)

  def half_step(i, p):
    src_p, dst_p, rows_p, sem_p, _ = bufs[p]
    src_q, dst_q, rows_q, sem_q, _ = bufs[1 - p]

    @pl.when(i < _NCB - 1)
    def _():
      idx_wait(1 - p)
      pltpu.async_copy(table.at[src_q], rows_q, sem_q)

    pltpu.make_async_copy(table.at[src_p], rows_p, sem_p).wait()
    pltpu.sync_copy(rows_p, sh_agg.at[dst_p], add=True)

    @pl.when(i < _NCB - 2)
    def _():
      idx_start(i + 2, p)

  def step(j, carry):
    half_step(2 * j, 0)
    half_step(2 * j + 1, 1)
    return carry

  lax.fori_loop(0, _NCB // 2, step, 0)
  toff = base + _NCB * _KB
  pltpu.sync_copy(src.at[pl.ds(toff, _KT)], src_t)
  pltpu.sync_copy(dst.at[pl.ds(toff, _KT)], dst_t)
  pltpu.async_copy(table.at[src_t], rows_t, sem0).wait()
  pltpu.sync_copy(rows_t, sh_agg.at[dst_t], add=True)
  plsc.subcore_barrier()
  pltpu.sync_copy(sh_agg.at[pl.ds(r0, _RPT)], out_agg.at[cid, pl.ds(r0, _RPT)])


@functools.lru_cache(maxsize=None)
def _make_sc_agg():
  return pl.kernel(
      _sc_agg_body,
      out_type=[jax.ShapeDtypeStruct((_NC, _NPAD, _D), jnp.float32)],
      mesh=_mesh(),
      scratch_types=[
          pltpu.VMEM((_KB,), jnp.int32),
          pltpu.VMEM((_KB,), jnp.int32),
          pltpu.VMEM((_KB, _D), jnp.float32),
          pltpu.VMEM((_KB,), jnp.int32),
          pltpu.VMEM((_KB,), jnp.int32),
          pltpu.VMEM((_KB, _D), jnp.float32),
          pltpu.VMEM((_KT,), jnp.int32),
          pltpu.VMEM((_KT,), jnp.int32),
          pltpu.VMEM((_KT, _D), jnp.float32),
          pltpu.VMEM_SHARED((_NPAD, _D), jnp.float32),
          pltpu.SemaphoreType.DMA,
          pltpu.SemaphoreType.DMA,
          pltpu.SemaphoreType.DMA,
          pltpu.SemaphoreType.DMA,
      ],
      compiler_params=pltpu.CompilerParams(needs_layout_passes=False),
  )


def _sc_aux_body(use_c, src, dst, aux, z128, out_aux,
                 src_v0, dst_v0, aux_v0, src_v1, dst_v1, aux_v1,
                 src_t, dst_t, sh_aux, sem0, sem1, *extra):
  if use_c:
    invcnt_v, = extra
  cid = lax.axis_index("c")
  sid = lax.axis_index("s")
  base = (cid * _NS + sid) * _EPW
  r0 = sid * _RPT
  pltpu.sync_copy(z128, sh_aux.at[pl.ds(r0, _RPT)])
  if use_c:
    pltpu.sync_copy(aux, invcnt_v)
    pltpu.sync_copy(z128.at[pl.ds(0, _KB)], aux_v0)
    pltpu.sync_copy(z128.at[pl.ds(0, _KB)], aux_v1)
  else:
    pltpu.sync_copy(aux, aux_v0)
    pltpu.sync_copy(aux, aux_v1)
  plsc.subcore_barrier()

  lanes = lax.iota(jnp.int32, 16)
  col0 = lanes * 0
  bufs = ((src_v0, dst_v0, aux_v0, sem0), (src_v1, dst_v1, aux_v1, sem1))

  def stage(i, p):
    src_p, dst_p, aux_p, _ = bufs[p]
    off = base + i * _KB
    pltpu.sync_copy(dst.at[pl.ds(off, _KB)], dst_p)
    if use_c:
      pltpu.sync_copy(src.at[pl.ds(off, _KB)], src_p)
      for t in range(_KB // 16):
        dstv = dst_p[pl.ds(16 * t, 16)]
        w = plsc.load_gather(invcnt_v, [dstv])
        plsc.store_scatter(aux_p, [lanes + (16 * t), col0], w)

  def issue(p):
    src_p, dst_p, aux_p, sem_p = bufs[p]
    idx = src_p if use_c else dst_p
    pltpu.async_copy(aux_p, sh_aux.at[idx], sem_p, add=True)

  def drain(p):
    src_p, dst_p, aux_p, sem_p = bufs[p]
    idx = src_p if use_c else dst_p
    pltpu.make_async_copy(aux_p, sh_aux.at[idx], sem_p).wait()

  stage(0, 0)

  def half_step(i, p):
    issue(p)

    @pl.when(i < _NCB - 1)
    def _():
      @pl.when(i > 0)
      def _():
        drain(1 - p)
      stage(i + 1, 1 - p)

  def step(j, carry):
    half_step(2 * j, 0)
    half_step(2 * j + 1, 1)
    return carry

  lax.fori_loop(0, _NCB // 2, step, 0)
  drain(0)
  drain(1)
  toff = base + _NCB * _KB
  pltpu.sync_copy(dst.at[pl.ds(toff, _KT)], dst_t)
  if use_c:
    pltpu.sync_copy(src.at[pl.ds(toff, _KT)], src_t)
    dstv = dst_t[...]
    w = plsc.load_gather(invcnt_v, [dstv])
    plsc.store_scatter(aux_v0, [lanes, col0], w)
    pltpu.sync_copy(aux_v0.at[pl.ds(0, _KT)], sh_aux.at[src_t], add=True)
  else:
    pltpu.sync_copy(aux_v0.at[pl.ds(0, _KT)], sh_aux.at[dst_t], add=True)
  plsc.subcore_barrier()
  pltpu.sync_copy(sh_aux.at[pl.ds(r0, _RPT)], out_aux.at[cid, pl.ds(r0, _RPT)])


@functools.lru_cache(maxsize=None)
def _make_sc_aux(use_c):
  scratch = [
      pltpu.VMEM((_KB,), jnp.int32),
      pltpu.VMEM((_KB,), jnp.int32),
      pltpu.VMEM((_KB, _D), jnp.float32),
      pltpu.VMEM((_KB,), jnp.int32),
      pltpu.VMEM((_KB,), jnp.int32),
      pltpu.VMEM((_KB, _D), jnp.float32),
      pltpu.VMEM((_KT,), jnp.int32),
      pltpu.VMEM((_KT,), jnp.int32),
      pltpu.VMEM_SHARED((_NPAD, _D), jnp.float32),
      pltpu.SemaphoreType.DMA,
      pltpu.SemaphoreType.DMA,
  ]
  if use_c:
    scratch.append(pltpu.VMEM((_N,), jnp.float32))
  return pl.kernel(
      functools.partial(_sc_aux_body, use_c),
      out_type=[jax.ShapeDtypeStruct((_NC, _NPAD, _D), jnp.float32)],
      mesh=_mesh(),
      scratch_types=scratch,
      compiler_params=pltpu.CompilerParams(needs_layout_passes=False),
  )


def _dot_t(a, b):
  return lax.dot_general(a, b, (((1,), (1,)), ((), ())),
                         preferred_element_type=jnp.float32)


def _tc1_body(p_ref, cnt_ref, x_ref, wl_ref, bl_ref, wr_ref, h_ref, inv16_ref):
  p = p_ref[0] + p_ref[1]
  cnt = cnt_ref[0, :, 0:1] + cnt_ref[1, :, 0:1]
  inv = 1.0 / jnp.maximum(cnt, 1.0)
  z = _dot_t(p * inv, wl_ref[...]) + bl_ref[...] + _dot_t(x_ref[...], wr_ref[...])
  h_ref[...] = jnp.maximum(z, 0.0)
  inv16_ref[...] = jnp.broadcast_to(inv, (_BLK, 16))


def _tc2_body(p_ref, cp_ref, inv16_ref, h1_ref, wl2_ref, bl2_ref, wr2_ref,
              wl3_ref, bl3_ref, wr3_ref, wc_ref, bc_ref, out_ref, acc):
  i = pl.program_id(0)

  @pl.when(i == 0)
  def _():
    acc[...] = jnp.zeros_like(acc)

  p = p_ref[0] + p_ref[1]
  inv = inv16_ref[:, 0:1]
  z = (_dot_t(p * inv, wl2_ref[...]) + bl2_ref[...]
       + _dot_t(h1_ref[...], wr2_ref[...]))
  h2 = jnp.maximum(z, 0.0)
  c = cp_ref[0, :, 0:1] + cp_ref[1, :, 0:1]
  sa = lax.dot_general(c, h2, (((0,), (0,)), ((), ())),
                       preferred_element_type=jnp.float32)
  sh = jnp.sum(h2, axis=0, keepdims=True)
  acc[0:1, :] = acc[0:1, :] + sa
  acc[1:2, :] = acc[1:2, :] + sh

  @pl.when(i == pl.num_programs(0) - 1)
  def _():
    scale = 1.0 / _N
    g = (_dot_t(acc[0:1, :] * scale, wl3_ref[...]) + bl3_ref[...]
         + _dot_t(acc[1:2, :] * scale, wr3_ref[...]))
    out_ref[...] = _dot_t(g, wc_ref[...]) + bc_ref[...]


def _row_spec(shape3):
  return pl.BlockSpec(shape3, lambda i: (0, i, 0))


_tc1 = pl.pallas_call(
    _tc1_body,
    grid=(_GRID,),
    in_specs=[
        _row_spec((_NC, _BLK, _D)),
        _row_spec((_NC, _BLK, _D)),
        pl.BlockSpec((_BLK, _D), lambda i: (i, 0)),
        pl.BlockSpec((_D, _D), lambda i: (0, 0)),
        pl.BlockSpec((1, _D), lambda i: (0, 0)),
        pl.BlockSpec((_D, _D), lambda i: (0, 0)),
    ],
    out_specs=[
        pl.BlockSpec((_BLK, _D), lambda i: (i, 0)),
        pl.BlockSpec((_BLK, 16), lambda i: (i, 0)),
    ],
    out_shape=[
        jax.ShapeDtypeStruct((_N, _D), jnp.float32),
        jax.ShapeDtypeStruct((_N, 16), jnp.float32),
    ],
)

_tc2 = pl.pallas_call(
    _tc2_body,
    grid=(_GRID,),
    in_specs=[
        _row_spec((_NC, _BLK, _D)),
        _row_spec((_NC, _BLK, _D)),
        pl.BlockSpec((_BLK, 16), lambda i: (i, 0)),
        pl.BlockSpec((_BLK, _D), lambda i: (i, 0)),
        pl.BlockSpec((_D, _D), lambda i: (0, 0)),
        pl.BlockSpec((1, _D), lambda i: (0, 0)),
        pl.BlockSpec((_D, _D), lambda i: (0, 0)),
        pl.BlockSpec((_D, _D), lambda i: (0, 0)),
        pl.BlockSpec((1, _D), lambda i: (0, 0)),
        pl.BlockSpec((_D, _D), lambda i: (0, 0)),
        pl.BlockSpec((5, _D), lambda i: (0, 0)),
        pl.BlockSpec((1, 5), lambda i: (0, 0)),
    ],
    out_specs=pl.BlockSpec((1, 5), lambda i: (0, 0)),
    out_shape=jax.ShapeDtypeStruct((1, 5), jnp.float32),
    scratch_shapes=[pltpu.VMEM((8, _D), jnp.float32)],
)


def kernel(x, edge_index, Wl1, bl1, Wr1, Wl2, bl2, Wr2, Wl3, bl3, Wr3, Wc, bc):
  src = edge_index[0]
  dst = edge_index[1]
  ones = jnp.zeros((_KB, _D), jnp.float32).at[:, 0].set(1.0)
  z128 = jnp.zeros((_RPT, _D), jnp.float32)

  cnt_p, = _make_sc_aux(False)(src, dst, ones, z128)
  agg_p, = _make_sc_agg()(x, src, dst, z128)
  h1, inv16 = _tc1(agg_p, cnt_p, x, Wl1, bl1.reshape(1, _D), Wr1)
  c_p, = _make_sc_aux(True)(src, dst, inv16[:, 0], z128)
  agg_p2, = _make_sc_agg()(h1, src, dst, z128)
  out = _tc2(agg_p2, c_p, inv16, h1,
             Wl2, bl2.reshape(1, _D), Wr2,
             Wl3, bl3.reshape(1, _D), Wr3,
             Wc, bc.reshape(1, 5))
  return out

# --- scband reference (transcript-rebuilt; emitter-appended) ---
"""Pipeline reference for scband-graph-sagemodel-13237089206731 (READ-ONLY COPY).

The authoritative reference and input builder live on the scoring server;
editing this copy changes nothing except your own understanding.
"""

import jax, jax.numpy as jnp
import numpy as np

N = 10000
E = 320000
D = 128
H = 128
C = 5


def setup_inputs(seed: int = 0) -> dict:
    key = jax.random.key(seed)
    ks = jax.random.split(key, 16)
    x = jax.random.normal(ks[0], (N, D), dtype=jnp.float32)
    edge_index = jax.random.randint(ks[1], (2, E), 0, N, dtype=jnp.int32)
    def lin(k, out_d, in_d):
        return jax.random.normal(k, (out_d, in_d), dtype=jnp.float32) * (1.0 / np.sqrt(in_d))
    params = {
        'Wl1': lin(ks[2], H, D), 'bl1': jnp.zeros((H,), jnp.float32), 'Wr1': lin(ks[3], H, D),
        'Wl2': lin(ks[4], H, H), 'bl2': jnp.zeros((H,), jnp.float32), 'Wr2': lin(ks[5], H, H),
        'Wl3': lin(ks[6], H, H), 'bl3': jnp.zeros((H,), jnp.float32), 'Wr3': lin(ks[7], H, H),
        'Wc': lin(ks[8], C, H), 'bc': jnp.zeros((C,), jnp.float32),
    }
    return {'x': x, 'edge_index': edge_index, **params}


def _sage_conv(x, src, dst, Wl, bl, Wr):
    # PyG SAGEConv with mean aggregation: out = lin_l(mean_j x_j) + lin_r(x_i)
    msgs = x[src]
    agg = jax.ops.segment_sum(msgs, dst, num_segments=N)
    cnt = jax.ops.segment_sum(jnp.ones((msgs.shape[0], 1), jnp.float32), dst, num_segments=N)
    agg = agg / jnp.clip(cnt, 1.0, None)
    return agg @ Wl.T + bl + x @ Wr.T


def reference(x, edge_index, Wl1, bl1, Wr1, Wl2, bl2, Wr2, Wl3, bl3, Wr3, Wc, bc):
    src = edge_index[0]
    dst = edge_index[1]
    h = _sage_conv(x, src, dst, Wl1, bl1, Wr1)
    h = jax.nn.relu(h)  # dropout is a no-op in eval mode
    h = _sage_conv(h, src, dst, Wl2, bl2, Wr2)
    h = jax.nn.relu(h)
    h = _sage_conv(h, src, dst, Wl3, bl3, Wr3)
    g = jnp.mean(h, axis=0, keepdims=True)
    out = g @ Wc.T + bc
    return out

if __name__ == "__main__":
    import jax
    _d = setup_inputs()
    print(jax.jit(kernel)(*tuple(_d.values())))

</pallas_src>

<mosaic_0001>
#map = affine_map<(d0, d1) -> (0)>
#map1 = affine_map<(d0, d1) -> (0, 0)>
#map2 = affine_map<(d0, d1) -> (0, 0, 0)>
module attributes {stable_mosaic.version = 14 : i64} {
  func.func @_sc_aux_body(%arg0: i32, %arg1: i32, %arg2: memref<320000xi32, #tpu.memory_space<hbm>>, %arg3: memref<320000xi32, #tpu.memory_space<hbm>>, %arg4: memref<128x128xf32, #tpu.memory_space<hbm>>, %arg5: memref<640x128xf32, #tpu.memory_space<hbm>>, %arg6: memref<2x10240x128xf32, #tpu.memory_space<hbm>>, %arg7: memref<128xi32, #tpu.memory_space<vmem>>, %arg8: memref<128xi32, #tpu.memory_space<vmem>>, %arg9: memref<128x128xf32, #tpu.memory_space<vmem>>, %arg10: memref<128xi32, #tpu.memory_space<vmem>>, %arg11: memref<128xi32, #tpu.memory_space<vmem>>, %arg12: memref<128x128xf32, #tpu.memory_space<vmem>>, %arg13: memref<16xi32, #tpu.memory_space<vmem>>, %arg14: memref<16xi32, #tpu.memory_space<vmem>>, %arg15: memref<10240x128xf32, #tpu.memory_space<vmem_shared>>, %arg16: memref<!tpu.dma_semaphore, #tpu.memory_space<semaphore_mem>>, %arg17: memref<!tpu.dma_semaphore, #tpu.memory_space<semaphore_mem>>) attributes {dimension_semantics = [#tpu.dimension_semantics<core_parallel>, #tpu.dimension_semantics<subcore_parallel>], iteration_bounds = array<i64: 2, 16>, scalar_prefetch = 0 : i64, scratch_operands = 11 : i64, tpu.core_type = #tpu.core_type<sc_vector_subcore>, window_params = [{transform_indices = #map}, {transform_indices = #map}, {transform_indices = #map1}, {transform_indices = #map1}, {transform_indices = #map2}]} {
    %mul3A = arith.constant 16 : i32
    %mul3A_0 = arith.muli %arg0, %mul3A : i32
    %add3A = arith.addi %mul3A_0, %arg1 : i32
    %mul3A_1 = arith.constant 10000 : i32
    %mul3A_2 = arith.muli %add3A, %mul3A_1 : i32
    %mul3A_3 = arith.constant 640 : i32
    %mul3A_4 = arith.muli %arg1, %mul3A_3 : i32
    "tpu.region"() ({
      %run_scoped3A = tpu.sem_alloc : memref<!tpu.dma_semaphore, #tpu.memory_space<semaphore_mem>>
      %dma_start3A = arith.constant 0 : i32
      %dma_start3A_23 = tpu.memref_slice %arg15[%mul3A_4, %dma_start3A] : memref<10240x128xf32, #tpu.memory_space<vmem_shared>> -> memref<640x128xf32, #tpu.memory_space<vmem_shared>>
      tpu.enqueue_dma source(%arg5 : memref<640x128xf32, #tpu.memory_space<hbm>>) target(%dma_start3A_23 : memref<640x128xf32, #tpu.memory_space<vmem_shared>>) target_semaphore(%run_scoped3A : memref<!tpu.dma_semaphore, #tpu.memory_space<semaphore_mem>>)
      %dma_wait3A_24 = arith.constant 0 : i32
      %dma_wait3A_25 = tpu.memref_slice %arg15[%mul3A_4, %dma_wait3A_24] : memref<10240x128xf32, #tpu.memory_space<vmem_shared>> -> memref<640x128xf32, #tpu.memory_space<vmem_shared>>
      tpu.wait_dma2 semaphore(%run_scoped3A : memref<!tpu.dma_semaphore, #tpu.memory_space<semaphore_mem>>) src(%arg5 : memref<640x128xf32, #tpu.memory_space<hbm>>) dst(%dma_wait3A_25 : memref<640x128xf32, #tpu.memory_space<vmem_shared>>)
      tpu.yield
    }) : () -> ()
    "tpu.region"() ({
      %run_scoped3A = tpu.sem_alloc : memref<!tpu.dma_semaphore, #tpu.memory_space<semaphore_mem>>
      tpu.enqueue_dma source(%arg4 : memref<128x128xf32, #tpu.memory_space<hbm>>) target(%arg9 : memref<128x128xf32, #tpu.memory_space<vmem>>) target_semaphore(%run_scoped3A : memref<!tpu.dma_semaphore, #tpu.memory_space<semaphore_mem>>)
      tpu.wait_dma2 semaphore(%run_scoped3A : memref<!tpu.dma_semaphore, #tpu.memory_space<semaphore_mem>>) src(%arg4 : memref<128x128xf32, #tpu.memory_space<hbm>>) dst(%arg9 : memref<128x128xf32, #tpu.memory_space<vmem>>)
      tpu.yield
    }) : () -> ()
    "tpu.region"() ({
      %run_scoped3A = tpu.sem_alloc : memref<!tpu.dma_semaphore, #tpu.memory_space<semaphore_mem>>
      tpu.enqueue_dma source(%arg4 : memref<128x128xf32, #tpu.memory_space<hbm>>) target(%arg12 : memref<128x128xf32, #tpu.memory_space<vmem>>) target_semaphore(%run_scoped3A : memref<!tpu.dma_semaphore, #tpu.memory_space<semaphore_mem>>)
      tpu.wait_dma2 semaphore(%run_scoped3A : memref<!tpu.dma_semaphore, #tpu.memory_space<semaphore_mem>>) src(%arg4 : memref<128x128xf32, #tpu.memory_space<hbm>>) dst(%arg12 : memref<128x128xf32, #tpu.memory_space<vmem>>)
      tpu.yield
    }) : () -> ()
    %barrier3A = arith.constant 0 : index
    tpu.barrier barrier_id(%barrier3A)
    %iota3A = tpu.iota {dimensions = array<i32: 0>} : vector<16xi32>
    %mul3A_5 = arith.constant 0 : i32
    %mul3A_6 = vector.broadcast %mul3A_5 : i32 to vector<16xi32>
    %mul3A_7 = arith.muli %iota3A, %mul3A_6 : vector<16xi32>
    %add3A_8 = arith.constant 0 : i32
    %add3A_9 = arith.addi %mul3A_2, %add3A_8 : i32
    "tpu.region"() ({
      %run_scoped3A = tpu.sem_alloc : memref<!tpu.dma_semaphore, #tpu.memory_space<semaphore_mem>>
      %dma_start3A = tpu.memref_slice %arg3[%add3A_9] : memref<320000xi32, #tpu.memory_space<hbm>> -> memref<128xi32, #tpu.memory_space<hbm>>
      %dma_start3A_23 = tpu.memref_slice %arg3[%add3A_9] : memref<320000xi32, #tpu.memory_space<hbm>> -> memref<128xi32, #tpu.memory_space<hbm>>
      tpu.enqueue_dma source(%dma_start3A_23 : memref<128xi32, #tpu.memory_space<hbm>>) target(%arg8 : memref<128xi32, #tpu.memory_space<vmem>>) target_semaphore(%run_scoped3A : memref<!tpu.dma_semaphore, #tpu.memory_space<semaphore_mem>>)
      %dma_wait3A_24 = tpu.memref_slice %arg3[%add3A_9] : memref<320000xi32, #tpu.memory_space<hbm>> -> memref<128xi32, #tpu.memory_space<hbm>>
      %dma_wait3A_25 = tpu.memref_slice %arg3[%add3A_9] : memref<320000xi32, #tpu.memory_space<hbm>> -> memref<128xi32, #tpu.memory_space<hbm>>
      tpu.wait_dma2 semaphore(%run_scoped3A : memref<!tpu.dma_semaphore, #tpu.memory_space<semaphore_mem>>) src(%dma_wait3A_25 : memref<128xi32, #tpu.memory_space<hbm>>) dst(%arg8 : memref<128xi32, #tpu.memory_space<vmem>>)
      tpu.yield
    }) : () -> ()
    %scan3A = arith.constant 0 : i32
    %scan3A_10 = arith.constant 0 : i32
    %scan3A_11 = arith.constant 39 : i32
    %scan3A_12 = arith.addi %scan3A_10, %scan3A_11 : i32
    %scan3A_13 = arith.constant 1 : i32
    scf.for %scan3A_23 = %scan3A_10 to %scan3A_12 step %scan3A_13  : i32 {
      %mul3A_24 = arith.constant 2 : i32
      %mul3A_25 = arith.muli %mul3A_24, %scan3A_23 : i32
      %dma_start3A = arith.constant 0 : i32
      %dma_start3A_26 = arith.constant 0 : i32
      %dma_start3A_27 = tpu.memref_slice %arg15[%dma_start3A, %dma_start3A_26] : memref<10240x128xf32, #tpu.memory_space<vmem_shared>> -> memref<10240x128xf32, #tpu.memory_space<vmem_shared>>
      tpu.enqueue_indirect_dma source(%arg9 : memref<128x128xf32, #tpu.memory_space<vmem>>) target(%dma_start3A_27 : memref<10240x128xf32, #tpu.memory_space<vmem_shared>>) offsets(%arg8 : memref<128xi32, #tpu.memory_space<vmem>>) semaphore(%arg16 : memref<!tpu.dma_semaphore, #tpu.memory_space<semaphore_mem>>) {add = true}
      %lt3A = arith.constant 77 : i32
      %lt3A_28 = arith.cmpi slt, %mul3A_25, %lt3A : i32
      %convert_element_type3A = arith.extui %lt3A_28 : i1 to i32
      %cond3A = arith.constant 0 : i32
      %cond3A_29 = arith.cmpi ne, %convert_element_type3A, %cond3A : i32
      scf.if %cond3A_29 {
        %gt3A = arith.constant 0 : i32
        %gt3A_42 = arith.cmpi sgt, %mul3A_25, %gt3A : i32
        %convert_element_type3A_43 = arith.extui %gt3A_42 : i1 to i32
        %cond3A_44 = arith.constant 0 : i32
        %cond3A_45 = arith.cmpi ne, %convert_element_type3A_43, %cond3A_44 : i32
        scf.if %cond3A_45 {
          %dma_wait3A_51 = arith.constant 0 : i32
          %dma_wait3A_52 = arith.constant 0 : i32
          %dma_wait3A_53 = tpu.memref_slice %arg15[%dma_wait3A_51, %dma_wait3A_52] : memref<10240x128xf32, #tpu.memory_space<vmem_shared>> -> memref<10240x128xf32, #tpu.memory_space<vmem_shared>>
          tpu.wait_indirect_dma semaphore(%arg17 : memref<!tpu.dma_semaphore, #tpu.memory_space<semaphore_mem>>) src(%arg12 : memref<128x128xf32, #tpu.memory_space<vmem>>) dst(%dma_wait3A_53 : memref<10240x128xf32, #tpu.memory_space<vmem_shared>>)
        } else {
        }
        %add3A_46 = arith.constant 1 : i32
        %add3A_47 = arith.addi %mul3A_25, %add3A_46 : i32
        %mul3A_48 = arith.constant 128 : i32
        %mul3A_49 = arith.muli %add3A_47, %mul3A_48 : i32
        %add3A_50 = arith.addi %mul3A_2, %mul3A_49 : i32
        "tpu.region"() ({
          %run_scoped3A = tpu.sem_alloc : memref<!tpu.dma_semaphore, #tpu.memory_space<semaphore_mem>>
          %dma_start3A_51 = tpu.memref_slice %arg3[%add3A_50] : memref<320000xi32, #tpu.memory_space<hbm>> -> memref<128xi32, #tpu.memory_space<hbm>>
          %dma_start3A_52 = tpu.memref_slice %arg3[%add3A_50] : memref<320000xi32, #tpu.memory_space<hbm>> -> memref<128xi32, #tpu.memory_space<hbm>>
          tpu.enqueue_dma source(%dma_start3A_52 : memref<128xi32, #tpu.memory_space<hbm>>) target(%arg11 : memref<128xi32, #tpu.memory_space<vmem>>) target_semaphore(%run_scoped3A : memref<!tpu.dma_semaphore, #tpu.memory_space<semaphore_mem>>)
          %dma_wait3A_53 = tpu.memref_slice %arg3[%add3A_50] : memref<320000xi32, #tpu.memory_space<hbm>> -> memref<128xi32, #tpu.memory_space<hbm>>
          %dma_wait3A_54 = tpu.memref_slice %arg3[%add3A_50] : memref<320000xi32, #tpu.memory_space<hbm>> -> memref<128xi32, #tpu.memory_space<hbm>>
          tpu.wait_dma2 semaphore(%run_scoped3A : memref<!tpu.dma_semaphore, #tpu.memory_space<semaphore_mem>>) src(%dma_wait3A_54 : memref<128xi32, #tpu.memory_space<hbm>>) dst(%arg11 : memref<128xi32, #tpu.memory_space<vmem>>)
          tpu.yield
        }) : () -> ()
      } else {
      }
      %mul3A_30 = arith.constant 2 : i32
      %mul3A_31 = arith.muli %mul3A_30, %scan3A_23 : i32
      %add3A_32 = arith.constant 1 : i32
      %add3A_33 = arith.addi %mul3A_31, %add3A_32 : i32
      %dma_start3A_34 = arith.constant 0 : i32
      %dma_start3A_35 = arith.constant 0 : i32
      %dma_start3A_36 = tpu.memref_slice %arg15[%dma_start3A_34, %dma_start3A_35] : memref<10240x128xf32, #tpu.memory_space<vmem_shared>> -> memref<10240x128xf32, #tpu.memory_space<vmem_shared>>
      tpu.enqueue_indirect_dma source(%arg12 : memref<128x128xf32, #tpu.memory_space<vmem>>) target(%dma_start3A_36 : memref<10240x128xf32, #tpu.memory_space<vmem_shared>>) offsets(%arg11 : memref<128xi32, #tpu.memory_space<vmem>>) semaphore(%arg17 : memref<!tpu.dma_semaphore, #tpu.memory_space<semaphore_mem>>) {add = true}
      %lt3A_37 = arith.constant 77 : i32
      %lt3A_38 = arith.cmpi slt, %add3A_33, %lt3A_37 : i32
      %convert_element_type3A_39 = arith.extui %lt3A_38 : i1 to i32
      %cond3A_40 = arith.constant 0 : i32
      %cond3A_41 = arith.cmpi ne, %convert_element_type3A_39, %cond3A_40 : i32
      scf.if %cond3A_41 {
        %gt3A = arith.constant 0 : i32
        %gt3A_42 = arith.cmpi sgt, %add3A_33, %gt3A : i32
        %convert_element_type3A_43 = arith.extui %gt3A_42 : i1 to i32
        %cond3A_44 = arith.constant 0 : i32
        %cond3A_45 = arith.cmpi ne, %convert_element_type3A_43, %cond3A_44 : i32
        scf.if %cond3A_45 {
          %dma_wait3A_51 = arith.constant 0 : i32
          %dma_wait3A_52 = arith.constant 0 : i32
          %dma_wait3A_53 = tpu.memref_slice %arg15[%dma_wait3A_51, %dma_wait3A_52] : memref<10240x128xf32, #tpu.memory_space<vmem_shared>> -> memref<10240x128xf32, #tpu.memory_space<vmem_shared>>
          tpu.wait_indirect_dma semaphore(%arg16 : memref<!tpu.dma_semaphore, #tpu.memory_space<semaphore_mem>>) src(%arg9 : memref<128x128xf32, #tpu.memory_space<vmem>>) dst(%dma_wait3A_53 : memref<10240x128xf32, #tpu.memory_space<vmem_shared>>)
        } else {
        }
        %add3A_46 = arith.constant 1 : i32
        %add3A_47 = arith.addi %add3A_33, %add3A_46 : i32
        %mul3A_48 = arith.constant 128 : i32
        %mul3A_49 = arith.muli %add3A_47, %mul3A_48 : i32
        %add3A_50 = arith.addi %mul3A_2, %mul3A_49 : i32
        "tpu.region"() ({
          %run_scoped3A = tpu.sem_alloc : memref<!tpu.dma_semaphore, #tpu.memory_space<semaphore_mem>>
          %dma_start3A_51 = tpu.memref_slice %arg3[%add3A_50] : memref<320000xi32, #tpu.memory_space<hbm>> -> memref<128xi32, #tpu.memory_space<hbm>>
          %dma_start3A_52 = tpu.memref_slice %arg3[%add3A_50] : memref<320000xi32, #tpu.memory_space<hbm>> -> memref<128xi32, #tpu.memory_space<hbm>>
          tpu.enqueue_dma source(%dma_start3A_52 : memref<128xi32, #tpu.memory_space<hbm>>) target(%arg8 : memref<128xi32, #tpu.memory_space<vmem>>) target_semaphore(%run_scoped3A : memref<!tpu.dma_semaphore, #tpu.memory_space<semaphore_mem>>)
          %dma_wait3A_53 = tpu.memref_slice %arg3[%add3A_50] : memref<320000xi32, #tpu.memory_space<hbm>> -> memref<128xi32, #tpu.memory_space<hbm>>
          %dma_wait3A_54 = tpu.memref_slice %arg3[%add3A_50] : memref<320000xi32, #tpu.memory_space<hbm>> -> memref<128xi32, #tpu.memory_space<hbm>>
          tpu.wait_dma2 semaphore(%run_scoped3A : memref<!tpu.dma_semaphore, #tpu.memory_space<semaphore_mem>>) src(%dma_wait3A_54 : memref<128xi32, #tpu.memory_space<hbm>>) dst(%arg8 : memref<128xi32, #tpu.memory_space<vmem>>)
          tpu.yield
        }) : () -> ()
      } else {
      }
    }
    %scan3A_14 = arith.constant 39 : i32
    %dma_wait3A = arith.constant 0 : i32
    %dma_wait3A_15 = arith.constant 0 : i32
    %dma_wait3A_16 = tpu.memref_slice %arg15[%dma_wait3A, %dma_wait3A_15] : memref<10240x128xf32, #tpu.memory_space<vmem_shared>> -> memref<10240x128xf32, #tpu.memory_space<vmem_shared>>
    tpu.wait_indirect_dma semaphore(%arg16 : memref<!tpu.dma_semaphore, #tpu.memory_space<semaphore_mem>>) src(%arg9 : memref<128x128xf32, #tpu.memory_space<vmem>>) dst(%dma_wait3A_16 : memref<10240x128xf32, #tpu.memory_space<vmem_shared>>)
    %dma_wait3A_17 = arith.constant 0 : i32
    %dma_wait3A_18 = arith.constant 0 : i32
    %dma_wait3A_19 = tpu.memref_slice %arg15[%dma_wait3A_17, %dma_wait3A_18] : memref<10240x128xf32, #tpu.memory_space<vmem_shared>> -> memref<10240x128xf32, #tpu.memory_space<vmem_shared>>
    tpu.wait_indirect_dma semaphore(%arg17 : memref<!tpu.dma_semaphore, #tpu.memory_space<semaphore_mem>>) src(%arg12 : memref<128x128xf32, #tpu.memory_space<vmem>>) dst(%dma_wait3A_19 : memref<10240x128xf32, #tpu.memory_space<vmem_shared>>)
    %add3A_20 = arith.constant 9984 : i32
    %add3A_21 = arith.addi %mul3A_2, %add3A_20 : i32
    "tpu.region"() ({
      %run_scoped3A = tpu.sem_alloc : memref<!tpu.dma_semaphore, #tpu.memory_space<semaphore_mem>>
      %dma_start3A = tpu.memref_slice %arg3[%add3A_21] : memref<320000xi32, #tpu.memory_space<hbm>> -> memref<16xi32, #tpu.memory_space<hbm>>
      %dma_start3A_23 = tpu.memref_slice %arg3[%add3A_21] : memref<320000xi32, #tpu.memory_space<hbm>> -> memref<16xi32, #tpu.memory_space<hbm>>
      tpu.enqueue_dma source(%dma_start3A_23 : memref<16xi32, #tpu.memory_space<hbm>>) target(%arg14 : memref<16xi32, #tpu.memory_space<vmem>>) target_semaphore(%run_scoped3A : memref<!tpu.dma_semaphore, #tpu.memory_space<semaphore_mem>>)
      %dma_wait3A_24 = tpu.memref_slice %arg3[%add3A_21] : memref<320000xi32, #tpu.memory_space<hbm>> -> memref<16xi32, #tpu.memory_space<hbm>>
      %dma_wait3A_25 = tpu.memref_slice %arg3[%add3A_21] : memref<320000xi32, #tpu.memory_space<hbm>> -> memref<16xi32, #tpu.memory_space<hbm>>
      tpu.wait_dma2 semaphore(%run_scoped3A : memref<!tpu.dma_semaphore, #tpu.memory_space<semaphore_mem>>) src(%dma_wait3A_25 : memref<16xi32, #tpu.memory_space<hbm>>) dst(%arg14 : memref<16xi32, #tpu.memory_space<vmem>>)
      tpu.yield
    }) : () -> ()
    "tpu.region"() ({
      %run_scoped3A = tpu.sem_alloc : memref<!tpu.dma_semaphore, #tpu.memory_space<semaphore_mem>>
      %dma_start3A = arith.constant 0 : i32
      %dma_start3A_23 = arith.constant 0 : i32
      %dma_start3A_24 = tpu.memref_slice %arg9[%dma_start3A, %dma_start3A_23] : memref<128x128xf32, #tpu.memory_space<vmem>> -> memref<16x128xf32, #tpu.memory_space<vmem>>
      %dma_start3A_25 = arith.constant 0 : i32
      %dma_start3A_26 = arith.constant 0 : i32
      %dma_start3A_27 = tpu.memref_slice %arg15[%dma_start3A_25, %dma_start3A_26] : memref<10240x128xf32, #tpu.memory_space<vmem_shared>> -> memref<10240x128xf32, #tpu.memory_space<vmem_shared>>
      tpu.enqueue_indirect_dma source(%dma_start3A_24 : memref<16x128xf32, #tpu.memory_space<vmem>>) target(%dma_start3A_27 : memref<10240x128xf32, #tpu.memory_space<vmem_shared>>) offsets(%arg14 : memref<16xi32, #tpu.memory_space<vmem>>) semaphore(%run_scoped3A : memref<!tpu.dma_semaphore, #tpu.memory_space<semaphore_mem>>) {add = true}
      %dma_wait3A_28 = arith.constant 0 : i32
      %dma_wait3A_29 = arith.constant 0 : i32
      %dma_wait3A_30 = tpu.memref_slice %arg9[%dma_wait3A_28, %dma_wait3A_29] : memref<128x128xf32, #tpu.memory_space<vmem>> -> memref<16x128xf32, #tpu.memory_space<vmem>>
      %dma_wait3A_31 = arith.constant 0 : i32
      %dma_wait3A_32 = arith.constant 0 : i32
      %dma_wait3A_33 = tpu.memref_slice %arg15[%dma_wait3A_31, %dma_wait3A_32] : memref<10240x128xf32, #tpu.memory_space<vmem_shared>> -> memref<10240x128xf32, #tpu.memory_space<vmem_shared>>
      tpu.wait_indirect_dma semaphore(%run_scoped3A : memref<!tpu.dma_semaphore, #tpu.memory_space<semaphore_mem>>) src(%dma_wait3A_30 : memref<16x128xf32, #tpu.memory_space<vmem>>) dst(%dma_wait3A_33 : memref<10240x128xf32, #tpu.memory_space<vmem_shared>>)
      tpu.yield
    }) : () -> ()
    %barrier3A_22 = arith.constant 0 : index
    tpu.barrier barrier_id(%barrier3A_22)
    "tpu.region"() ({
      %run_scoped3A = tpu.sem_alloc : memref<!tpu.dma_semaphore, #tpu.memory_space<semaphore_mem>>
      %dma_start3A = arith.constant 0 : i32
      %dma_start3A_23 = tpu.memref_slice %arg6[%arg0, %mul3A_4, %dma_start3A] : memref<2x10240x128xf32, #tpu.memory_space<hbm>> -> memref<1x640x128xf32, #tpu.memory_space<hbm>>
      %dma_start3A_24 = tpu.memref_squeeze %dma_start3A_23 : memref<1x640x128xf32, #tpu.memory_space<hbm>> -> memref<640x128xf32, #tpu.memory_space<hbm>>
      %dma_start3A_25 = arith.constant 0 : i32
      %dma_start3A_26 = tpu.memref_slice %arg15[%mul3A_4, %dma_start3A_25] : memref<10240x128xf32, #tpu.memory_space<vmem_shared>> -> memref<640x128xf32, #tpu.memory_space<vmem_shared>>
      tpu.enqueue_dma source(%dma_start3A_26 : memref<640x128xf32, #tpu.memory_space<vmem_shared>>) target(%dma_start3A_24 : memref<640x128xf32, #tpu.memory_space<hbm>>) target_semaphore(%run_scoped3A : memref<!tpu.dma_semaphore, #tpu.memory_space<semaphore_mem>>)
      %dma_wait3A_27 = arith.constant 0 : i32
      %dma_wait3A_28 = tpu.memref_slice %arg6[%arg0, %mul3A_4, %dma_wait3A_27] : memref<2x10240x128xf32, #tpu.memory_space<hbm>> -> memref<1x640x128xf32, #tpu.memory_space<hbm>>
      %dma_wait3A_29 = tpu.memref_squeeze %dma_wait3A_28 : memref<1x640x128xf32, #tpu.memory_space<hbm>> -> memref<640x128xf32, #tpu.memory_space<hbm>>
      %dma_wait3A_30 = arith.constant 0 : i32
      %dma_wait3A_31 = tpu.memref_slice %arg15[%mul3A_4, %dma_wait3A_30] : memref<10240x128xf32, #tpu.memory_space<vmem_shared>> -> memref<640x128xf32, #tpu.memory_space<vmem_shared>>
      tpu.wait_dma2 semaphore(%run_scoped3A : memref<!tpu.dma_semaphore, #tpu.memory_space<semaphore_mem>>) src(%dma_wait3A_31 : memref<640x128xf32, #tpu.memory_space<vmem_shared>>) dst(%dma_wait3A_29 : memref<640x128xf32, #tpu.memory_space<hbm>>)
      tpu.yield
    }) : () -> ()
    return
  }
}

#map = affine_map<(d0, d1) -> (0, 0)>
#map1 = affine_map<(d0, d1) -> (0)>
#map2 = affine_map<(d0, d1) -> (0, 0, 0)>
module attributes {stable_mosaic.version = 14 : i64} {
  func.func @_sc_agg_body(%arg0: i32, %arg1: i32, %arg2: memref<10000x128xf32, #tpu.memory_space<hbm>>, %arg3: memref<320000xi32, #tpu.memory_space<hbm>>, %arg4: memref<320000xi32, #tpu.memory_space<hbm>>, %arg5: memref<640x128xf32, #tpu.memory_space<hbm>>, %arg6: memref<2x10240x128xf32, #tpu.memory_space<hbm>>, %arg7: memref<128xi32, #tpu.memory_space<vmem>>, %arg8: memref<128xi32, #tpu.memory_space<vmem>>, %arg9: memref<128x128xf32, #tpu.memory_space<vmem>>, %arg10: memref<128xi32, #tpu.memory_space<vmem>>, %arg11: memref<128xi32, #tpu.memory_space<vmem>>, %arg12: memref<128x128xf32, #tpu.memory_space<vmem>>, %arg13: memref<16xi32, #tpu.memory_space<vmem>>, %arg14: memref<16xi32, #tpu.memory_space<vmem>>, %arg15: memref<16x128xf32, #tpu.memory_space<vmem>>, %arg16: memref<10240x128xf32, #tpu.memory_space<vmem_shared>>, %arg17: memref<!tpu.dma_semaphore, #tpu.memory_space<semaphore_mem>>, %arg18: memref<!tpu.dma_semaphore, #tpu.memory_space<semaphore_mem>>, %arg19: memref<!tpu.dma_semaphore, #tpu.memory_space<semaphore_mem>>, %arg20: memref<!tpu.dma_semaphore, #tpu.memory_space<semaphore_mem>>) attributes {dimension_semantics = [#tpu.dimension_semantics<core_parallel>, #tpu.dimension_semantics<subcore_parallel>], iteration_bounds = array<i64: 2, 16>, scalar_prefetch = 0 : i64, scratch_operands = 14 : i64, tpu.core_type = #tpu.core_type<sc_vector_subcore>, window_params = [{transform_indices = #map}, {transform_indices = #map1}, {transform_indices = #map1}, {transform_indices = #map}, {transform_indices = #map2}]} {
    %mul3A = arith.constant 16 : i32
    %mul3A_0 = arith.muli %arg0, %mul3A : i32
    %add3A = arith.addi %mul3A_0, %arg1 : i32
    %mul3A_1 = arith.constant 10000 : i32
    %mul3A_2 = arith.muli %add3A, %mul3A_1 : i32
    %mul3A_3 = arith.constant 640 : i32
    %mul3A_4 = arith.muli %arg1, %mul3A_3 : i32
    "tpu.region"() ({
      %run_scoped3A = tpu.sem_alloc : memref<!tpu.dma_semaphore, #tpu.memory_space<semaphore_mem>>
      %dma_start3A_36 = arith.constant 0 : i32
      %dma_start3A_37 = tpu.memref_slice %arg16[%mul3A_4, %dma_start3A_36] : memref<10240x128xf32, #tpu.memory_space<vmem_shared>> -> memref<640x128xf32, #tpu.memory_space<vmem_shared>>
      tpu.enqueue_dma source(%arg5 : memref<640x128xf32, #tpu.memory_space<hbm>>) target(%dma_start3A_37 : memref<640x128xf32, #tpu.memory_space<vmem_shared>>) target_semaphore(%run_scoped3A : memref<!tpu.dma_semaphore, #tpu.memory_space<semaphore_mem>>)
      %dma_wait3A_38 = arith.constant 0 : i32
      %dma_wait3A_39 = tpu.memref_slice %arg16[%mul3A_4, %dma_wait3A_38] : memref<10240x128xf32, #tpu.memory_space<vmem_shared>> -> memref<640x128xf32, #tpu.memory_space<vmem_shared>>
      tpu.wait_dma2 semaphore(%run_scoped3A : memref<!tpu.dma_semaphore, #tpu.memory_space<semaphore_mem>>) src(%arg5 : memref<640x128xf32, #tpu.memory_space<hbm>>) dst(%dma_wait3A_39 : memref<640x128xf32, #tpu.memory_space<vmem_shared>>)
      tpu.yield
    }) : () -> ()
    %barrier3A = arith.constant 0 : index
    tpu.barrier barrier_id(%barrier3A)
    %add3A_5 = arith.constant 0 : i32
    %add3A_6 = arith.addi %mul3A_2, %add3A_5 : i32
    %dma_start3A = tpu.memref_slice %arg3[%add3A_6] : memref<320000xi32, #tpu.memory_space<hbm>> -> memref<128xi32, #tpu.memory_space<hbm>>
    %dma_start3A_7 = tpu.memref_slice %arg3[%add3A_6] : memref<320000xi32, #tpu.memory_space<hbm>> -> memref<128xi32, #tpu.memory_space<hbm>>
    tpu.enqueue_dma source(%dma_start3A_7 : memref<128xi32, #tpu.memory_space<hbm>>) target(%arg7 : memref<128xi32, #tpu.memory_space<vmem>>) target_semaphore(%arg19 : memref<!tpu.dma_semaphore, #tpu.memory_space<semaphore_mem>>)
    %dma_start3A_8 = tpu.memref_slice %arg4[%add3A_6] : memref<320000xi32, #tpu.memory_space<hbm>> -> memref<128xi32, #tpu.memory_space<hbm>>
    %dma_start3A_9 = tpu.memref_slice %arg4[%add3A_6] : memref<320000xi32, #tpu.memory_space<hbm>> -> memref<128xi32, #tpu.memory_space<hbm>>
    tpu.enqueue_dma source(%dma_start3A_9 : memref<128xi32, #tpu.memory_space<hbm>>) target(%arg8 : memref<128xi32, #tpu.memory_space<vmem>>) target_semaphore(%arg19 : memref<!tpu.dma_semaphore, #tpu.memory_space<semaphore_mem>>)
    %dma_wait3A = tpu.memref_slice %arg3[%mul3A_2] : memref<320000xi32, #tpu.memory_space<hbm>> -> memref<128xi32, #tpu.memory_space<hbm>>
    %dma_wait3A_10 = tpu.memref_slice %arg3[%mul3A_2] : memref<320000xi32, #tpu.memory_space<hbm>> -> memref<128xi32, #tpu.memory_space<hbm>>
    tpu.wait_dma2 semaphore(%arg19 : memref<!tpu.dma_semaphore, #tpu.memory_space<semaphore_mem>>) src(%dma_wait3A_10 : memref<128xi32, #tpu.memory_space<hbm>>) dst(%arg7 : memref<128xi32, #tpu.memory_space<vmem>>)
    %dma_wait3A_11 = tpu.memref_slice %arg4[%mul3A_2] : memref<320000xi32, #tpu.memory_space<hbm>> -> memref<128xi32, #tpu.memory_space<hbm>>
    %dma_wait3A_12 = tpu.memref_slice %arg4[%mul3A_2] : memref<320000xi32, #tpu.memory_space<hbm>> -> memref<128xi32, #tpu.memory_space<hbm>>
    tpu.wait_dma2 semaphore(%arg19 : memref<!tpu.dma_semaphore, #tpu.memory_space<semaphore_mem>>) src(%dma_wait3A_12 : memref<128xi32, #tpu.memory_space<hbm>>) dst(%arg8 : memref<128xi32, #tpu.memory_space<vmem>>)
    %dma_start3A_13 = arith.constant 0 : i32
    %dma_start3A_14 = arith.constant 0 : i32
    %dma_start3A_15 = tpu.memref_slice %arg2[%dma_start3A_13, %dma_start3A_14] : memref<10000x128xf32, #tpu.memory_space<hbm>> -> memref<10000x128xf32, #tpu.memory_space<hbm>>
    tpu.enqueue_indirect_dma source(%dma_start3A_15 : memref<10000x128xf32, #tpu.memory_space<hbm>>) target(%arg9 : memref<128x128xf32, #tpu.memory_space<vmem>>) offsets(%arg7 : memref<128xi32, #tpu.memory_space<vmem>>) semaphore(%arg17 : memref<!tpu.dma_semaphore, #tpu.memory_space<semaphore_mem>>)
    %add3A_16 = arith.constant 128 : i32
    %add3A_17 = arith.addi %mul3A_2, %add3A_16 : i32
    %dma_start3A_18 = tpu.memref_slice %arg3[%add3A_17] : memref<320000xi32, #tpu.memory_space<hbm>> -> memref<128xi32, #tpu.memory_space<hbm>>
    %dma_start3A_19 = tpu.memref_slice %arg3[%add3A_17] : memref<320000xi32, #tpu.memory_space<hbm>> -> memref<128xi32, #tpu.memory_space<hbm>>
    tpu.enqueue_dma source(%dma_start3A_19 : memref<128xi32, #tpu.memory_space<hbm>>) target(%arg10 : memref<128xi32, #tpu.memory_space<vmem>>) target_semaphore(%arg20 : memref<!tpu.dma_semaphore, #tpu.memory_space<semaphore_mem>>)
    %dma_start3A_20 = tpu.memref_slice %arg4[%add3A_17] : memref<320000xi32, #tpu.memory_space<hbm>> -> memref<128xi32, #tpu.memory_space<hbm>>
    %dma_start3A_21 = tpu.memref_slice %arg4[%add3A_17] : memref<320000xi32, #tpu.memory_space<hbm>> -> memref<128xi32, #tpu.memory_space<hbm>>
    tpu.enqueue_dma source(%dma_start3A_21 : memref<128xi32, #tpu.memory_space<hbm>>) target(%arg11 : memref<128xi32, #tpu.memory_space<vmem>>) target_semaphore(%arg20 : memref<!tpu.dma_semaphore, #tpu.memory_space<semaphore_mem>>)
    %scan3A = arith.constant 0 : i32
    %scan3A_22 = arith.constant 0 : i32
    %scan3A_23 = arith.constant 39 : i32
    %scan3A_24 = arith.addi %scan3A_22, %scan3A_23 : i32
    %scan3A_25 = arith.constant 1 : i32
    scf.for %scan3A_36 = %scan3A_22 to %scan3A_24 step %scan3A_25  : i32 {
      %mul3A_37 = arith.constant 2 : i32
      %mul3A_38 = arith.muli %mul3A_37, %scan3A_36 : i32
      %lt3A = arith.constant 77 : i32
      %lt3A_39 = arith.cmpi slt, %mul3A_38, %lt3A : i32
      %convert_element_type3A = arith.extui %lt3A_39 : i1 to i32
      %cond3A = arith.constant 0 : i32
      %cond3A_40 = arith.cmpi ne, %convert_element_type3A, %cond3A : i32
      scf.if %cond3A_40 {
        %dma_wait3A_66 = tpu.memref_slice %arg3[%mul3A_2] : memref<320000xi32, #tpu.memory_space<hbm>> -> memref<128xi32, #tpu.memory_space<hbm>>
        %dma_wait3A_67 = tpu.memref_slice %arg3[%mul3A_2] : memref<320000xi32, #tpu.memory_space<hbm>> -> memref<128xi32, #tpu.memory_space<hbm>>
        tpu.wait_dma2 semaphore(%arg20 : memref<!tpu.dma_semaphore, #tpu.memory_space<semaphore_mem>>) src(%dma_wait3A_67 : memref<128xi32, #tpu.memory_space<hbm>>) dst(%arg10 : memref<128xi32, #tpu.memory_space<vmem>>)
        %dma_wait3A_68 = tpu.memref_slice %arg4[%mul3A_2] : memref<320000xi32, #tpu.memory_space<hbm>> -> memref<128xi32, #tpu.memory_space<hbm>>
        %dma_wait3A_69 = tpu.memref_slice %arg4[%mul3A_2] : memref<320000xi32, #tpu.memory_space<hbm>> -> memref<128xi32, #tpu.memory_space<hbm>>
        tpu.wait_dma2 semaphore(%arg20 : memref<!tpu.dma_semaphore, #tpu.memory_space<semaphore_mem>>) src(%dma_wait3A_69 : memref<128xi32, #tpu.memory_space<hbm>>) dst(%arg11 : memref<128xi32, #tpu.memory_space<vmem>>)
        %dma_start3A_70 = arith.constant 0 : i32
        %dma_start3A_71 = arith.constant 0 : i32
        %dma_start3A_72 = tpu.memref_slice %arg2[%dma_start3A_70, %dma_start3A_71] : memref<10000x128xf32, #tpu.memory_space<hbm>> -> memref<10000x128xf32, #tpu.memory_space<hbm>>
        tpu.enqueue_indirect_dma source(%dma_start3A_72 : memref<10000x128xf32, #tpu.memory_space<hbm>>) target(%arg12 : memref<128x128xf32, #tpu.memory_space<vmem>>) offsets(%arg10 : memref<128xi32, #tpu.memory_space<vmem>>) semaphore(%arg18 : memref<!tpu.dma_semaphore, #tpu.memory_space<semaphore_mem>>)
      } else {
      }
      %dma_wait3A_41 = arith.constant 0 : i32
      %dma_wait3A_42 = arith.constant 0 : i32
      %dma_wait3A_43 = tpu.memref_slice %arg2[%dma_wait3A_41, %dma_wait3A_42] : memref<10000x128xf32, #tpu.memory_space<hbm>> -> memref<10000x128xf32, #tpu.memory_space<hbm>>
      tpu.wait_indirect_dma semaphore(%arg17 : memref<!tpu.dma_semaphore, #tpu.memory_space<semaphore_mem>>) src(%dma_wait3A_43 : memref<10000x128xf32, #tpu.memory_space<hbm>>) dst(%arg9 : memref<128x128xf32, #tpu.memory_space<vmem>>)
      "tpu.region"() ({
        %run_scoped3A = tpu.sem_alloc : memref<!tpu.dma_semaphore, #tpu.memory_space<semaphore_mem>>
        %dma_start3A_66 = arith.constant 0 : i32
        %dma_start3A_67 = arith.constant 0 : i32
        %dma_start3A_68 = tpu.memref_slice %arg16[%dma_start3A_66, %dma_start3A_67] : memref<10240x128xf32, #tpu.memory_space<vmem_shared>> -> memref<10240x128xf32, #tpu.memory_space<vmem_shared>>
        tpu.enqueue_indirect_dma source(%arg9 : memref<128x128xf32, #tpu.memory_space<vmem>>) target(%dma_start3A_68 : memref<10240x128xf32, #tpu.memory_space<vmem_shared>>) offsets(%arg8 : memref<128xi32, #tpu.memory_space<vmem>>) semaphore(%run_scoped3A : memref<!tpu.dma_semaphore, #tpu.memory_space<semaphore_mem>>) {add = true}
        %dma_wait3A_69 = arith.constant 0 : i32
        %dma_wait3A_70 = arith.constant 0 : i32
        %dma_wait3A_71 = tpu.memref_slice %arg16[%dma_wait3A_69, %dma_wait3A_70] : memref<10240x128xf32, #tpu.memory_space<vmem_shared>> -> memref<10240x128xf32, #tpu.memory_space<vmem_shared>>
        tpu.wait_indirect_dma semaphore(%run_scoped3A : memref<!tpu.dma_semaphore, #tpu.memory_space<semaphore_mem>>) src(%arg9 : memref<128x128xf32, #tpu.memory_space<vmem>>) dst(%dma_wait3A_71 : memref<10240x128xf32, #tpu.memory_space<vmem_shared>>)
        tpu.yield
      }) : () -> ()
      %lt3A_44 = arith.constant 76 : i32
      %lt3A_45 = arith.cmpi slt, %mul3A_38, %lt3A_44 : i32
      %convert_element_type3A_46 = arith.extui %lt3A_45 : i1 to i32
      %cond3A_47 = arith.constant 0 : i32
      %cond3A_48 = arith.cmpi ne, %convert_element_type3A_46, %cond3A_47 : i32
      scf.if %cond3A_48 {
        %add3A_66 = arith.constant 2 : i32
        %add3A_67 = arith.addi %mul3A_38, %add3A_66 : i32
        %mul3A_68 = arith.constant 128 : i32
        %mul3A_69 = arith.muli %add3A_67, %mul3A_68 : i32
        %add3A_70 = arith.addi %mul3A_2, %mul3A_69 : i32
        %dma_start3A_71 = tpu.memref_slice %arg3[%add3A_70] : memref<320000xi32, #tpu.memory_space<hbm>> -> memref<128xi32, #tpu.memory_space<hbm>>
        %dma_start3A_72 = tpu.memref_slice %arg3[%add3A_70] : memref<320000xi32, #tpu.memory_space<hbm>> -> memref<128xi32, #tpu.memory_space<hbm>>
        tpu.enqueue_dma source(%dma_start3A_72 : memref<128xi32, #tpu.memory_space<hbm>>) target(%arg7 : memref<128xi32, #tpu.memory_space<vmem>>) target_semaphore(%arg19 : memref<!tpu.dma_semaphore, #tpu.memory_space<semaphore_mem>>)
        %dma_start3A_73 = tpu.memref_slice %arg4[%add3A_70] : memref<320000xi32, #tpu.memory_space<hbm>> -> memref<128xi32, #tpu.memory_space<hbm>>
        %dma_start3A_74 = tpu.memref_slice %arg4[%add3A_70] : memref<320000xi32, #tpu.memory_space<hbm>> -> memref<128xi32, #tpu.memory_space<hbm>>
        tpu.enqueue_dma source(%dma_start3A_74 : memref<128xi32, #tpu.memory_space<hbm>>) target(%arg8 : memref<128xi32, #tpu.memory_space<vmem>>) target_semaphore(%arg19 : memref<!tpu.dma_semaphore, #tpu.memory_space<semaphore_mem>>)
      } else {
      }
      %mul3A_49 = arith.constant 2 : i32
      %mul3A_50 = arith.muli %mul3A_49, %scan3A_36 : i32
      %add3A_51 = arith.constant 1 : i32
      %add3A_52 = arith.addi %mul3A_50, %add3A_51 : i32
      %lt3A_53 = arith.constant 77 : i32
      %lt3A_54 = arith.cmpi slt, %add3A_52, %lt3A_53 : i32
      %convert_element_type3A_55 = arith.extui %lt3A_54 : i1 to i32
      %cond3A_56 = arith.constant 0 : i32
      %cond3A_57 = arith.cmpi ne, %convert_element_type3A_55, %cond3A_56 : i32
      scf.if %cond3A_57 {
        %dma_wait3A_66 = tpu.memref_slice %arg3[%mul3A_2] : memref<320000xi32, #tpu.memory_space<hbm>> -> memref<128xi32, #tpu.memory_space<hbm>>
        %dma_wait3A_67 = tpu.memref_slice %arg3[%mul3A_2] : memref<320000xi32, #tpu.memory_space<hbm>> -> memref<128xi32, #tpu.memory_space<hbm>>
        tpu.wait_dma2 semaphore(%arg19 : memref<!tpu.dma_semaphore, #tpu.memory_space<semaphore_mem>>) src(%dma_wait3A_67 : memref<128xi32, #tpu.memory_space<hbm>>) dst(%arg7 : memref<128xi32, #tpu.memory_space<vmem>>)
        %dma_wait3A_68 = tpu.memref_slice %arg4[%mul3A_2] : memref<320000xi32, #tpu.memory_space<hbm>> -> memref<128xi32, #tpu.memory_space<hbm>>
        %dma_wait3A_69 = tpu.memref_slice %arg4[%mul3A_2] : memref<320000xi32, #tpu.memory_space<hbm>> -> memref<128xi32, #tpu.memory_space<hbm>>
        tpu.wait_dma2 semaphore(%arg19 : memref<!tpu.dma_semaphore, #tpu.memory_space<semaphore_mem>>) src(%dma_wait3A_69 : memref<128xi32, #tpu.memory_space<hbm>>) dst(%arg8 : memref<128xi32, #tpu.memory_space<vmem>>)
        %dma_start3A_70 = arith.constant 0 : i32
        %dma_start3A_71 = arith.constant 0 : i32
        %dma_start3A_72 = tpu.memref_slice %arg2[%dma_start3A_70, %dma_start3A_71] : memref<10000x128xf32, #tpu.memory_space<hbm>> -> memref<10000x128xf32, #tpu.memory_space<hbm>>
        tpu.enqueue_indirect_dma source(%dma_start3A_72 : memref<10000x128xf32, #tpu.memory_space<hbm>>) target(%arg9 : memref<128x128xf32, #tpu.memory_space<vmem>>) offsets(%arg7 : memref<128xi32, #tpu.memory_space<vmem>>) semaphore(%arg17 : memref<!tpu.dma_semaphore, #tpu.memory_space<semaphore_mem>>)
      } else {
      }
      %dma_wait3A_58 = arith.constant 0 : i32
      %dma_wait3A_59 = arith.constant 0 : i32
      %dma_wait3A_60 = tpu.memref_slice %arg2[%dma_wait3A_58, %dma_wait3A_59] : memref<10000x128xf32, #tpu.memory_space<hbm>> -> memref<10000x128xf32, #tpu.memory_space<hbm>>
      tpu.wait_indirect_dma semaphore(%arg18 : memref<!tpu.dma_semaphore, #tpu.memory_space<semaphore_mem>>) src(%dma_wait3A_60 : memref<10000x128xf32, #tpu.memory_space<hbm>>) dst(%arg12 : memref<128x128xf32, #tpu.memory_space<vmem>>)
      "tpu.region"() ({
        %run_scoped3A = tpu.sem_alloc : memref<!tpu.dma_semaphore, #tpu.memory_space<semaphore_mem>>
        %dma_start3A_66 = arith.constant 0 : i32
        %dma_start3A_67 = arith.constant 0 : i32
        %dma_start3A_68 = tpu.memref_slice %arg16[%dma_start3A_66, %dma_start3A_67] : memref<10240x128xf32, #tpu.memory_space<vmem_shared>> -> memref<10240x128xf32, #tpu.memory_space<vmem_shared>>
        tpu.enqueue_indirect_dma source(%arg12 : memref<128x128xf32, #tpu.memory_space<vmem>>) target(%dma_start3A_68 : memref<10240x128xf32, #tpu.memory_space<vmem_shared>>) offsets(%arg11 : memref<128xi32, #tpu.memory_space<vmem>>) semaphore(%run_scoped3A : memref<!tpu.dma_semaphore, #tpu.memory_space<semaphore_mem>>) {add = true}
        %dma_wait3A_69 = arith.constant 0 : i32
        %dma_wait3A_70 = arith.constant 0 : i32
        %dma_wait3A_71 = tpu.memref_slice %arg16[%dma_wait3A_69, %dma_wait3A_70] : memref<10240x128xf32, #tpu.memory_space<vmem_shared>> -> memref<10240x128xf32, #tpu.memory_space<vmem_shared>>
        tpu.wait_indirect_dma semaphore(%run_scoped3A : memref<!tpu.dma_semaphore, #tpu.memory_space<semaphore_mem>>) src(%arg12 : memref<128x128xf32, #tpu.memory_space<vmem>>) dst(%dma_wait3A_71 : memref<10240x128xf32, #tpu.memory_space<vmem_shared>>)
        tpu.yield
      }) : () -> ()
      %lt3A_61 = arith.constant 76 : i32
      %lt3A_62 = arith.cmpi slt, %add3A_52, %lt3A_61 : i32
      %convert_element_type3A_63 = arith.extui %lt3A_62 : i1 to i32
      %cond3A_64 = arith.constant 0 : i32
      %cond3A_65 = arith.cmpi ne, %convert_element_type3A_63, %cond3A_64 : i32
      scf.if %cond3A_65 {
        %add3A_66 = arith.constant 2 : i32
        %add3A_67 = arith.addi %add3A_52, %add3A_66 : i32
        %mul3A_68 = arith.constant 128 : i32
        %mul3A_69 = arith.muli %add3A_67, %mul3A_68 : i32
        %add3A_70 = arith.addi %mul3A_2, %mul3A_69 : i32
        %dma_start3A_71 = tpu.memref_slice %arg3[%add3A_70] : memref<320000xi32, #tpu.memory_space<hbm>> -> memref<128xi32, #tpu.memory_space<hbm>>
        %dma_start3A_72 = tpu.memref_slice %arg3[%add3A_70] : memref<320000xi32, #tpu.memory_space<hbm>> -> memref<128xi32, #tpu.memory_space<hbm>>
        tpu.enqueue_dma source(%dma_start3A_72 : memref<128xi32, #tpu.memory_space<hbm>>) target(%arg10 : memref<128xi32, #tpu.memory_space<vmem>>) target_semaphore(%arg20 : memref<!tpu.dma_semaphore, #tpu.memory_space<semaphore_mem>>)
        %dma_start3A_73 = tpu.memref_slice %arg4[%add3A_70] : memref<320000xi32, #tpu.memory_space<hbm>> -> memref<128xi32, #tpu.memory_space<hbm>>
        %dma_start3A_74 = tpu.memref_slice %arg4[%add3A_70] : memref<320000xi32, #tpu.memory_space<hbm>> -> memref<128xi32, #tpu.memory_space<hbm>>
        tpu.enqueue_dma source(%dma_start3A_74 : memref<128xi32, #tpu.memory_space<hbm>>) target(%arg11 : memref<128xi32, #tpu.memory_space<vmem>>) target_semaphore(%arg20 : memref<!tpu.dma_semaphore, #tpu.memory_space<semaphore_mem>>)
      } else {
      }
    }
    %scan3A_26 = arith.constant 39 : i32
    %add3A_27 = arith.constant 9984 : i32
    %add3A_28 = arith.addi %mul3A_2, %add3A_27 : i32
    "tpu.region"() ({
      %run_scoped3A = tpu.sem_alloc : memref<!tpu.dma_semaphore, #tpu.memory_space<semaphore_mem>>
      %dma_start3A_36 = tpu.memref_slice %arg3[%add3A_28] : memref<320000xi32, #tpu.memory_space<hbm>> -> memref<16xi32, #tpu.memory_space<hbm>>
      %dma_start3A_37 = tpu.memref_slice %arg3[%add3A_28] : memref<320000xi32, #tpu.memory_space<hbm>> -> memref<16xi32, #tpu.memory_space<hbm>>
      tpu.enqueue_dma source(%dma_start3A_37 : memref<16xi32, #tpu.memory_space<hbm>>) target(%arg13 : memref<16xi32, #tpu.memory_space<vmem>>) target_semaphore(%run_scoped3A : memref<!tpu.dma_semaphore, #tpu.memory_space<semaphore_mem>>)
      %dma_wait3A_38 = tpu.memref_slice %arg3[%add3A_28] : memref<320000xi32, #tpu.memory_space<hbm>> -> memref<16xi32, #tpu.memory_space<hbm>>
      %dma_wait3A_39 = tpu.memref_slice %arg3[%add3A_28] : memref<320000xi32, #tpu.memory_space<hbm>> -> memref<16xi32, #tpu.memory_space<hbm>>
      tpu.wait_dma2 semaphore(%run_scoped3A : memref<!tpu.dma_semaphore, #tpu.memory_space<semaphore_mem>>) src(%dma_wait3A_39 : memref<16xi32, #tpu.memory_space<hbm>>) dst(%arg13 : memref<16xi32, #tpu.memory_space<vmem>>)
      tpu.yield
    }) : () -> ()
    "tpu.region"() ({
      %run_scoped3A = tpu.sem_alloc : memref<!tpu.dma_semaphore, #tpu.memory_space<semaphore_mem>>
      %dma_start3A_36 = tpu.memref_slice %arg4[%add3A_28] : memref<320000xi32, #tpu.memory_space<hbm>> -> memref<16xi32, #tpu.memory_space<hbm>>
      %dma_start3A_37 = tpu.memref_slice %arg4[%add3A_28] : memref<320000xi32, #tpu.memory_space<hbm>> -> memref<16xi32, #tpu.memory_space<hbm>>
      tpu.enqueue_dma source(%dma_start3A_37 : memref<16xi32, #tpu.memory_space<hbm>>) target(%arg14 : memref<16xi32, #tpu.memory_space<vmem>>) target_semaphore(%run_scoped3A : memref<!tpu.dma_semaphore, #tpu.memory_space<semaphore_mem>>)
      %dma_wait3A_38 = tpu.memref_slice %arg4[%add3A_28] : memref<320000xi32, #tpu.memory_space<hbm>> -> memref<16xi32, #tpu.memory_space<hbm>>
      %dma_wait3A_39 = tpu.memref_slice %arg4[%add3A_28] : memref<320000xi32, #tpu.memory_space<hbm>> -> memref<16xi32, #tpu.memory_space<hbm>>
      tpu.wait_dma2 semaphore(%run_scoped3A : memref<!tpu.dma_semaphore, #tpu.memory_space<semaphore_mem>>) src(%dma_wait3A_39 : memref<16xi32, #tpu.memory_space<hbm>>) dst(%arg14 : memref<16xi32, #tpu.memory_space<vmem>>)
      tpu.yield
    }) : () -> ()
    %dma_start3A_29 = arith.constant 0 : i32
    %dma_start3A_30 = arith.constant 0 : i32
    %dma_start3A_31 = tpu.memref_slice %arg2[%dma_start3A_29, %dma_start3A_30] : memref<10000x128xf32, #tpu.memory_space<hbm>> -> memref<10000x128xf32, #tpu.memory_space<hbm>>
    tpu.enqueue_indirect_dma source(%dma_start3A_31 : memref<10000x128xf32, #tpu.memory_space<hbm>>) target(%arg15 : memref<16x128xf32, #tpu.memory_space<vmem>>) offsets(%arg13 : memref<16xi32, #tpu.memory_space<vmem>>) semaphore(%arg17 : memref<!tpu.dma_semaphore, #tpu.memory_space<semaphore_mem>>)
    %dma_wait3A_32 = arith.constant 0 : i32
    %dma_wait3A_33 = arith.constant 0 : i32
    %dma_wait3A_34 = tpu.memref_slice %arg2[%dma_wait3A_32, %dma_wait3A_33] : memref<10000x128xf32, #tpu.memory_space<hbm>> -> memref<10000x128xf32, #tpu.memory_space<hbm>>
    tpu.wait_indirect_dma semaphore(%arg17 : memref<!tpu.dma_semaphore, #tpu.memory_space<semaphore_mem>>) src(%dma_wait3A_34 : memref<10000x128xf32, #tpu.memory_space<hbm>>) dst(%arg15 : memref<16x128xf32, #tpu.memory_space<vmem>>)
    "tpu.region"() ({
      %run_scoped3A = tpu.sem_alloc : memref<!tpu.dma_semaphore, #tpu.memory_space<semaphore_mem>>
      %dma_start3A_36 = arith.constant 0 : i32
      %dma_start3A_37 = arith.constant 0 : i32
      %dma_start3A_38 = tpu.memref_slice %arg16[%dma_start3A_36, %dma_start3A_37] : memref<10240x128xf32, #tpu.memory_space<vmem_shared>> -> memref<10240x128xf32, #tpu.memory_space<vmem_shared>>
      tpu.enqueue_indirect_dma source(%arg15 : memref<16x128xf32, #tpu.memory_space<vmem>>) target(%dma_start3A_38 : memref<10240x128xf32, #tpu.memory_space<vmem_shared>>) offsets(%arg14 : memref<16xi32, #tpu.memory_space<vmem>>) semaphore(%run_scoped3A : memref<!tpu.dma_semaphore, #tpu.memory_space<semaphore_mem>>) {add = true}
      %dma_wait3A_39 = arith.constant 0 : i32
      %dma_wait3A_40 = arith.constant 0 : i32
      %dma_wait3A_41 = tpu.memref_slice %arg16[%dma_wait3A_39, %dma_wait3A_40] : memref<10240x128xf32, #tpu.memory_space<vmem_shared>> -> memref<10240x128xf32, #tpu.memory_space<vmem_shared>>
      tpu.wait_indirect_dma semaphore(%run_scoped3A : memref<!tpu.dma_semaphore, #tpu.memory_space<semaphore_mem>>) src(%arg15 : memref<16x128xf32, #tpu.memory_space<vmem>>) dst(%dma_wait3A_41 : memref<10240x128xf32, #tpu.memory_space<vmem_shared>>)
      tpu.yield
    }) : () -> ()
    %barrier3A_35 = arith.constant 0 : index
    tpu.barrier barrier_id(%barrier3A_35)
    "tpu.region"() ({
      %run_scoped3A = tpu.sem_alloc : memref<!tpu.dma_semaphore, #tpu.memory_space<semaphore_mem>>
      %dma_start3A_36 = arith.constant 0 : i32
      %dma_start3A_37 = tpu.memref_slice %arg6[%arg0, %mul3A_4, %dma_start3A_36] : memref<2x10240x128xf32, #tpu.memory_space<hbm>> -> memref<1x640x128xf32, #tpu.memory_space<hbm>>
      %dma_start3A_38 = tpu.memref_squeeze %dma_start3A_37 : memref<1x640x128xf32, #tpu.memory_space<hbm>> -> memref<640x128xf32, #tpu.memory_space<hbm>>
      %dma_start3A_39 = arith.constant 0 : i32
      %dma_start3A_40 = tpu.memref_slice %arg16[%mul3A_4, %dma_start3A_39] : memref<10240x128xf32, #tpu.memory_space<vmem_shared>> -> memref<640x128xf32, #tpu.memory_space<vmem_shared>>
      tpu.enqueue_dma source(%dma_start3A_40 : memref<640x128xf32, #tpu.memory_space<vmem_shared>>) target(%dma_start3A_38 : memref<640x128xf32, #tpu.memory_space<hbm>>) target_semaphore(%run_scoped3A : memref<!tpu.dma_semaphore, #tpu.memory_space<semaphore_mem>>)
      %dma_wait3A_41 = arith.constant 0 : i32
      %dma_wait3A_42 = tpu.memref_slice %arg6[%arg0, %mul3A_4, %dma_wait3A_41] : memref<2x10240x128xf32, #tpu.memory_space<hbm>> -> memref<1x640x128xf32, #tpu.memory_space<hbm>>
      %dma_wait3A_43 = tpu.memref_squeeze %dma_wait3A_42 : memref<1x640x128xf32, #tpu.memory_space<hbm>> -> memref<640x128xf32, #tpu.memory_space<hbm>>
      %dma_wait3A_44 = arith.constant 0 : i32
      %dma_wait3A_45 = tpu.memref_slice %arg16[%mul3A_4, %dma_wait3A_44] : memref<10240x128xf32, #tpu.memory_space<vmem_shared>> -> memref<640x128xf32, #tpu.memory_space<vmem_shared>>
      tpu.wait_dma2 semaphore(%run_scoped3A : memref<!tpu.dma_semaphore, #tpu.memory_space<semaphore_mem>>) src(%dma_wait3A_45 : memref<640x128xf32, #tpu.memory_space<vmem_shared>>) dst(%dma_wait3A_43 : memref<640x128xf32, #tpu.memory_space<hbm>>)
      tpu.yield
    }) : () -> ()
    return
  }
}

#map = affine_map<(d0, d1) -> (0)>
#map1 = affine_map<(d0, d1) -> (0, 0)>
#map2 = affine_map<(d0, d1) -> (0, 0, 0)>
module attributes {stable_mosaic.version = 14 : i64} {
  func.func @_sc_aux_body(%arg0: i32, %arg1: i32, %arg2: memref<320000xi32, #tpu.memory_space<hbm>>, %arg3: memref<320000xi32, #tpu.memory_space<hbm>>, %arg4: memref<10000xf32, #tpu.memory_space<hbm>>, %arg5: memref<640x128xf32, #tpu.memory_space<hbm>>, %arg6: memref<2x10240x128xf32, #tpu.memory_space<hbm>>, %arg7: memref<128xi32, #tpu.memory_space<vmem>>, %arg8: memref<128xi32, #tpu.memory_space<vmem>>, %arg9: memref<128x128xf32, #tpu.memory_space<vmem>>, %arg10: memref<128xi32, #tpu.memory_space<vmem>>, %arg11: memref<128xi32, #tpu.memory_space<vmem>>, %arg12: memref<128x128xf32, #tpu.memory_space<vmem>>, %arg13: memref<16xi32, #tpu.memory_space<vmem>>, %arg14: memref<16xi32, #tpu.memory_space<vmem>>, %arg15: memref<10240x128xf32, #tpu.memory_space<vmem_shared>>, %arg16: memref<!tpu.dma_semaphore, #tpu.memory_space<semaphore_mem>>, %arg17: memref<!tpu.dma_semaphore, #tpu.memory_space<semaphore_mem>>, %arg18: memref<10000xf32, #tpu.memory_space<vmem>>) attributes {dimension_semantics = [#tpu.dimension_semantics<core_parallel>, #tpu.dimension_semantics<subcore_parallel>], iteration_bounds = array<i64: 2, 16>, scalar_prefetch = 0 : i64, scratch_operands = 12 : i64, tpu.core_type = #tpu.core_type<sc_vector_subcore>, window_params = [{transform_indices = #map}, {transform_indices = #map}, {transform_indices = #map}, {transform_indices = #map1}, {transform_indices = #map2}]} {
    %mul3A = arith.constant 16 : i32
    %mul3A_0 = arith.muli %arg0, %mul3A : i32
    %add3A = arith.addi %mul3A_0, %arg1 : i32
    %mul3A_1 = arith.constant 10000 : i32
    %mul3A_2 = arith.muli %add3A, %mul3A_1 : i32
    %mul3A_3 = arith.constant 640 : i32
    %mul3A_4 = arith.muli %arg1, %mul3A_3 : i32
    "tpu.region"() ({
      %run_scoped3A = tpu.sem_alloc : memref<!tpu.dma_semaphore, #tpu.memory_space<semaphore_mem>>
      %dma_start3A = arith.constant 0 : i32
      %dma_start3A_72 = tpu.memref_slice %arg15[%mul3A_4, %dma_start3A] : memref<10240x128xf32, #tpu.memory_space<vmem_shared>> -> memref<640x128xf32, #tpu.memory_space<vmem_shared>>
      tpu.enqueue_dma source(%arg5 : memref<640x128xf32, #tpu.memory_space<hbm>>) target(%dma_start3A_72 : memref<640x128xf32, #tpu.memory_space<vmem_shared>>) target_semaphore(%run_scoped3A : memref<!tpu.dma_semaphore, #tpu.memory_space<semaphore_mem>>)
      %dma_wait3A_73 = arith.constant 0 : i32
      %dma_wait3A_74 = tpu.memref_slice %arg15[%mul3A_4, %dma_wait3A_73] : memref<10240x128xf32, #tpu.memory_space<vmem_shared>> -> memref<640x128xf32, #tpu.memory_space<vmem_shared>>
      tpu.wait_dma2 semaphore(%run_scoped3A : memref<!tpu.dma_semaphore, #tpu.memory_space<semaphore_mem>>) src(%arg5 : memref<640x128xf32, #tpu.memory_space<hbm>>) dst(%dma_wait3A_74 : memref<640x128xf32, #tpu.memory_space<vmem_shared>>)
      tpu.yield
    }) : () -> ()
    "tpu.region"() ({
      %run_scoped3A = tpu.sem_alloc : memref<!tpu.dma_semaphore, #tpu.memory_space<semaphore_mem>>
      tpu.enqueue_dma source(%arg4 : memref<10000xf32, #tpu.memory_space<hbm>>) target(%arg18 : memref<10000xf32, #tpu.memory_space<vmem>>) target_semaphore(%run_scoped3A : memref<!tpu.dma_semaphore, #tpu.memory_space<semaphore_mem>>)
      tpu.wait_dma2 semaphore(%run_scoped3A : memref<!tpu.dma_semaphore, #tpu.memory_space<semaphore_mem>>) src(%arg4 : memref<10000xf32, #tpu.memory_space<hbm>>) dst(%arg18 : memref<10000xf32, #tpu.memory_space<vmem>>)
      tpu.yield
    }) : () -> ()
    "tpu.region"() ({
      %run_scoped3A = tpu.sem_alloc : memref<!tpu.dma_semaphore, #tpu.memory_space<semaphore_mem>>
      %dma_start3A = arith.constant 0 : i32
      %dma_start3A_72 = arith.constant 0 : i32
      %dma_start3A_73 = tpu.memref_slice %arg5[%dma_start3A, %dma_start3A_72] : memref<640x128xf32, #tpu.memory_space<hbm>> -> memref<128x128xf32, #tpu.memory_space<hbm>>
      %dma_start3A_74 = arith.constant 0 : i32
      %dma_start3A_75 = arith.constant 0 : i32
      %dma_start3A_76 = tpu.memref_slice %arg5[%dma_start3A_74, %dma_start3A_75] : memref<640x128xf32, #tpu.memory_space<hbm>> -> memref<128x128xf32, #tpu.memory_space<hbm>>
      tpu.enqueue_dma source(%dma_start3A_76 : memref<128x128xf32, #tpu.memory_space<hbm>>) target(%arg9 : memref<128x128xf32, #tpu.memory_space<vmem>>) target_semaphore(%run_scoped3A : memref<!tpu.dma_semaphore, #tpu.memory_space<semaphore_mem>>)
      %dma_wait3A_77 = arith.constant 0 : i32
      %dma_wait3A_78 = arith.constant 0 : i32
      %dma_wait3A_79 = tpu.memref_slice %arg5[%dma_wait3A_77, %dma_wait3A_78] : memref<640x128xf32, #tpu.memory_space<hbm>> -> memref<128x128xf32, #tpu.memory_space<hbm>>
      %dma_wait3A_80 = arith.constant 0 : i32
      %dma_wait3A_81 = arith.constant 0 : i32
      %dma_wait3A_82 = tpu.memref_slice %arg5[%dma_wait3A_80, %dma_wait3A_81] : memref<640x128xf32, #tpu.memory_space<hbm>> -> memref<128x128xf32, #tpu.memory_space<hbm>>
      tpu.wait_dma2 semaphore(%run_scoped3A : memref<!tpu.dma_semaphore, #tpu.memory_space<semaphore_mem>>) src(%dma_wait3A_82 : memref<128x128xf32, #tpu.memory_space<hbm>>) dst(%arg9 : memref<128x128xf32, #tpu.memory_space<vmem>>)
      tpu.yield
    }) : () -> ()
    "tpu.region"() ({
      %run_scoped3A = tpu.sem_alloc : memref<!tpu.dma_semaphore, #tpu.memory_space<semaphore_mem>>
      %dma_start3A = arith.constant 0 : i32
      %dma_start3A_72 = arith.constant 0 : i32
      %dma_start3A_73 = tpu.memref_slice %arg5[%dma_start3A, %dma_start3A_72] : memref<640x128xf32, #tpu.memory_space<hbm>> -> memref<128x128xf32, #tpu.memory_space<hbm>>
      %dma_start3A_74 = arith.constant 0 : i32
      %dma_start3A_75 = arith.constant 0 : i32
      %dma_start3A_76 = tpu.memref_slice %arg5[%dma_start3A_74, %dma_start3A_75] : memref<640x128xf32, #tpu.memory_space<hbm>> -> memref<128x128xf32, #tpu.memory_space<hbm>>
      tpu.enqueue_dma source(%dma_start3A_76 : memref<128x128xf32, #tpu.memory_space<hbm>>) target(%arg12 : memref<128x128xf32, #tpu.memory_space<vmem>>) target_semaphore(%run_scoped3A : memref<!tpu.dma_semaphore, #tpu.memory_space<semaphore_mem>>)
      %dma_wait3A_77 = arith.constant 0 : i32
      %dma_wait3A_78 = arith.constant 0 : i32
      %dma_wait3A_79 = tpu.memref_slice %arg5[%dma_wait3A_77, %dma_wait3A_78] : memref<640x128xf32, #tpu.memory_space<hbm>> -> memref<128x128xf32, #tpu.memory_space<hbm>>
      %dma_wait3A_80 = arith.constant 0 : i32
      %dma_wait3A_81 = arith.constant 0 : i32
      %dma_wait3A_82 = tpu.memref_slice %arg5[%dma_wait3A_80, %dma_wait3A_81] : memref<640x128xf32, #tpu.memory_space<hbm>> -> memref<128x128xf32, #tpu.memory_space<hbm>>
      tpu.wait_dma2 semaphore(%run_scoped3A : memref<!tpu.dma_semaphore, #tpu.memory_space<semaphore_mem>>) src(%dma_wait3A_82 : memref<128x128xf32, #tpu.memory_space<hbm>>) dst(%arg12 : memref<128x128xf32, #tpu.memory_space<vmem>>)
      tpu.yield
    }) : () -> ()
    %barrier3A = arith.constant 0 : index
    tpu.barrier barrier_id(%barrier3A)
    %iota3A = tpu.iota {dimensions = array<i32: 0>} : vector<16xi32>
    %mul3A_5 = arith.constant 0 : i32
    %mul3A_6 = vector.broadcast %mul3A_5 : i32 to vector<16xi32>
    %mul3A_7 = arith.muli %iota3A, %mul3A_6 : vector<16xi32>
    %add3A_8 = arith.constant 0 : i32
    %add3A_9 = arith.addi %mul3A_2, %add3A_8 : i32
    "tpu.region"() ({
      %run_scoped3A = tpu.sem_alloc : memref<!tpu.dma_semaphore, #tpu.memory_space<semaphore_mem>>
      %dma_start3A = tpu.memref_slice %arg3[%add3A_9] : memref<320000xi32, #tpu.memory_space<hbm>> -> memref<128xi32, #tpu.memory_space<hbm>>
      %dma_start3A_72 = tpu.memref_slice %arg3[%add3A_9] : memref<320000xi32, #tpu.memory_space<hbm>> -> memref<128xi32, #tpu.memory_space<hbm>>
      tpu.enqueue_dma source(%dma_start3A_72 : memref<128xi32, #tpu.memory_space<hbm>>) target(%arg8 : memref<128xi32, #tpu.memory_space<vmem>>) target_semaphore(%run_scoped3A : memref<!tpu.dma_semaphore, #tpu.memory_space<semaphore_mem>>)
      %dma_wait3A_73 = tpu.memref_slice %arg3[%add3A_9] : memref<320000xi32, #tpu.memory_space<hbm>> -> memref<128xi32, #tpu.memory_space<hbm>>
      %dma_wait3A_74 = tpu.memref_slice %arg3[%add3A_9] : memref<320000xi32, #tpu.memory_space<hbm>> -> memref<128xi32, #tpu.memory_space<hbm>>
      tpu.wait_dma2 semaphore(%run_scoped3A : memref<!tpu.dma_semaphore, #tpu.memory_space<semaphore_mem>>) src(%dma_wait3A_74 : memref<128xi32, #tpu.memory_space<hbm>>) dst(%arg8 : memref<128xi32, #tpu.memory_space<vmem>>)
      tpu.yield
    }) : () -> ()
    "tpu.region"() ({
      %run_scoped3A = tpu.sem_alloc : memref<!tpu.dma_semaphore, #tpu.memory_space<semaphore_mem>>
      %dma_start3A = tpu.memref_slice %arg2[%add3A_9] : memref<320000xi32, #tpu.memory_space<hbm>> -> memref<128xi32, #tpu.memory_space<hbm>>
      %dma_start3A_72 = tpu.memref_slice %arg2[%add3A_9] : memref<320000xi32, #tpu.memory_space<hbm>> -> memref<128xi32, #tpu.memory_space<hbm>>
      tpu.enqueue_dma source(%dma_start3A_72 : memref<128xi32, #tpu.memory_space<hbm>>) target(%arg7 : memref<128xi32, #tpu.memory_space<vmem>>) target_semaphore(%run_scoped3A : memref<!tpu.dma_semaphore, #tpu.memory_space<semaphore_mem>>)
      %dma_wait3A_73 = tpu.memref_slice %arg2[%add3A_9] : memref<320000xi32, #tpu.memory_space<hbm>> -> memref<128xi32, #tpu.memory_space<hbm>>
      %dma_wait3A_74 = tpu.memref_slice %arg2[%add3A_9] : memref<320000xi32, #tpu.memory_space<hbm>> -> memref<128xi32, #tpu.memory_space<hbm>>
      tpu.wait_dma2 semaphore(%run_scoped3A : memref<!tpu.dma_semaphore, #tpu.memory_space<semaphore_mem>>) src(%dma_wait3A_74 : memref<128xi32, #tpu.memory_space<hbm>>) dst(%arg7 : memref<128xi32, #tpu.memory_space<vmem>>)
      tpu.yield
    }) : () -> ()
    %get3A = arith.constant 0 : index
    %get3A_10 = tpu.vector_load %arg8[%get3A] {strides = array<i32>} : memref<128xi32, #tpu.memory_space<vmem>>, vector<16xi32>,
    %gather3A = tpu.vector_load_idx %arg18[%get3A_10] : memref<10000xf32, #tpu.memory_space<vmem>>[vector<16xi32>], vector<16xf32>,
    %add3A_11 = arith.constant 0 : i32
    %add3A_12 = vector.broadcast %add3A_11 : i32 to vector<16xi32>
    %add3A_13 = arith.addi %iota3A, %add3A_12 : vector<16xi32>
    tpu.vector_store_idx %arg9[%add3A_13, %mul3A_7], %gather3A : memref<128x128xf32, #tpu.memory_space<vmem>>[vector<16xi32>, vector<16xi32>], vector<16xf32>,
    %get3A_14 = arith.constant 16 : index
    %get3A_15 = tpu.vector_load %arg8[%get3A_14] {strides = array<i32>} : memref<128xi32, #tpu.memory_space<vmem>>, vector<16xi32>,
    %gather3A_16 = tpu.vector_load_idx %arg18[%get3A_15] : memref<10000xf32, #tpu.memory_space<vmem>>[vector<16xi32>], vector<16xf32>,
    %add3A_17 = arith.constant 16 : i32
    %add3A_18 = vector.broadcast %add3A_17 : i32 to vector<16xi32>
    %add3A_19 = arith.addi %iota3A, %add3A_18 : vector<16xi32>
    tpu.vector_store_idx %arg9[%add3A_19, %mul3A_7], %gather3A_16 : memref<128x128xf32, #tpu.memory_space<vmem>>[vector<16xi32>, vector<16xi32>], vector<16xf32>,
    %get3A_20 = arith.constant 32 : index
    %get3A_21 = tpu.vector_load %arg8[%get3A_20] {strides = array<i32>} : memref<128xi32, #tpu.memory_space<vmem>>, vector<16xi32>,
    %gather3A_22 = tpu.vector_load_idx %arg18[%get3A_21] : memref<10000xf32, #tpu.memory_space<vmem>>[vector<16xi32>], vector<16xf32>,
    %add3A_23 = arith.constant 32 : i32
    %add3A_24 = vector.broadcast %add3A_23 : i32 to vector<16xi32>
    %add3A_25 = arith.addi %iota3A, %add3A_24 : vector<16xi32>
    tpu.vector_store_idx %arg9[%add3A_25, %mul3A_7], %gather3A_22 : memref<128x128xf32, #tpu.memory_space<vmem>>[vector<16xi32>, vector<16xi32>], vector<16xf32>,
    %get3A_26 = arith.constant 48 : index
    %get3A_27 = tpu.vector_load %arg8[%get3A_26] {strides = array<i32>} : memref<128xi32, #tpu.memory_space<vmem>>, vector<16xi32>,
    %gather3A_28 = tpu.vector_load_idx %arg18[%get3A_27] : memref<10000xf32, #tpu.memory_space<vmem>>[vector<16xi32>], vector<16xf32>,
    %add3A_29 = arith.constant 48 : i32
    %add3A_30 = vector.broadcast %add3A_29 : i32 to vector<16xi32>
    %add3A_31 = arith.addi %iota3A, %add3A_30 : vector<16xi32>
    tpu.vector_store_idx %arg9[%add3A_31, %mul3A_7], %gather3A_28 : memref<128x128xf32, #tpu.memory_space<vmem>>[vector<16xi32>, vector<16xi32>], vector<16xf32>,
    %get3A_32 = arith.constant 64 : index
    %get3A_33 = tpu.vector_load %arg8[%get3A_32] {strides = array<i32>} : memref<128xi32, #tpu.memory_space<vmem>>, vector<16xi32>,
    %gather3A_34 = tpu.vector_load_idx %arg18[%get3A_33] : memref<10000xf32, #tpu.memory_space<vmem>>[vector<16xi32>], vector<16xf32>,
    %add3A_35 = arith.constant 64 : i32
    %add3A_36 = vector.broadcast %add3A_35 : i32 to vector<16xi32>
    %add3A_37 = arith.addi %iota3A, %add3A_36 : vector<16xi32>
    tpu.vector_store_idx %arg9[%add3A_37, %mul3A_7], %gather3A_34 : memref<128x128xf32, #tpu.memory_space<vmem>>[vector<16xi32>, vector<16xi32>], vector<16xf32>,
    %get3A_38 = arith.constant 80 : index
    %get3A_39 = tpu.vector_load %arg8[%get3A_38] {strides = array<i32>} : memref<128xi32, #tpu.memory_space<vmem>>, vector<16xi32>,
    %gather3A_40 = tpu.vector_load_idx %arg18[%get3A_39] : memref<10000xf32, #tpu.memory_space<vmem>>[vector<16xi32>], vector<16xf32>,
    %add3A_41 = arith.constant 80 : i32
    %add3A_42 = vector.broadcast %add3A_41 : i32 to vector<16xi32>
    %add3A_43 = arith.addi %iota3A, %add3A_42 : vector<16xi32>
    tpu.vector_store_idx %arg9[%add3A_43, %mul3A_7], %gather3A_40 : memref<128x128xf32, #tpu.memory_space<vmem>>[vector<16xi32>, vector<16xi32>], vector<16xf32>,
    %get3A_44 = arith.constant 96 : index
    %get3A_45 = tpu.vector_load %arg8[%get3A_44] {strides = array<i32>} : memref<128xi32, #tpu.memory_space<vmem>>, vector<16xi32>,
    %gather3A_46 = tpu.vector_load_idx %arg18[%get3A_45] : memref<10000xf32, #tpu.memory_space<vmem>>[vector<16xi32>], vector<16xf32>,
    %add3A_47 = arith.constant 96 : i32
    %add3A_48 = vector.broadcast %add3A_47 : i32 to vector<16xi32>
    %add3A_49 = arith.addi %iota3A, %add3A_48 : vector<16xi32>
    tpu.vector_store_idx %arg9[%add3A_49, %mul3A_7], %gather3A_46 : memref<128x128xf32, #tpu.memory_space<vmem>>[vector<16xi32>, vector<16xi32>], vector<16xf32>,
    %get3A_50 = arith.constant 112 : index
    %get3A_51 = tpu.vector_load %arg8[%get3A_50] {strides = array<i32>} : memref<128xi32, #tpu.memory_space<vmem>>, vector<16xi32>,
    %gather3A_52 = tpu.vector_load_idx %arg18[%get3A_51] : memref<10000xf32, #tpu.memory_space<vmem>>[vector<16xi32>], vector<16xf32>,
    %add3A_53 = arith.constant 112 : i32
    %add3A_54 = vector.broadcast %add3A_53 : i32 to vector<16xi32>
    %add3A_55 = arith.addi %iota3A, %add3A_54 : vector<16xi32>
    tpu.vector_store_idx %arg9[%add3A_55, %mul3A_7], %gather3A_52 : memref<128x128xf32, #tpu.memory_space<vmem>>[vector<16xi32>, vector<16xi32>], vector<16xf32>,
    %scan3A = arith.constant 0 : i32
    %scan3A_56 = arith.constant 0 : i32
    %scan3A_57 = arith.constant 39 : i32
    %scan3A_58 = arith.addi %scan3A_56, %scan3A_57 : i32
    %scan3A_59 = arith.constant 1 : i32
    scf.for %scan3A_72 = %scan3A_56 to %scan3A_58 step %scan3A_59  : i32 {
      %mul3A_73 = arith.constant 2 : i32
      %mul3A_74 = arith.muli %mul3A_73, %scan3A_72 : i32
      %dma_start3A = arith.constant 0 : i32
      %dma_start3A_75 = arith.constant 0 : i32
      %dma_start3A_76 = tpu.memref_slice %arg15[%dma_start3A, %dma_start3A_75] : memref<10240x128xf32, #tpu.memory_space<vmem_shared>> -> memref<10240x128xf32, #tpu.memory_space<vmem_shared>>
      tpu.enqueue_indirect_dma source(%arg9 : memref<128x128xf32, #tpu.memory_space<vmem>>) target(%dma_start3A_76 : memref<10240x128xf32, #tpu.memory_space<vmem_shared>>) offsets(%arg7 : memref<128xi32, #tpu.memory_space<vmem>>) semaphore(%arg16 : memref<!tpu.dma_semaphore, #tpu.memory_space<semaphore_mem>>) {add = true}
      %lt3A = arith.constant 77 : i32
      %lt3A_77 = arith.cmpi slt, %mul3A_74, %lt3A : i32
      %convert_element_type3A = arith.extui %lt3A_77 : i1 to i32
      %cond3A = arith.constant 0 : i32
      %cond3A_78 = arith.cmpi ne, %convert_element_type3A, %cond3A : i32
      scf.if %cond3A_78 {
        %gt3A = arith.constant 0 : i32
        %gt3A_91 = arith.cmpi sgt, %mul3A_74, %gt3A : i32
        %convert_element_type3A_92 = arith.extui %gt3A_91 : i1 to i32
        %cond3A_93 = arith.constant 0 : i32
        %cond3A_94 = arith.cmpi ne, %convert_element_type3A_92, %cond3A_93 : i32
        scf.if %cond3A_94 {
          %dma_wait3A_148 = arith.constant 0 : i32
          %dma_wait3A_149 = arith.constant 0 : i32
          %dma_wait3A_150 = tpu.memref_slice %arg15[%dma_wait3A_148, %dma_wait3A_149] : memref<10240x128xf32, #tpu.memory_space<vmem_shared>> -> memref<10240x128xf32, #tpu.memory_space<vmem_shared>>
          tpu.wait_indirect_dma semaphore(%arg17 : memref<!tpu.dma_semaphore, #tpu.memory_space<semaphore_mem>>) src(%arg12 : memref<128x128xf32, #tpu.memory_space<vmem>>) dst(%dma_wait3A_150 : memref<10240x128xf32, #tpu.memory_space<vmem_shared>>)
        } else {
        }
        %add3A_95 = arith.constant 1 : i32
        %add3A_96 = arith.addi %mul3A_74, %add3A_95 : i32
        %mul3A_97 = arith.constant 128 : i32
        %mul3A_98 = arith.muli %add3A_96, %mul3A_97 : i32
        %add3A_99 = arith.addi %mul3A_2, %mul3A_98 : i32
        "tpu.region"() ({
          %run_scoped3A = tpu.sem_alloc : memref<!tpu.dma_semaphore, #tpu.memory_space<semaphore_mem>>
          %dma_start3A_148 = tpu.memref_slice %arg3[%add3A_99] : memref<320000xi32, #tpu.memory_space<hbm>> -> memref<128xi32, #tpu.memory_space<hbm>>
          %dma_start3A_149 = tpu.memref_slice %arg3[%add3A_99] : memref<320000xi32, #tpu.memory_space<hbm>> -> memref<128xi32, #tpu.memory_space<hbm>>
          tpu.enqueue_dma source(%dma_start3A_149 : memref<128xi32, #tpu.memory_space<hbm>>) target(%arg11 : memref<128xi32, #tpu.memory_space<vmem>>) target_semaphore(%run_scoped3A : memref<!tpu.dma_semaphore, #tpu.memory_space<semaphore_mem>>)
          %dma_wait3A_150 = tpu.memref_slice %arg3[%add3A_99] : memref<320000xi32, #tpu.memory_space<hbm>> -> memref<128xi32, #tpu.memory_space<hbm>>
          %dma_wait3A_151 = tpu.memref_slice %arg3[%add3A_99] : memref<320000xi32, #tpu.memory_space<hbm>> -> memref<128xi32, #tpu.memory_space<hbm>>
          tpu.wait_dma2 semaphore(%run_scoped3A : memref<!tpu.dma_semaphore, #tpu.memory_space<semaphore_mem>>) src(%dma_wait3A_151 : memref<128xi32, #tpu.memory_space<hbm>>) dst(%arg11 : memref<128xi32, #tpu.memory_space<vmem>>)
          tpu.yield
        }) : () -> ()
        "tpu.region"() ({
          %run_scoped3A = tpu.sem_alloc : memref<!tpu.dma_semaphore, #tpu.memory_space<semaphore_mem>>
          %dma_start3A_148 = tpu.memref_slice %arg2[%add3A_99] : memref<320000xi32, #tpu.memory_space<hbm>> -> memref<128xi32, #tpu.memory_space<hbm>>
          %dma_start3A_149 = tpu.memref_slice %arg2[%add3A_99] : memref<320000xi32, #tpu.memory_space<hbm>> -> memref<128xi32, #tpu.memory_space<hbm>>
          tpu.enqueue_dma source(%dma_start3A_149 : memref<128xi32, #tpu.memory_space<hbm>>) target(%arg10 : memref<128xi32, #tpu.memory_space<vmem>>) target_semaphore(%run_scoped3A : memref<!tpu.dma_semaphore, #tpu.memory_space<semaphore_mem>>)
          %dma_wait3A_150 = tpu.memref_slice %arg2[%add3A_99] : memref<320000xi32, #tpu.memory_space<hbm>> -> memref<128xi32, #tpu.memory_space<hbm>>
          %dma_wait3A_151 = tpu.memref_slice %arg2[%add3A_99] : memref<320000xi32, #tpu.memory_space<hbm>> -> memref<128xi32, #tpu.memory_space<hbm>>
          tpu.wait_dma2 semaphore(%run_scoped3A : memref<!tpu.dma_semaphore, #tpu.memory_space<semaphore_mem>>) src(%dma_wait3A_151 : memref<128xi32, #tpu.memory_space<hbm>>) dst(%arg10 : memref<128xi32, #tpu.memory_space<vmem>>)
          tpu.yield
        }) : () -> ()
        %get3A_100 = arith.constant 0 : index
        %get3A_101 = tpu.vector_load %arg11[%get3A_100] {strides = array<i32>} : memref<128xi32, #tpu.memory_space<vmem>>, vector<16xi32>,
        %gather3A_102 = tpu.vector_load_idx %arg18[%get3A_101] : memref<10000xf32, #tpu.memory_space<vmem>>[vector<16xi32>], vector<16xf32>,
        %add3A_103 = arith.constant 0 : i32
        %add3A_104 = vector.broadcast %add3A_103 : i32 to vector<16xi32>
        %add3A_105 = arith.addi %iota3A, %add3A_104 : vector<16xi32>
        tpu.vector_store_idx %arg12[%add3A_105, %mul3A_7], %gather3A_102 : memref<128x128xf32, #tpu.memory_space<vmem>>[vector<16xi32>, vector<16xi32>], vector<16xf32>,
        %get3A_106 = arith.constant 16 : index
        %get3A_107 = tpu.vector_load %arg11[%get3A_106] {strides = array<i32>} : memref<128xi32, #tpu.memory_space<vmem>>, vector<16xi32>,
        %gather3A_108 = tpu.vector_load_idx %arg18[%get3A_107] : memref<10000xf32, #tpu.memory_space<vmem>>[vector<16xi32>], vector<16xf32>,
        %add3A_109 = arith.constant 16 : i32
        %add3A_110 = vector.broadcast %add3A_109 : i32 to vector<16xi32>
        %add3A_111 = arith.addi %iota3A, %add3A_110 : vector<16xi32>
        tpu.vector_store_idx %arg12[%add3A_111, %mul3A_7], %gather3A_108 : memref<128x128xf32, #tpu.memory_space<vmem>>[vector<16xi32>, vector<16xi32>], vector<16xf32>,
        %get3A_112 = arith.constant 32 : index
        %get3A_113 = tpu.vector_load %arg11[%get3A_112] {strides = array<i32>} : memref<128xi32, #tpu.memory_space<vmem>>, vector<16xi32>,
        %gather3A_114 = tpu.vector_load_idx %arg18[%get3A_113] : memref<10000xf32, #tpu.memory_space<vmem>>[vector<16xi32>], vector<16xf32>,
        %add3A_115 = arith.constant 32 : i32
        %add3A_116 = vector.broadcast %add3A_115 : i32 to vector<16xi32>
        %add3A_117 = arith.addi %iota3A, %add3A_116 : vector<16xi32>
        tpu.vector_store_idx %arg12[%add3A_117, %mul3A_7], %gather3A_114 : memref<128x128xf32, #tpu.memory_space<vmem>>[vector<16xi32>, vector<16xi32>], vector<16xf32>,
        %get3A_118 = arith.constant 48 : index
        %get3A_119 = tpu.vector_load %arg11[%get3A_118] {strides = array<i32>} : memref<128xi32, #tpu.memory_space<vmem>>, vector<16xi32>,
        %gather3A_120 = tpu.vector_load_idx %arg18[%get3A_119] : memref<10000xf32, #tpu.memory_space<vmem>>[vector<16xi32>], vector<16xf32>,
        %add3A_121 = arith.constant 48 : i32
        %add3A_122 = vector.broadcast %add3A_121 : i32 to vector<16xi32>
        %add3A_123 = arith.addi %iota3A, %add3A_122 : vector<16xi32>
        tpu.vector_store_idx %arg12[%add3A_123, %mul3A_7], %gather3A_120 : memref<128x128xf32, #tpu.memory_space<vmem>>[vector<16xi32>, vector<16xi32>], vector<16xf32>,
        %get3A_124 = arith.constant 64 : index
        %get3A_125 = tpu.vector_load %arg11[%get3A_124] {strides = array<i32>} : memref<128xi32, #tpu.memory_space<vmem>>, vector<16xi32>,
        %gather3A_126 = tpu.vector_load_idx %arg18[%get3A_125] : memref<10000xf32, #tpu.memory_space<vmem>>[vector<16xi32>], vector<16xf32>,
        %add3A_127 = arith.constant 64 : i32
        %add3A_128 = vector.broadcast %add3A_127 : i32 to vector<16xi32>
        %add3A_129 = arith.addi %iota3A, %add3A_128 : vector<16xi32>
        tpu.vector_store_idx %arg12[%add3A_129, %mul3A_7], %gather3A_126 : memref<128x128xf32, #tpu.memory_space<vmem>>[vector<16xi32>, vector<16xi32>], vector<16xf32>,
        %get3A_130 = arith.constant 80 : index
        %get3A_131 = tpu.vector_load %arg11[%get3A_130] {strides = array<i32>} : memref<128xi32, #tpu.memory_space<vmem>>, vector<16xi32>,
        %gather3A_132 = tpu.vector_load_idx %arg18[%get3A_131] : memref<10000xf32, #tpu.memory_space<vmem>>[vector<16xi32>], vector<16xf32>,
        %add3A_133 = arith.constant 80 : i32
        %add3A_134 = vector.broadcast %add3A_133 : i32 to vector<16xi32>
        %add3A_135 = arith.addi %iota3A, %add3A_134 : vector<16xi32>
        tpu.vector_store_idx %arg12[%add3A_135, %mul3A_7], %gather3A_132 : memref<128x128xf32, #tpu.memory_space<vmem>>[vector<16xi32>, vector<16xi32>], vector<16xf32>,
        %get3A_136 = arith.constant 96 : index
        %get3A_137 = tpu.vector_load %arg11[%get3A_136] {strides = array<i32>} : memref<128xi32, #tpu.memory_space<vmem>>, vector<16xi32>,
        %gather3A_138 = tpu.vector_load_idx %arg18[%get3A_137] : memref<10000xf32, #tpu.memory_space<vmem>>[vector<16xi32>], vector<16xf32>,
        %add3A_139 = arith.constant 96 : i32
        %add3A_140 = vector.broadcast %add3A_139 : i32 to vector<16xi32>
        %add3A_141 = arith.addi %iota3A, %add3A_140 : vector<16xi32>
        tpu.vector_store_idx %arg12[%add3A_141, %mul3A_7], %gather3A_138 : memref<128x128xf32, #tpu.memory_space<vmem>>[vector<16xi32>, vector<16xi32>], vector<16xf32>,
        %get3A_142 = arith.constant 112 : index
        %get3A_143 = tpu.vector_load %arg11[%get3A_142] {strides = array<i32>} : memref<128xi32, #tpu.memory_space<vmem>>, vector<16xi32>,
        %gather3A_144 = tpu.vector_load_idx %arg18[%get3A_143] : memref<10000xf32, #tpu.memory_space<vmem>>[vector<16xi32>], vector<16xf32>,
        %add3A_145 = arith.constant 112 : i32
        %add3A_146 = vector.broadcast %add3A_145 : i32 to vector<16xi32>
        %add3A_147 = arith.addi %iota3A, %add3A_146 : vector<16xi32>
        tpu.vector_store_idx %arg12[%add3A_147, %mul3A_7], %gather3A_144 : memref<128x128xf32, #tpu.memory_space<vmem>>[vector<16xi32>, vector<16xi32>], vector<16xf32>,
      } else {
      }
      %mul3A_79 = arith.constant 2 : i32
      %mul3A_80 = arith.muli %mul3A_79, %scan3A_72 : i32
      %add3A_81 = arith.constant 1 : i32
      %add3A_82 = arith.addi %mul3A_80, %add3A_81 : i32
      %dma_start3A_83 = arith.constant 0 : i32
      %dma_start3A_84 = arith.constant 0 : i32
      %dma_start3A_85 = tpu.memref_slice %arg15[%dma_start3A_83, %dma_start3A_84] : memref<10240x128xf32, #tpu.memory_space<vmem_shared>> -> memref<10240x128xf32, #tpu.memory_space<vmem_shared>>
      tpu.enqueue_indirect_dma source(%arg12 : memref<128x128xf32, #tpu.memory_space<vmem>>) target(%dma_start3A_85 : memref<10240x128xf32, #tpu.memory_space<vmem_shared>>) offsets(%arg10 : memref<128xi32, #tpu.memory_space<vmem>>) semaphore(%arg17 : memref<!tpu.dma_semaphore, #tpu.memory_space<semaphore_mem>>) {add = true}
      %lt3A_86 = arith.constant 77 : i32
      %lt3A_87 = arith.cmpi slt, %add3A_82, %lt3A_86 : i32
      %convert_element_type3A_88 = arith.extui %lt3A_87 : i1 to i32
      %cond3A_89 = arith.constant 0 : i32
      %cond3A_90 = arith.cmpi ne, %convert_element_type3A_88, %cond3A_89 : i32
      scf.if %cond3A_90 {
        %gt3A = arith.constant 0 : i32
        %gt3A_91 = arith.cmpi sgt, %add3A_82, %gt3A : i32
        %convert_element_type3A_92 = arith.extui %gt3A_91 : i1 to i32
        %cond3A_93 = arith.constant 0 : i32
        %cond3A_94 = arith.cmpi ne, %convert_element_type3A_92, %cond3A_93 : i32
        scf.if %cond3A_94 {
          %dma_wait3A_148 = arith.constant 0 : i32
          %dma_wait3A_149 = arith.constant 0 : i32
          %dma_wait3A_150 = tpu.memref_slice %arg15[%dma_wait3A_148, %dma_wait3A_149] : memref<10240x128xf32, #tpu.memory_space<vmem_shared>> -> memref<10240x128xf32, #tpu.memory_space<vmem_shared>>
          tpu.wait_indirect_dma semaphore(%arg16 : memref<!tpu.dma_semaphore, #tpu.memory_space<semaphore_mem>>) src(%arg9 : memref<128x128xf32, #tpu.memory_space<vmem>>) dst(%dma_wait3A_150 : memref<10240x128xf32, #tpu.memory_space<vmem_shared>>)
        } else {
        }
        %add3A_95 = arith.constant 1 : i32
        %add3A_96 = arith.addi %add3A_82, %add3A_95 : i32
        %mul3A_97 = arith.constant 128 : i32
        %mul3A_98 = arith.muli %add3A_96, %mul3A_97 : i32
        %add3A_99 = arith.addi %mul3A_2, %mul3A_98 : i32
        "tpu.region"() ({
          %run_scoped3A = tpu.sem_alloc : memref<!tpu.dma_semaphore, #tpu.memory_space<semaphore_mem>>
          %dma_start3A_148 = tpu.memref_slice %arg3[%add3A_99] : memref<320000xi32, #tpu.memory_space<hbm>> -> memref<128xi32, #tpu.memory_space<hbm>>
          %dma_start3A_149 = tpu.memref_slice %arg3[%add3A_99] : memref<320000xi32, #tpu.memory_space<hbm>> -> memref<128xi32, #tpu.memory_space<hbm>>
          tpu.enqueue_dma source(%dma_start3A_149 : memref<128xi32, #tpu.memory_space<hbm>>) target(%arg8 : memref<128xi32, #tpu.memory_space<vmem>>) target_semaphore(%run_scoped3A : memref<!tpu.dma_semaphore, #tpu.memory_space<semaphore_mem>>)
          %dma_wait3A_150 = tpu.memref_slice %arg3[%add3A_99] : memref<320000xi32, #tpu.memory_space<hbm>> -> memref<128xi32, #tpu.memory_space<hbm>>
          %dma_wait3A_151 = tpu.memref_slice %arg3[%add3A_99] : memref<320000xi32, #tpu.memory_space<hbm>> -> memref<128xi32, #tpu.memory_space<hbm>>
          tpu.wait_dma2 semaphore(%run_scoped3A : memref<!tpu.dma_semaphore, #tpu.memory_space<semaphore_mem>>) src(%dma_wait3A_151 : memref<128xi32, #tpu.memory_space<hbm>>) dst(%arg8 : memref<128xi32, #tpu.memory_space<vmem>>)
          tpu.yield
        }) : () -> ()
        "tpu.region"() ({
          %run_scoped3A = tpu.sem_alloc : memref<!tpu.dma_semaphore, #tpu.memory_space<semaphore_mem>>
          %dma_start3A_148 = tpu.memref_slice %arg2[%add3A_99] : memref<320000xi32, #tpu.memory_space<hbm>> -> memref<128xi32, #tpu.memory_space<hbm>>
          %dma_start3A_149 = tpu.memref_slice %arg2[%add3A_99] : memref<320000xi32, #tpu.memory_space<hbm>> -> memref<128xi32, #tpu.memory_space<hbm>>
          tpu.enqueue_dma source(%dma_start3A_149 : memref<128xi32, #tpu.memory_space<hbm>>) target(%arg7 : memref<128xi32, #tpu.memory_space<vmem>>) target_semaphore(%run_scoped3A : memref<!tpu.dma_semaphore, #tpu.memory_space<semaphore_mem>>)
          %dma_wait3A_150 = tpu.memref_slice %arg2[%add3A_99] : memref<320000xi32, #tpu.memory_space<hbm>> -> memref<128xi32, #tpu.memory_space<hbm>>
          %dma_wait3A_151 = tpu.memref_slice %arg2[%add3A_99] : memref<320000xi32, #tpu.memory_space<hbm>> -> memref<128xi32, #tpu.memory_space<hbm>>
          tpu.wait_dma2 semaphore(%run_scoped3A : memref<!tpu.dma_semaphore, #tpu.memory_space<semaphore_mem>>) src(%dma_wait3A_151 : memref<128xi32, #tpu.memory_space<hbm>>) dst(%arg7 : memref<128xi32, #tpu.memory_space<vmem>>)
          tpu.yield
        }) : () -> ()
        %get3A_100 = arith.constant 0 : index
        %get3A_101 = tpu.vector_load %arg8[%get3A_100] {strides = array<i32>} : memref<128xi32, #tpu.memory_space<vmem>>, vector<16xi32>,
        %gather3A_102 = tpu.vector_load_idx %arg18[%get3A_101] : memref<10000xf32, #tpu.memory_space<vmem>>[vector<16xi32>], vector<16xf32>,
        %add3A_103 = arith.constant 0 : i32
        %add3A_104 = vector.broadcast %add3A_103 : i32 to vector<16xi32>
        %add3A_105 = arith.addi %iota3A, %add3A_104 : vector<16xi32>
        tpu.vector_store_idx %arg9[%add3A_105, %mul3A_7], %gather3A_102 : memref<128x128xf32, #tpu.memory_space<vmem>>[vector<16xi32>, vector<16xi32>], vector<16xf32>,
        %get3A_106 = arith.constant 16 : index
        %get3A_107 = tpu.vector_load %arg8[%get3A_106] {strides = array<i32>} : memref<128xi32, #tpu.memory_space<vmem>>, vector<16xi32>,
        %gather3A_108 = tpu.vector_load_idx %arg18[%get3A_107] : memref<10000xf32, #tpu.memory_space<vmem>>[vector<16xi32>], vector<16xf32>,
        %add3A_109 = arith.constant 16 : i32
        %add3A_110 = vector.broadcast %add3A_109 : i32 to vector<16xi32>
        %add3A_111 = arith.addi %iota3A, %add3A_110 : vector<16xi32>
        tpu.vector_store_idx %arg9[%add3A_111, %mul3A_7], %gather3A_108 : memref<128x128xf32, #tpu.memory_space<vmem>>[vector<16xi32>, vector<16xi32>], vector<16xf32>,
        %get3A_112 = arith.constant 32 : index
        %get3A_113 = tpu.vector_load %arg8[%get3A_112] {strides = array<i32>} : memref<128xi32, #tpu.memory_space<vmem>>, vector<16xi32>,
        %gather3A_114 = tpu.vector_load_idx %arg18[%get3A_113] : memref<10000xf32, #tpu.memory_space<vmem>>[vector<16xi32>], vector<16xf32>,
        %add3A_115 = arith.constant 32 : i32
        %add3A_116 = vector.broadcast %add3A_115 : i32 to vector<16xi32>
        %add3A_117 = arith.addi %iota3A, %add3A_116 : vector<16xi32>
        tpu.vector_store_idx %arg9[%add3A_117, %mul3A_7], %gather3A_114 : memref<128x128xf32, #tpu.memory_space<vmem>>[vector<16xi32>, vector<16xi32>], vector<16xf32>,
        %get3A_118 = arith.constant 48 : index
        %get3A_119 = tpu.vector_load %arg8[%get3A_118] {strides = array<i32>} : memref<128xi32, #tpu.memory_space<vmem>>, vector<16xi32>,
        %gather3A_120 = tpu.vector_load_idx %arg18[%get3A_119] : memref<10000xf32, #tpu.memory_space<vmem>>[vector<16xi32>], vector<16xf32>,
        %add3A_121 = arith.constant 48 : i32
        %add3A_122 = vector.broadcast %add3A_121 : i32 to vector<16xi32>
        %add3A_123 = arith.addi %iota3A, %add3A_122 : vector<16xi32>
        tpu.vector_store_idx %arg9[%add3A_123, %mul3A_7], %gather3A_120 : memref<128x128xf32, #tpu.memory_space<vmem>>[vector<16xi32>, vector<16xi32>], vector<16xf32>,
        %get3A_124 = arith.constant 64 : index
        %get3A_125 = tpu.vector_load %arg8[%get3A_124] {strides = array<i32>} : memref<128xi32, #tpu.memory_space<vmem>>, vector<16xi32>,
        %gather3A_126 = tpu.vector_load_idx %arg18[%get3A_125] : memref<10000xf32, #tpu.memory_space<vmem>>[vector<16xi32>], vector<16xf32>,
        %add3A_127 = arith.constant 64 : i32
        %add3A_128 = vector.broadcast %add3A_127 : i32 to vector<16xi32>
        %add3A_129 = arith.addi %iota3A, %add3A_128 : vector<16xi32>
        tpu.vector_store_idx %arg9[%add3A_129, %mul3A_7], %gather3A_126 : memref<128x128xf32, #tpu.memory_space<vmem>>[vector<16xi32>, vector<16xi32>], vector<16xf32>,
        %get3A_130 = arith.constant 80 : index
        %get3A_131 = tpu.vector_load %arg8[%get3A_130] {strides = array<i32>} : memref<128xi32, #tpu.memory_space<vmem>>, vector<16xi32>,
        %gather3A_132 = tpu.vector_load_idx %arg18[%get3A_131] : memref<10000xf32, #tpu.memory_space<vmem>>[vector<16xi32>], vector<16xf32>,
        %add3A_133 = arith.constant 80 : i32
        %add3A_134 = vector.broadcast %add3A_133 : i32 to vector<16xi32>
        %add3A_135 = arith.addi %iota3A, %add3A_134 : vector<16xi32>
        tpu.vector_store_idx %arg9[%add3A_135, %mul3A_7], %gather3A_132 : memref<128x128xf32, #tpu.memory_space<vmem>>[vector<16xi32>, vector<16xi32>], vector<16xf32>,
        %get3A_136 = arith.constant 96 : index
        %get3A_137 = tpu.vector_load %arg8[%get3A_136] {strides = array<i32>} : memref<128xi32, #tpu.memory_space<vmem>>, vector<16xi32>,
        %gather3A_138 = tpu.vector_load_idx %arg18[%get3A_137] : memref<10000xf32, #tpu.memory_space<vmem>>[vector<16xi32>], vector<16xf32>,
        %add3A_139 = arith.constant 96 : i32
        %add3A_140 = vector.broadcast %add3A_139 : i32 to vector<16xi32>
        %add3A_141 = arith.addi %iota3A, %add3A_140 : vector<16xi32>
        tpu.vector_store_idx %arg9[%add3A_141, %mul3A_7], %gather3A_138 : memref<128x128xf32, #tpu.memory_space<vmem>>[vector<16xi32>, vector<16xi32>], vector<16xf32>,
        %get3A_142 = arith.constant 112 : index
        %get3A_143 = tpu.vector_load %arg8[%get3A_142] {strides = array<i32>} : memref<128xi32, #tpu.memory_space<vmem>>, vector<16xi32>,
        %gather3A_144 = tpu.vector_load_idx %arg18[%get3A_143] : memref<10000xf32, #tpu.memory_space<vmem>>[vector<16xi32>], vector<16xf32>,
        %add3A_145 = arith.constant 112 : i32
        %add3A_146 = vector.broadcast %add3A_145 : i32 to vector<16xi32>
        %add3A_147 = arith.addi %iota3A, %add3A_146 : vector<16xi32>
        tpu.vector_store_idx %arg9[%add3A_147, %mul3A_7], %gather3A_144 : memref<128x128xf32, #tpu.memory_space<vmem>>[vector<16xi32>, vector<16xi32>], vector<16xf32>,
      } else {
      }
    }
    %scan3A_60 = arith.constant 39 : i32
    %dma_wait3A = arith.constant 0 : i32
    %dma_wait3A_61 = arith.constant 0 : i32
    %dma_wait3A_62 = tpu.memref_slice %arg15[%dma_wait3A, %dma_wait3A_61] : memref<10240x128xf32, #tpu.memory_space<vmem_shared>> -> memref<10240x128xf32, #tpu.memory_space<vmem_shared>>
    tpu.wait_indirect_dma semaphore(%arg16 : memref<!tpu.dma_semaphore, #tpu.memory_space<semaphore_mem>>) src(%arg9 : memref<128x128xf32, #tpu.memory_space<vmem>>) dst(%dma_wait3A_62 : memref<10240x128xf32, #tpu.memory_space<vmem_shared>>)
    %dma_wait3A_63 = arith.constant 0 : i32
    %dma_wait3A_64 = arith.constant 0 : i32
    %dma_wait3A_65 = tpu.memref_slice %arg15[%dma_wait3A_63, %dma_wait3A_64] : memref<10240x128xf32, #tpu.memory_space<vmem_shared>> -> memref<10240x128xf32, #tpu.memory_space<vmem_shared>>
    tpu.wait_indirect_dma semaphore(%arg17 : memref<!tpu.dma_semaphore, #tpu.memory_space<semaphore_mem>>) src(%arg12 : memref<128x128xf32, #tpu.memory_space<vmem>>) dst(%dma_wait3A_65 : memref<10240x128xf32, #tpu.memory_space<vmem_shared>>)
    %add3A_66 = arith.constant 9984 : i32
    %add3A_67 = arith.addi %mul3A_2, %add3A_66 : i32
    "tpu.region"() ({
      %run_scoped3A = tpu.sem_alloc : memref<!tpu.dma_semaphore, #tpu.memory_space<semaphore_mem>>
      %dma_start3A = tpu.memref_slice %arg3[%add3A_67] : memref<320000xi32, #tpu.memory_space<hbm>> -> memref<16xi32, #tpu.memory_space<hbm>>
      %dma_start3A_72 = tpu.memref_slice %arg3[%add3A_67] : memref<320000xi32, #tpu.memory_space<hbm>> -> memref<16xi32, #tpu.memory_space<hbm>>
      tpu.enqueue_dma source(%dma_start3A_72 : memref<16xi32, #tpu.memory_space<hbm>>) target(%arg14 : memref<16xi32, #tpu.memory_space<vmem>>) target_semaphore(%run_scoped3A : memref<!tpu.dma_semaphore, #tpu.memory_space<semaphore_mem>>)
      %dma_wait3A_73 = tpu.memref_slice %arg3[%add3A_67] : memref<320000xi32, #tpu.memory_space<hbm>> -> memref<16xi32, #tpu.memory_space<hbm>>
      %dma_wait3A_74 = tpu.memref_slice %arg3[%add3A_67] : memref<320000xi32, #tpu.memory_space<hbm>> -> memref<16xi32, #tpu.memory_space<hbm>>
      tpu.wait_dma2 semaphore(%run_scoped3A : memref<!tpu.dma_semaphore, #tpu.memory_space<semaphore_mem>>) src(%dma_wait3A_74 : memref<16xi32, #tpu.memory_space<hbm>>) dst(%arg14 : memref<16xi32, #tpu.memory_space<vmem>>)
      tpu.yield
    }) : () -> ()
    "tpu.region"() ({
      %run_scoped3A = tpu.sem_alloc : memref<!tpu.dma_semaphore, #tpu.memory_space<semaphore_mem>>
      %dma_start3A = tpu.memref_slice %arg2[%add3A_67] : memref<320000xi32, #tpu.memory_space<hbm>> -> memref<16xi32, #tpu.memory_space<hbm>>
      %dma_start3A_72 = tpu.memref_slice %arg2[%add3A_67] : memref<320000xi32, #tpu.memory_space<hbm>> -> memref<16xi32, #tpu.memory_space<hbm>>
      tpu.enqueue_dma source(%dma_start3A_72 : memref<16xi32, #tpu.memory_space<hbm>>) target(%arg13 : memref<16xi32, #tpu.memory_space<vmem>>) target_semaphore(%run_scoped3A : memref<!tpu.dma_semaphore, #tpu.memory_space<semaphore_mem>>)
      %dma_wait3A_73 = tpu.memref_slice %arg2[%add3A_67] : memref<320000xi32, #tpu.memory_space<hbm>> -> memref<16xi32, #tpu.memory_space<hbm>>
      %dma_wait3A_74 = tpu.memref_slice %arg2[%add3A_67] : memref<320000xi32, #tpu.memory_space<hbm>> -> memref<16xi32, #tpu.memory_space<hbm>>
      tpu.wait_dma2 semaphore(%run_scoped3A : memref<!tpu.dma_semaphore, #tpu.memory_space<semaphore_mem>>) src(%dma_wait3A_74 : memref<16xi32, #tpu.memory_space<hbm>>) dst(%arg13 : memref<16xi32, #tpu.memory_space<vmem>>)
      tpu.yield
    }) : () -> ()
    %get3A_68 = arith.constant 0 : index
    %get3A_69 = tpu.vector_load %arg14[%get3A_68] {strides = array<i32>} : memref<16xi32, #tpu.memory_space<vmem>>, vector<16xi32>,
    %gather3A_70 = tpu.vector_load_idx %arg18[%get3A_69] : memref<10000xf32, #tpu.memory_space<vmem>>[vector<16xi32>], vector<16xf32>,
    tpu.vector_store_idx %arg9[%iota3A, %mul3A_7], %gather3A_70 : memref<128x128xf32, #tpu.memory_space<vmem>>[vector<16xi32>, vector<16xi32>], vector<16xf32>,
    "tpu.region"() ({
      %run_scoped3A = tpu.sem_alloc : memref<!tpu.dma_semaphore, #tpu.memory_space<semaphore_mem>>
      %dma_start3A = arith.constant 0 : i32
      %dma_start3A_72 = arith.constant 0 : i32
      %dma_start3A_73 = tpu.memref_slice %arg9[%dma_start3A, %dma_start3A_72] : memref<128x128xf32, #tpu.memory_space<vmem>> -> memref<16x128xf32, #tpu.memory_space<vmem>>
      %dma_start3A_74 = arith.constant 0 : i32
      %dma_start3A_75 = arith.constant 0 : i32
      %dma_start3A_76 = tpu.memref_slice %arg15[%dma_start3A_74, %dma_start3A_75] : memref<10240x128xf32, #tpu.memory_space<vmem_shared>> -> memref<10240x128xf32, #tpu.memory_space<vmem_shared>>
      tpu.enqueue_indirect_dma source(%dma_start3A_73 : memref<16x128xf32, #tpu.memory_space<vmem>>) target(%dma_start3A_76 : memref<10240x128xf32, #tpu.memory_space<vmem_shared>>) offsets(%arg13 : memref<16xi32, #tpu.memory_space<vmem>>) semaphore(%run_scoped3A : memref<!tpu.dma_semaphore, #tpu.memory_space<semaphore_mem>>) {add = true}
      %dma_wait3A_77 = arith.constant 0 : i32
      %dma_wait3A_78 = arith.constant 0 : i32
      %dma_wait3A_79 = tpu.memref_slice %arg9[%dma_wait3A_77, %dma_wait3A_78] : memref<128x128xf32, #tpu.memory_space<vmem>> -> memref<16x128xf32, #tpu.memory_space<vmem>>
      %dma_wait3A_80 = arith.constant 0 : i32
      %dma_wait3A_81 = arith.constant 0 : i32
      %dma_wait3A_82 = tpu.memref_slice %arg15[%dma_wait3A_80, %dma_wait3A_81] : memref<10240x128xf32, #tpu.memory_space<vmem_shared>> -> memref<10240x128xf32, #tpu.memory_space<vmem_shared>>
      tpu.wait_indirect_dma semaphore(%run_scoped3A : memref<!tpu.dma_semaphore, #tpu.memory_space<semaphore_mem>>) src(%dma_wait3A_79 : memref<16x128xf32, #tpu.memory_space<vmem>>) dst(%dma_wait3A_82 : memref<10240x128xf32, #tpu.memory_space<vmem_shared>>)
      tpu.yield
    }) : () -> ()
    %barrier3A_71 = arith.constant 0 : index
    tpu.barrier barrier_id(%barrier3A_71)
    "tpu.region"() ({
      %run_scoped3A = tpu.sem_alloc : memref<!tpu.dma_semaphore, #tpu.memory_space<semaphore_mem>>
      %dma_start3A = arith.constant 0 : i32
      %dma_start3A_72 = tpu.memref_slice %arg6[%arg0, %mul3A_4, %dma_start3A] : memref<2x10240x128xf32, #tpu.memory_space<hbm>> -> memref<1x640x128xf32, #tpu.memory_space<hbm>>
      %dma_start3A_73 = tpu.memref_squeeze %dma_start3A_72 : memref<1x640x128xf32, #tpu.memory_space<hbm>> -> memref<640x128xf32, #tpu.memory_space<hbm>>
      %dma_start3A_74 = arith.constant 0 : i32
      %dma_start3A_75 = tpu.memref_slice %arg15[%mul3A_4, %dma_start3A_74] : memref<10240x128xf32, #tpu.memory_space<vmem_shared>> -> memref<640x128xf32, #tpu.memory_space<vmem_shared>>
      tpu.enqueue_dma source(%dma_start3A_75 : memref<640x128xf32, #tpu.memory_space<vmem_shared>>) target(%dma_start3A_73 : memref<640x128xf32, #tpu.memory_space<hbm>>) target_semaphore(%run_scoped3A : memref<!tpu.dma_semaphore, #tpu.memory_space<semaphore_mem>>)
      %dma_wait3A_76 = arith.constant 0 : i32
      %dma_wait3A_77 = tpu.memref_slice %arg6[%arg0, %mul3A_4, %dma_wait3A_76] : memref<2x10240x128xf32, #tpu.memory_space<hbm>> -> memref<1x640x128xf32, #tpu.memory_space<hbm>>
      %dma_wait3A_78 = tpu.memref_squeeze %dma_wait3A_77 : memref<1x640x128xf32, #tpu.memory_space<hbm>> -> memref<640x128xf32, #tpu.memory_space<hbm>>
      %dma_wait3A_79 = arith.constant 0 : i32
      %dma_wait3A_80 = tpu.memref_slice %arg15[%mul3A_4, %dma_wait3A_79] : memref<10240x128xf32, #tpu.memory_space<vmem_shared>> -> memref<640x128xf32, #tpu.memory_space<vmem_shared>>
      tpu.wait_dma2 semaphore(%run_scoped3A : memref<!tpu.dma_semaphore, #tpu.memory_space<semaphore_mem>>) src(%dma_wait3A_80 : memref<640x128xf32, #tpu.memory_space<vmem_shared>>) dst(%dma_wait3A_78 : memref<640x128xf32, #tpu.memory_space<hbm>>)
      tpu.yield
    }) : () -> ()
    return
  }
}

#map = affine_map<(d0, d1) -> (0, 0)>
#map1 = affine_map<(d0, d1) -> (0)>
#map2 = affine_map<(d0, d1) -> (0, 0, 0)>
module attributes {stable_mosaic.version = 14 : i64} {
  func.func @_sc_agg_body(%arg0: i32, %arg1: i32, %arg2: memref<10000x128xf32, #tpu.memory_space<hbm>>, %arg3: memref<320000xi32, #tpu.memory_space<hbm>>, %arg4: memref<320000xi32, #tpu.memory_space<hbm>>, %arg5: memref<640x128xf32, #tpu.memory_space<hbm>>, %arg6: memref<2x10240x128xf32, #tpu.memory_space<hbm>>, %arg7: memref<128xi32, #tpu.memory_space<vmem>>, %arg8: memref<128xi32, #tpu.memory_space<vmem>>, %arg9: memref<128x128xf32, #tpu.memory_space<vmem>>, %arg10: memref<128xi32, #tpu.memory_space<vmem>>, %arg11: memref<128xi32, #tpu.memory_space<vmem>>, %arg12: memref<128x128xf32, #tpu.memory_space<vmem>>, %arg13: memref<16xi32, #tpu.memory_space<vmem>>, %arg14: memref<16xi32, #tpu.memory_space<vmem>>, %arg15: memref<16x128xf32, #tpu.memory_space<vmem>>, %arg16: memref<10240x128xf32, #tpu.memory_space<vmem_shared>>, %arg17: memref<!tpu.dma_semaphore, #tpu.memory_space<semaphore_mem>>, %arg18: memref<!tpu.dma_semaphore, #tpu.memory_space<semaphore_mem>>, %arg19: memref<!tpu.dma_semaphore, #tpu.memory_space<semaphore_mem>>, %arg20: memref<!tpu.dma_semaphore, #tpu.memory_space<semaphore_mem>>) attributes {dimension_semantics = [#tpu.dimension_semantics<core_parallel>, #tpu.dimension_semantics<subcore_parallel>], iteration_bounds = array<i64: 2, 16>, scalar_prefetch = 0 : i64, scratch_operands = 14 : i64, tpu.core_type = #tpu.core_type<sc_vector_subcore>, window_params = [{transform_indices = #map}, {transform_indices = #map1}, {transform_indices = #map1}, {transform_indices = #map}, {transform_indices = #map2}]} {
    %mul3A = arith.constant 16 : i32
    %mul3A_0 = arith.muli %arg0, %mul3A : i32
    %add3A = arith.addi %mul3A_0, %arg1 : i32
    %mul3A_1 = arith.constant 10000 : i32
    %mul3A_2 = arith.muli %add3A, %mul3A_1 : i32
    %mul3A_3 = arith.constant 640 : i32
    %mul3A_4 = arith.muli %arg1, %mul3A_3 : i32
    "tpu.region"() ({
      %run_scoped3A = tpu.sem_alloc : memref<!tpu.dma_semaphore, #tpu.memory_space<semaphore_mem>>
      %dma_start3A_36 = arith.constant 0 : i32
      %dma_start3A_37 = tpu.memref_slice %arg16[%mul3A_4, %dma_start3A_36] : memref<10240x128xf32, #tpu.memory_space<vmem_shared>> -> memref<640x128xf32, #tpu.memory_space<vmem_shared>>
      tpu.enqueue_dma source(%arg5 : memref<640x128xf32, #tpu.memory_space<hbm>>) target(%dma_start3A_37 : memref<640x128xf32, #tpu.memory_space<vmem_shared>>) target_semaphore(%run_scoped3A : memref<!tpu.dma_semaphore, #tpu.memory_space<semaphore_mem>>)
      %dma_wait3A_38 = arith.constant 0 : i32
      %dma_wait3A_39 = tpu.memref_slice %arg16[%mul3A_4, %dma_wait3A_38] : memref<10240x128xf32, #tpu.memory_space<vmem_shared>> -> memref<640x128xf32, #tpu.memory_space<vmem_shared>>
      tpu.wait_dma2 semaphore(%run_scoped3A : memref<!tpu.dma_semaphore, #tpu.memory_space<semaphore_mem>>) src(%arg5 : memref<640x128xf32, #tpu.memory_space<hbm>>) dst(%dma_wait3A_39 : memref<640x128xf32, #tpu.memory_space<vmem_shared>>)
      tpu.yield
    }) : () -> ()
    %barrier3A = arith.constant 0 : index
    tpu.barrier barrier_id(%barrier3A)
    %add3A_5 = arith.constant 0 : i32
    %add3A_6 = arith.addi %mul3A_2, %add3A_5 : i32
    %dma_start3A = tpu.memref_slice %arg3[%add3A_6] : memref<320000xi32, #tpu.memory_space<hbm>> -> memref<128xi32, #tpu.memory_space<hbm>>
    %dma_start3A_7 = tpu.memref_slice %arg3[%add3A_6] : memref<320000xi32, #tpu.memory_space<hbm>> -> memref<128xi32, #tpu.memory_space<hbm>>
    tpu.enqueue_dma source(%dma_start3A_7 : memref<128xi32, #tpu.memory_space<hbm>>) target(%arg7 : memref<128xi32, #tpu.memory_space<vmem>>) target_semaphore(%arg19 : memref<!tpu.dma_semaphore, #tpu.memory_space<semaphore_mem>>)
    %dma_start3A_8 = tpu.memref_slice %arg4[%add3A_6] : memref<320000xi32, #tpu.memory_space<hbm>> -> memref<128xi32, #tpu.memory_space<hbm>>
    %dma_start3A_9 = tpu.memref_slice %arg4[%add3A_6] : memref<320000xi32, #tpu.memory_space<hbm>> -> memref<128xi32, #tpu.memory_space<hbm>>
    tpu.enqueue_dma source(%dma_start3A_9 : memref<128xi32, #tpu.memory_space<hbm>>) target(%arg8 : memref<128xi32, #tpu.memory_space<vmem>>) target_semaphore(%arg19 : memref<!tpu.dma_semaphore, #tpu.memory_space<semaphore_mem>>)
    %dma_wait3A = tpu.memref_slice %arg3[%mul3A_2] : memref<320000xi32, #tpu.memory_space<hbm>> -> memref<128xi32, #tpu.memory_space<hbm>>
    %dma_wait3A_10 = tpu.memref_slice %arg3[%mul3A_2] : memref<320000xi32, #tpu.memory_space<hbm>> -> memref<128xi32, #tpu.memory_space<hbm>>
    tpu.wait_dma2 semaphore(%arg19 : memref<!tpu.dma_semaphore, #tpu.memory_space<semaphore_mem>>) src(%dma_wait3A_10 : memref<128xi32, #tpu.memory_space<hbm>>) dst(%arg7 : memref<128xi32, #tpu.memory_space<vmem>>)
    %dma_wait3A_11 = tpu.memref_slice %arg4[%mul3A_2] : memref<320000xi32, #tpu.memory_space<hbm>> -> memref<128xi32, #tpu.memory_space<hbm>>
    %dma_wait3A_12 = tpu.memref_slice %arg4[%mul3A_2] : memref<320000xi32, #tpu.memory_space<hbm>> -> memref<128xi32, #tpu.memory_space<hbm>>
    tpu.wait_dma2 semaphore(%arg19 : memref<!tpu.dma_semaphore, #tpu.memory_space<semaphore_mem>>) src(%dma_wait3A_12 : memref<128xi32, #tpu.memory_space<hbm>>) dst(%arg8 : memref<128xi32, #tpu.memory_space<vmem>>)
    %dma_start3A_13 = arith.constant 0 : i32
    %dma_start3A_14 = arith.constant 0 : i32
    %dma_start3A_15 = tpu.memref_slice %arg2[%dma_start3A_13, %dma_start3A_14] : memref<10000x128xf32, #tpu.memory_space<hbm>> -> memref<10000x128xf32, #tpu.memory_space<hbm>>
    tpu.enqueue_indirect_dma source(%dma_start3A_15 : memref<10000x128xf32, #tpu.memory_space<hbm>>) target(%arg9 : memref<128x128xf32, #tpu.memory_space<vmem>>) offsets(%arg7 : memref<128xi32, #tpu.memory_space<vmem>>) semaphore(%arg17 : memref<!tpu.dma_semaphore, #tpu.memory_space<semaphore_mem>>)
    %add3A_16 = arith.constant 128 : i32
    %add3A_17 = arith.addi %mul3A_2, %add3A_16 : i32
    %dma_start3A_18 = tpu.memref_slice %arg3[%add3A_17] : memref<320000xi32, #tpu.memory_space<hbm>> -> memref<128xi32, #tpu.memory_space<hbm>>
    %dma_start3A_19 = tpu.memref_slice %arg3[%add3A_17] : memref<320000xi32, #tpu.memory_space<hbm>> -> memref<128xi32, #tpu.memory_space<hbm>>
    tpu.enqueue_dma source(%dma_start3A_19 : memref<128xi32, #tpu.memory_space<hbm>>) target(%arg10 : memref<128xi32, #tpu.memory_space<vmem>>) target_semaphore(%arg20 : memref<!tpu.dma_semaphore, #tpu.memory_space<semaphore_mem>>)
    %dma_start3A_20 = tpu.memref_slice %arg4[%add3A_17] : memref<320000xi32, #tpu.memory_space<hbm>> -> memref<128xi32, #tpu.memory_space<hbm>>
    %dma_start3A_21 = tpu.memref_slice %arg4[%add3A_17] : memref<320000xi32, #tpu.memory_space<hbm>> -> memref<128xi32, #tpu.memory_space<hbm>>
    tpu.enqueue_dma source(%dma_start3A_21 : memref<128xi32, #tpu.memory_space<hbm>>) target(%arg11 : memref<128xi32, #tpu.memory_space<vmem>>) target_semaphore(%arg20 : memref<!tpu.dma_semaphore, #tpu.memory_space<semaphore_mem>>)
    %scan3A = arith.constant 0 : i32
    %scan3A_22 = arith.constant 0 : i32
    %scan3A_23 = arith.constant 39 : i32
    %scan3A_24 = arith.addi %scan3A_22, %scan3A_23 : i32
    %scan3A_25 = arith.constant 1 : i32
    scf.for %scan3A_36 = %scan3A_22 to %scan3A_24 step %scan3A_25  : i32 {
      %mul3A_37 = arith.constant 2 : i32
      %mul3A_38 = arith.muli %mul3A_37, %scan3A_36 : i32
      %lt3A = arith.constant 77 : i32
      %lt3A_39 = arith.cmpi slt, %mul3A_38, %lt3A : i32
      %convert_element_type3A = arith.extui %lt3A_39 : i1 to i32
      %cond3A = arith.constant 0 : i32
      %cond3A_40 = arith.cmpi ne, %convert_element_type3A, %cond3A : i32
      scf.if %cond3A_40 {
        %dma_wait3A_66 = tpu.memref_slice %arg3[%mul3A_2] : memref<320000xi32, #tpu.memory_space<hbm>> -> memref<128xi32, #tpu.memory_space<hbm>>
        %dma_wait3A_67 = tpu.memref_slice %arg3[%mul3A_2] : memref<320000xi32, #tpu.memory_space<hbm>> -> memref<128xi32, #tpu.memory_space<hbm>>
        tpu.wait_dma2 semaphore(%arg20 : memref<!tpu.dma_semaphore, #tpu.memory_space<semaphore_mem>>) src(%dma_wait3A_67 : memref<128xi32, #tpu.memory_space<hbm>>) dst(%arg10 : memref<128xi32, #tpu.memory_space<vmem>>)
        %dma_wait3A_68 = tpu.memref_slice %arg4[%mul3A_2] : memref<320000xi32, #tpu.memory_space<hbm>> -> memref<128xi32, #tpu.memory_space<hbm>>
        %dma_wait3A_69 = tpu.memref_slice %arg4[%mul3A_2] : memref<320000xi32, #tpu.memory_space<hbm>> -> memref<128xi32, #tpu.memory_space<hbm>>
        tpu.wait_dma2 semaphore(%arg20 : memref<!tpu.dma_semaphore, #tpu.memory_space<semaphore_mem>>) src(%dma_wait3A_69 : memref<128xi32, #tpu.memory_space<hbm>>) dst(%arg11 : memref<128xi32, #tpu.memory_space<vmem>>)
        %dma_start3A_70 = arith.constant 0 : i32
        %dma_start3A_71 = arith.constant 0 : i32
        %dma_start3A_72 = tpu.memref_slice %arg2[%dma_start3A_70, %dma_start3A_71] : memref<10000x128xf32, #tpu.memory_space<hbm>> -> memref<10000x128xf32, #tpu.memory_space<hbm>>
        tpu.enqueue_indirect_dma source(%dma_start3A_72 : memref<10000x128xf32, #tpu.memory_space<hbm>>) target(%arg12 : memref<128x128xf32, #tpu.memory_space<vmem>>) offsets(%arg10 : memref<128xi32, #tpu.memory_space<vmem>>) semaphore(%arg18 : memref<!tpu.dma_semaphore, #tpu.memory_space<semaphore_mem>>)
      } else {
      }
      %dma_wait3A_41 = arith.constant 0 : i32
      %dma_wait3A_42 = arith.constant 0 : i32
      %dma_wait3A_43 = tpu.memref_slice %arg2[%dma_wait3A_41, %dma_wait3A_42] : memref<10000x128xf32, #tpu.memory_space<hbm>> -> memref<10000x128xf32, #tpu.memory_space<hbm>>
      tpu.wait_indirect_dma semaphore(%arg17 : memref<!tpu.dma_semaphore, #tpu.memory_space<semaphore_mem>>) src(%dma_wait3A_43 : memref<10000x128xf32, #tpu.memory_space<hbm>>) dst(%arg9 : memref<128x128xf32, #tpu.memory_space<vmem>>)
      "tpu.region"() ({
        %run_scoped3A = tpu.sem_alloc : memref<!tpu.dma_semaphore, #tpu.memory_space<semaphore_mem>>
        %dma_start3A_66 = arith.constant 0 : i32
        %dma_start3A_67 = arith.constant 0 : i32
        %dma_start3A_68 = tpu.memref_slice %arg16[%dma_start3A_66, %dma_start3A_67] : memref<10240x128xf32, #tpu.memory_space<vmem_shared>> -> memref<10240x128xf32, #tpu.memory_space<vmem_shared>>
        tpu.enqueue_indirect_dma source(%arg9 : memref<128x128xf32, #tpu.memory_space<vmem>>) target(%dma_start3A_68 : memref<10240x128xf32, #tpu.memory_space<vmem_shared>>) offsets(%arg8 : memref<128xi32, #tpu.memory_space<vmem>>) semaphore(%run_scoped3A : memref<!tpu.dma_semaphore, #tpu.memory_space<semaphore_mem>>) {add = true}
        %dma_wait3A_69 = arith.constant 0 : i32
        %dma_wait3A_70 = arith.constant 0 : i32
        %dma_wait3A_71 = tpu.memref_slice %arg16[%dma_wait3A_69, %dma_wait3A_70] : memref<10240x128xf32, #tpu.memory_space<vmem_shared>> -> memref<10240x128xf32, #tpu.memory_space<vmem_shared>>
        tpu.wait_indirect_dma semaphore(%run_scoped3A : memref<!tpu.dma_semaphore, #tpu.memory_space<semaphore_mem>>) src(%arg9 : memref<128x128xf32, #tpu.memory_space<vmem>>) dst(%dma_wait3A_71 : memref<10240x128xf32, #tpu.memory_space<vmem_shared>>)
        tpu.yield
      }) : () -> ()
      %lt3A_44 = arith.constant 76 : i32
      %lt3A_45 = arith.cmpi slt, %mul3A_38, %lt3A_44 : i32
      %convert_element_type3A_46 = arith.extui %lt3A_45 : i1 to i32
      %cond3A_47 = arith.constant 0 : i32
      %cond3A_48 = arith.cmpi ne, %convert_element_type3A_46, %cond3A_47 : i32
      scf.if %cond3A_48 {
        %add3A_66 = arith.constant 2 : i32
        %add3A_67 = arith.addi %mul3A_38, %add3A_66 : i32
        %mul3A_68 = arith.constant 128 : i32
        %mul3A_69 = arith.muli %add3A_67, %mul3A_68 : i32
        %add3A_70 = arith.addi %mul3A_2, %mul3A_69 : i32
        %dma_start3A_71 = tpu.memref_slice %arg3[%add3A_70] : memref<320000xi32, #tpu.memory_space<hbm>> -> memref<128xi32, #tpu.memory_space<hbm>>
        %dma_start3A_72 = tpu.memref_slice %arg3[%add3A_70] : memref<320000xi32, #tpu.memory_space<hbm>> -> memref<128xi32, #tpu.memory_space<hbm>>
        tpu.enqueue_dma source(%dma_start3A_72 : memref<128xi32, #tpu.memory_space<hbm>>) target(%arg7 : memref<128xi32, #tpu.memory_space<vmem>>) target_semaphore(%arg19 : memref<!tpu.dma_semaphore, #tpu.memory_space<semaphore_mem>>)
        %dma_start3A_73 = tpu.memref_slice %arg4[%add3A_70] : memref<320000xi32, #tpu.memory_space<hbm>> -> memref<128xi32, #tpu.memory_space<hbm>>
        %dma_start3A_74 = tpu.memref_slice %arg4[%add3A_70] : memref<320000xi32, #tpu.memory_space<hbm>> -> memref<128xi32, #tpu.memory_space<hbm>>
        tpu.enqueue_dma source(%dma_start3A_74 : memref<128xi32, #tpu.memory_space<hbm>>) target(%arg8 : memref<128xi32, #tpu.memory_space<vmem>>) target_semaphore(%arg19 : memref<!tpu.dma_semaphore, #tpu.memory_space<semaphore_mem>>)
      } else {
      }
      %mul3A_49 = arith.constant 2 : i32
      %mul3A_50 = arith.muli %mul3A_49, %scan3A_36 : i32
      %add3A_51 = arith.constant 1 : i32
      %add3A_52 = arith.addi %mul3A_50, %add3A_51 : i32
      %lt3A_53 = arith.constant 77 : i32
      %lt3A_54 = arith.cmpi slt, %add3A_52, %lt3A_53 : i32
      %convert_element_type3A_55 = arith.extui %lt3A_54 : i1 to i32
      %cond3A_56 = arith.constant 0 : i32
      %cond3A_57 = arith.cmpi ne, %convert_element_type3A_55, %cond3A_56 : i32
      scf.if %cond3A_57 {
        %dma_wait3A_66 = tpu.memref_slice %arg3[%mul3A_2] : memref<320000xi32, #tpu.memory_space<hbm>> -> memref<128xi32, #tpu.memory_space<hbm>>
        %dma_wait3A_67 = tpu.memref_slice %arg3[%mul3A_2] : memref<320000xi32, #tpu.memory_space<hbm>> -> memref<128xi32, #tpu.memory_space<hbm>>
        tpu.wait_dma2 semaphore(%arg19 : memref<!tpu.dma_semaphore, #tpu.memory_space<semaphore_mem>>) src(%dma_wait3A_67 : memref<128xi32, #tpu.memory_space<hbm>>) dst(%arg7 : memref<128xi32, #tpu.memory_space<vmem>>)
        %dma_wait3A_68 = tpu.memref_slice %arg4[%mul3A_2] : memref<320000xi32, #tpu.memory_space<hbm>> -> memref<128xi32, #tpu.memory_space<hbm>>
        %dma_wait3A_69 = tpu.memref_slice %arg4[%mul3A_2] : memref<320000xi32, #tpu.memory_space<hbm>> -> memref<128xi32, #tpu.memory_space<hbm>>
        tpu.wait_dma2 semaphore(%arg19 : memref<!tpu.dma_semaphore, #tpu.memory_space<semaphore_mem>>) src(%dma_wait3A_69 : memref<128xi32, #tpu.memory_space<hbm>>) dst(%arg8 : memref<128xi32, #tpu.memory_space<vmem>>)
        %dma_start3A_70 = arith.constant 0 : i32
        %dma_start3A_71 = arith.constant 0 : i32
        %dma_start3A_72 = tpu.memref_slice %arg2[%dma_start3A_70, %dma_start3A_71] : memref<10000x128xf32, #tpu.memory_space<hbm>> -> memref<10000x128xf32, #tpu.memory_space<hbm>>
        tpu.enqueue_indirect_dma source(%dma_start3A_72 : memref<10000x128xf32, #tpu.memory_space<hbm>>) target(%arg9 : memref<128x128xf32, #tpu.memory_space<vmem>>) offsets(%arg7 : memref<128xi32, #tpu.memory_space<vmem>>) semaphore(%arg17 : memref<!tpu.dma_semaphore, #tpu.memory_space<semaphore_mem>>)
      } else {
      }
      %dma_wait3A_58 = arith.constant 0 : i32
      %dma_wait3A_59 = arith.constant 0 : i32
      %dma_wait3A_60 = tpu.memref_slice %arg2[%dma_wait3A_58, %dma_wait3A_59] : memref<10000x128xf32, #tpu.memory_space<hbm>> -> memref<10000x128xf32, #tpu.memory_space<hbm>>
      tpu.wait_indirect_dma semaphore(%arg18 : memref<!tpu.dma_semaphore, #tpu.memory_space<semaphore_mem>>) src(%dma_wait3A_60 : memref<10000x128xf32, #tpu.memory_space<hbm>>) dst(%arg12 : memref<128x128xf32, #tpu.memory_space<vmem>>)
      "tpu.region"() ({
        %run_scoped3A = tpu.sem_alloc : memref<!tpu.dma_semaphore, #tpu.memory_space<semaphore_mem>>
        %dma_start3A_66 = arith.constant 0 : i32
        %dma_start3A_67 = arith.constant 0 : i32
        %dma_start3A_68 = tpu.memref_slice %arg16[%dma_start3A_66, %dma_start3A_67] : memref<10240x128xf32, #tpu.memory_space<vmem_shared>> -> memref<10240x128xf32, #tpu.memory_space<vmem_shared>>
        tpu.enqueue_indirect_dma source(%arg12 : memref<128x128xf32, #tpu.memory_space<vmem>>) target(%dma_start3A_68 : memref<10240x128xf32, #tpu.memory_space<vmem_shared>>) offsets(%arg11 : memref<128xi32, #tpu.memory_space<vmem>>) semaphore(%run_scoped3A : memref<!tpu.dma_semaphore, #tpu.memory_space<semaphore_mem>>) {add = true}
        %dma_wait3A_69 = arith.constant 0 : i32
        %dma_wait3A_70 = arith.constant 0 : i32
        %dma_wait3A_71 = tpu.memref_slice %arg16[%dma_wait3A_69, %dma_wait3A_70] : memref<10240x128xf32, #tpu.memory_space<vmem_shared>> -> memref<10240x128xf32, #tpu.memory_space<vmem_shared>>
        tpu.wait_indirect_dma semaphore(%run_scoped3A : memref<!tpu.dma_semaphore, #tpu.memory_space<semaphore_mem>>) src(%arg12 : memref<128x128xf32, #tpu.memory_space<vmem>>) dst(%dma_wait3A_71 : memref<10240x128xf32, #tpu.memory_space<vmem_shared>>)
        tpu.yield
      }) : () -> ()
      %lt3A_61 = arith.constant 76 : i32
      %lt3A_62 = arith.cmpi slt, %add3A_52, %lt3A_61 : i32
      %convert_element_type3A_63 = arith.extui %lt3A_62 : i1 to i32
      %cond3A_64 = arith.constant 0 : i32
      %cond3A_65 = arith.cmpi ne, %convert_element_type3A_63, %cond3A_64 : i32
      scf.if %cond3A_65 {
        %add3A_66 = arith.constant 2 : i32
        %add3A_67 = arith.addi %add3A_52, %add3A_66 : i32
        %mul3A_68 = arith.constant 128 : i32
        %mul3A_69 = arith.muli %add3A_67, %mul3A_68 : i32
        %add3A_70 = arith.addi %mul3A_2, %mul3A_69 : i32
        %dma_start3A_71 = tpu.memref_slice %arg3[%add3A_70] : memref<320000xi32, #tpu.memory_space<hbm>> -> memref<128xi32, #tpu.memory_space<hbm>>
        %dma_start3A_72 = tpu.memref_slice %arg3[%add3A_70] : memref<320000xi32, #tpu.memory_space<hbm>> -> memref<128xi32, #tpu.memory_space<hbm>>
        tpu.enqueue_dma source(%dma_start3A_72 : memref<128xi32, #tpu.memory_space<hbm>>) target(%arg10 : memref<128xi32, #tpu.memory_space<vmem>>) target_semaphore(%arg20 : memref<!tpu.dma_semaphore, #tpu.memory_space<semaphore_mem>>)
        %dma_start3A_73 = tpu.memref_slice %arg4[%add3A_70] : memref<320000xi32, #tpu.memory_space<hbm>> -> memref<128xi32, #tpu.memory_space<hbm>>
        %dma_start3A_74 = tpu.memref_slice %arg4[%add3A_70] : memref<320000xi32, #tpu.memory_space<hbm>> -> memref<128xi32, #tpu.memory_space<hbm>>
        tpu.enqueue_dma source(%dma_start3A_74 : memref<128xi32, #tpu.memory_space<hbm>>) target(%arg11 : memref<128xi32, #tpu.memory_space<vmem>>) target_semaphore(%arg20 : memref<!tpu.dma_semaphore, #tpu.memory_space<semaphore_mem>>)
      } else {
      }
    }
    %scan3A_26 = arith.constant 39 : i32
    %add3A_27 = arith.constant 9984 : i32
    %add3A_28 = arith.addi %mul3A_2, %add3A_27 : i32
    "tpu.region"() ({
      %run_scoped3A = tpu.sem_alloc : memref<!tpu.dma_semaphore, #tpu.memory_space<semaphore_mem>>
      %dma_start3A_36 = tpu.memref_slice %arg3[%add3A_28] : memref<320000xi32, #tpu.memory_space<hbm>> -> memref<16xi32, #tpu.memory_space<hbm>>
      %dma_start3A_37 = tpu.memref_slice %arg3[%add3A_28] : memref<320000xi32, #tpu.memory_space<hbm>> -> memref<16xi32, #tpu.memory_space<hbm>>
      tpu.enqueue_dma source(%dma_start3A_37 : memref<16xi32, #tpu.memory_space<hbm>>) target(%arg13 : memref<16xi32, #tpu.memory_space<vmem>>) target_semaphore(%run_scoped3A : memref<!tpu.dma_semaphore, #tpu.memory_space<semaphore_mem>>)
      %dma_wait3A_38 = tpu.memref_slice %arg3[%add3A_28] : memref<320000xi32, #tpu.memory_space<hbm>> -> memref<16xi32, #tpu.memory_space<hbm>>
      %dma_wait3A_39 = tpu.memref_slice %arg3[%add3A_28] : memref<320000xi32, #tpu.memory_space<hbm>> -> memref<16xi32, #tpu.memory_space<hbm>>
      tpu.wait_dma2 semaphore(%run_scoped3A : memref<!tpu.dma_semaphore, #tpu.memory_space<semaphore_mem>>) src(%dma_wait3A_39 : memref<16xi32, #tpu.memory_space<hbm>>) dst(%arg13 : memref<16xi32, #tpu.memory_space<vmem>>)
      tpu.yield
    }) : () -> ()
    "tpu.region"() ({
      %run_scoped3A = tpu.sem_alloc : memref<!tpu.dma_semaphore, #tpu.memory_space<semaphore_mem>>
      %dma_start3A_36 = tpu.memref_slice %arg4[%add3A_28] : memref<320000xi32, #tpu.memory_space<hbm>> -> memref<16xi32, #tpu.memory_space<hbm>>
      %dma_start3A_37 = tpu.memref_slice %arg4[%add3A_28] : memref<320000xi32, #tpu.memory_space<hbm>> -> memref<16xi32, #tpu.memory_space<hbm>>
      tpu.enqueue_dma source(%dma_start3A_37 : memref<16xi32, #tpu.memory_space<hbm>>) target(%arg14 : memref<16xi32, #tpu.memory_space<vmem>>) target_semaphore(%run_scoped3A : memref<!tpu.dma_semaphore, #tpu.memory_space<semaphore_mem>>)
      %dma_wait3A_38 = tpu.memref_slice %arg4[%add3A_28] : memref<320000xi32, #tpu.memory_space<hbm>> -> memref<16xi32, #tpu.memory_space<hbm>>
      %dma_wait3A_39 = tpu.memref_slice %arg4[%add3A_28] : memref<320000xi32, #tpu.memory_space<hbm>> -> memref<16xi32, #tpu.memory_space<hbm>>
      tpu.wait_dma2 semaphore(%run_scoped3A : memref<!tpu.dma_semaphore, #tpu.memory_space<semaphore_mem>>) src(%dma_wait3A_39 : memref<16xi32, #tpu.memory_space<hbm>>) dst(%arg14 : memref<16xi32, #tpu.memory_space<vmem>>)
      tpu.yield
    }) : () -> ()
    %dma_start3A_29 = arith.constant 0 : i32
    %dma_start3A_30 = arith.constant 0 : i32
    %dma_start3A_31 = tpu.memref_slice %arg2[%dma_start3A_29, %dma_start3A_30] : memref<10000x128xf32, #tpu.memory_space<hbm>> -> memref<10000x128xf32, #tpu.memory_space<hbm>>
    tpu.enqueue_indirect_dma source(%dma_start3A_31 : memref<10000x128xf32, #tpu.memory_space<hbm>>) target(%arg15 : memref<16x128xf32, #tpu.memory_space<vmem>>) offsets(%arg13 : memref<16xi32, #tpu.memory_space<vmem>>) semaphore(%arg17 : memref<!tpu.dma_semaphore, #tpu.memory_space<semaphore_mem>>)
    %dma_wait3A_32 = arith.constant 0 : i32
    %dma_wait3A_33 = arith.constant 0 : i32
    %dma_wait3A_34 = tpu.memref_slice %arg2[%dma_wait3A_32, %dma_wait3A_33] : memref<10000x128xf32, #tpu.memory_space<hbm>> -> memref<10000x128xf32, #tpu.memory_space<hbm>>
    tpu.wait_indirect_dma semaphore(%arg17 : memref<!tpu.dma_semaphore, #tpu.memory_space<semaphore_mem>>) src(%dma_wait3A_34 : memref<10000x128xf32, #tpu.memory_space<hbm>>) dst(%arg15 : memref<16x128xf32, #tpu.memory_space<vmem>>)
    "tpu.region"() ({
      %run_scoped3A = tpu.sem_alloc : memref<!tpu.dma_semaphore, #tpu.memory_space<semaphore_mem>>
      %dma_start3A_36 = arith.constant 0 : i32
      %dma_start3A_37 = arith.constant 0 : i32
      %dma_start3A_38 = tpu.memref_slice %arg16[%dma_start3A_36, %dma_start3A_37] : memref<10240x128xf32, #tpu.memory_space<vmem_shared>> -> memref<10240x128xf32, #tpu.memory_space<vmem_shared>>
      tpu.enqueue_indirect_dma source(%arg15 : memref<16x128xf32, #tpu.memory_space<vmem>>) target(%dma_start3A_38 : memref<10240x128xf32, #tpu.memory_space<vmem_shared>>) offsets(%arg14 : memref<16xi32, #tpu.memory_space<vmem>>) semaphore(%run_scoped3A : memref<!tpu.dma_semaphore, #tpu.memory_space<semaphore_mem>>) {add = true}
      %dma_wait3A_39 = arith.constant 0 : i32
      %dma_wait3A_40 = arith.constant 0 : i32
      %dma_wait3A_41 = tpu.memref_slice %arg16[%dma_wait3A_39, %dma_wait3A_40] : memref<10240x128xf32, #tpu.memory_space<vmem_shared>> -> memref<10240x128xf32, #tpu.memory_space<vmem_shared>>
      tpu.wait_indirect_dma semaphore(%run_scoped3A : memref<!tpu.dma_semaphore, #tpu.memory_space<semaphore_mem>>) src(%arg15 : memref<16x128xf32, #tpu.memory_space<vmem>>) dst(%dma_wait3A_41 : memref<10240x128xf32, #tpu.memory_space<vmem_shared>>)
      tpu.yield
    }) : () -> ()
    %barrier3A_35 = arith.constant 0 : index
    tpu.barrier barrier_id(%barrier3A_35)
    "tpu.region"() ({
      %run_scoped3A = tpu.sem_alloc : memref<!tpu.dma_semaphore, #tpu.memory_space<semaphore_mem>>
      %dma_start3A_36 = arith.constant 0 : i32
      %dma_start3A_37 = tpu.memref_slice %arg6[%arg0, %mul3A_4, %dma_start3A_36] : memref<2x10240x128xf32, #tpu.memory_space<hbm>> -> memref<1x640x128xf32, #tpu.memory_space<hbm>>
      %dma_start3A_38 = tpu.memref_squeeze %dma_start3A_37 : memref<1x640x128xf32, #tpu.memory_space<hbm>> -> memref<640x128xf32, #tpu.memory_space<hbm>>
      %dma_start3A_39 = arith.constant 0 : i32
      %dma_start3A_40 = tpu.memref_slice %arg16[%mul3A_4, %dma_start3A_39] : memref<10240x128xf32, #tpu.memory_space<vmem_shared>> -> memref<640x128xf32, #tpu.memory_space<vmem_shared>>
      tpu.enqueue_dma source(%dma_start3A_40 : memref<640x128xf32, #tpu.memory_space<vmem_shared>>) target(%dma_start3A_38 : memref<640x128xf32, #tpu.memory_space<hbm>>) target_semaphore(%run_scoped3A : memref<!tpu.dma_semaphore, #tpu.memory_space<semaphore_mem>>)
      %dma_wait3A_41 = arith.constant 0 : i32
      %dma_wait3A_42 = tpu.memref_slice %arg6[%arg0, %mul3A_4, %dma_wait3A_41] : memref<2x10240x128xf32, #tpu.memory_space<hbm>> -> memref<1x640x128xf32, #tpu.memory_space<hbm>>
      %dma_wait3A_43 = tpu.memref_squeeze %dma_wait3A_42 : memref<1x640x128xf32, #tpu.memory_space<hbm>> -> memref<640x128xf32, #tpu.memory_space<hbm>>
      %dma_wait3A_44 = arith.constant 0 : i32
      %dma_wait3A_45 = tpu.memref_slice %arg16[%mul3A_4, %dma_wait3A_44] : memref<10240x128xf32, #tpu.memory_space<vmem_shared>> -> memref<640x128xf32, #tpu.memory_space<vmem_shared>>
      tpu.wait_dma2 semaphore(%run_scoped3A : memref<!tpu.dma_semaphore, #tpu.memory_space<semaphore_mem>>) src(%dma_wait3A_45 : memref<640x128xf32, #tpu.memory_space<vmem_shared>>) dst(%dma_wait3A_43 : memref<640x128xf32, #tpu.memory_space<hbm>>)
      tpu.yield
    }) : () -> ()
    return
  }
}

module attributes {stable_mosaic.version = 14 : i64} {
  func.func @_tc2_body(%arg0: i32, %arg1: memref<2x1000x128xf32, #tpu.memory_space<vmem>>, %arg2: memref<2x1000x128xf32, #tpu.memory_space<vmem>>, %arg3: memref<1000x16xf32, #tpu.memory_space<vmem>>, %arg4: memref<1000x128xf32, #tpu.memory_space<vmem>>, %arg5: memref<128x128xf32, #tpu.memory_space<vmem>>, %arg6: memref<1x128xf32, #tpu.memory_space<vmem>>, %arg7: memref<128x128xf32, #tpu.memory_space<vmem>>, %arg8: memref<128x128xf32, #tpu.memory_space<vmem>>, %arg9: memref<1x128xf32, #tpu.memory_space<vmem>>, %arg10: memref<128x128xf32, #tpu.memory_space<vmem>>, %arg11: memref<5x128xf32, #tpu.memory_space<vmem>>, %arg12: memref<1x5xf32, #tpu.memory_space<vmem>>, %arg13: memref<1x5xf32, #tpu.memory_space<vmem>>, %arg14: memref<8x128xf32, #tpu.memory_space<vmem>>) attributes {dimension_semantics = [#tpu.dimension_semantics<arbitrary>], iteration_bounds = array<i64: 10>, scalar_prefetch = 0 : i64, scratch_operands = 1 : i64, tpu.core_type = #tpu.core_type<tc>, window_params = [{transform_indices = @transform_0, window_bounds = array<i64: 2, 1000, 128>}, {transform_indices = @transform_1, window_bounds = array<i64: 2, 1000, 128>}, {transform_indices = @transform_2, window_bounds = array<i64: 1000, 16>}, {transform_indices = @transform_3, window_bounds = array<i64: 1000, 128>}, {pipeline_mode = #tpu.pipeline_mode<synchronous>, transform_indices = @transform_4, window_bounds = array<i64: 128, 128>}, {pipeline_mode = #tpu.pipeline_mode<synchronous>, transform_indices = @transform_5, window_bounds = array<i64: 1, 128>}, {pipeline_mode = #tpu.pipeline_mode<synchronous>, transform_indices = @transform_6, window_bounds = array<i64: 128, 128>}, {pipeline_mode = #tpu.pipeline_mode<synchronous>, transform_indices = @transform_7, window_bounds = array<i64: 128, 128>}, {pipeline_mode = #tpu.pipeline_mode<synchronous>, transform_indices = @transform_8, window_bounds = array<i64: 1, 128>}, {pipeline_mode = #tpu.pipeline_mode<synchronous>, transform_indices = @transform_9, window_bounds = array<i64: 128, 128>}, {pipeline_mode = #tpu.pipeline_mode<synchronous>, transform_indices = @transform_10, window_bounds = array<i64: 5, 128>}, {pipeline_mode = #tpu.pipeline_mode<synchronous>, transform_indices = @transform_11, window_bounds = array<i64: 1, 5>}, {pipeline_mode = #tpu.pipeline_mode<synchronous>, transform_indices = @transform_12, window_bounds = array<i64: 1, 5>}]} {
    %eq3A = arith.constant 0 : i32
    %eq3A_0 = arith.cmpi eq, %arg0, %eq3A : i32
    %convert_element_type3A = arith.extui %eq3A_0 : i1 to i32
    %cond3A = arith.constant 0 : i32
    %cond3A_1 = arith.cmpi ne, %convert_element_type3A, %cond3A : i32
    scf.if %cond3A_1 {
      %broadcast_in_dim3A_67 = arith.constant 0.000000e+00 : f32
      %broadcast_in_dim3A_68 = vector.broadcast %broadcast_in_dim3A_67 : f32 to vector<8x128xf32>
      %swap3A_69 = arith.constant 0 : index
      %swap3A_70 = arith.constant 0 : index
      %swap3A_71 = vector.load %arg14[%swap3A_69, %swap3A_70] : memref<8x128xf32, #tpu.memory_space<vmem>>, vector<8x128xf32>
      tpu.vector_store %arg14[%swap3A_69, %swap3A_70], %broadcast_in_dim3A_68 {strides = array<i32>} : memref<8x128xf32, #tpu.memory_space<vmem>>, vector<8x128xf32>,
    } else {
    }
    %get3A = arith.constant 0 : index
    %get3A_2 = arith.constant 0 : index
    %get3A_3 = arith.constant 0 : index
    %get3A_4 = vector.load %arg1[%get3A, %get3A_2, %get3A_3] : memref<2x1000x128xf32, #tpu.memory_space<vmem>>, vector<1x1000x128xf32>
    %get3A_5 = vector.shape_cast %get3A_4 : vector<1x1000x128xf32> to vector<1000x128xf32>
    %get3A_6 = arith.constant 1 : index
    %get3A_7 = arith.constant 0 : index
    %get3A_8 = arith.constant 0 : index
    %get3A_9 = vector.load %arg1[%get3A_6, %get3A_7, %get3A_8] : memref<2x1000x128xf32, #tpu.memory_space<vmem>>, vector<1x1000x128xf32>
    %get3A_10 = vector.shape_cast %get3A_9 : vector<1x1000x128xf32> to vector<1000x128xf32>
    %add3A = arith.addf %get3A_5, %get3A_10 : vector<1000x128xf32>
    %get3A_11 = arith.constant 0 : index
    %get3A_12 = arith.constant 0 : index
    %get3A_13 = vector.load %arg3[%get3A_11, %get3A_12] : memref<1000x16xf32, #tpu.memory_space<vmem>>, vector<1000x1xf32>
    %mul3A = vector.broadcast %get3A_13 : vector<1000x1xf32> to vector<1000x128xf32>
    %mul3A_14 = arith.mulf %add3A, %mul3A : vector<1000x128xf32>
    %get3A_15 = arith.constant 0 : index
    %get3A_16 = arith.constant 0 : index
    %get3A_17 = vector.load %arg5[%get3A_15, %get3A_16] : memref<128x128xf32, #tpu.memory_space<vmem>>, vector<128x128xf32>
    %dot_general3A = arith.constant dense<0.000000e+00> : vector<1000x128xf32>
    %dot_general3A_18 = tpu.matmul %mul3A_14, %get3A_17, %dot_general3A {dimension_numbers = #tpu.dot_dimension_numbers<[1], [1], [0], [0], [0, 0, 1, 0], [], []>, transpose_lhs_hint = false} : vector<1000x128xf32>, vector<128x128xf32>, vector<1000x128xf32> -> vector<1000x128xf32>
    %get3A_19 = arith.constant 0 : index
    %get3A_20 = arith.constant 0 : index
    %get3A_21 = vector.load %arg6[%get3A_19, %get3A_20] : memref<1x128xf32, #tpu.memory_space<vmem>>, vector<1x128xf32>
    %add3A_22 = vector.broadcast %get3A_21 : vector<1x128xf32> to vector<1000x128xf32>
    %add3A_23 = arith.addf %dot_general3A_18, %add3A_22 : vector<1000x128xf32>
    %get3A_24 = arith.constant 0 : index
    %get3A_25 = arith.constant 0 : index
    %get3A_26 = vector.load %arg4[%get3A_24, %get3A_25] : memref<1000x128xf32, #tpu.memory_space<vmem>>, vector<1000x128xf32>
    %get3A_27 = arith.constant 0 : index
    %get3A_28 = arith.constant 0 : index
    %get3A_29 = vector.load %arg7[%get3A_27, %get3A_28] : memref<128x128xf32, #tpu.memory_space<vmem>>, vector<128x128xf32>
    %dot_general3A_30 = arith.constant dense<0.000000e+00> : vector<1000x128xf32>
    %dot_general3A_31 = tpu.matmul %get3A_26, %get3A_29, %dot_general3A_30 {dimension_numbers = #tpu.dot_dimension_numbers<[1], [1], [0], [0], [0, 0, 1, 0], [], []>, transpose_lhs_hint = false} : vector<1000x128xf32>, vector<128x128xf32>, vector<1000x128xf32> -> vector<1000x128xf32>
    %add3A_32 = arith.addf %add3A_23, %dot_general3A_31 : vector<1000x128xf32>
    %max3A = arith.constant 0.000000e+00 : f32
    %max3A_33 = vector.broadcast %max3A : f32 to vector<1000x128xf32>
    %max3A_34 = arith.maximumf %add3A_32, %max3A_33 : vector<1000x128xf32>
    %get3A_35 = arith.constant 0 : index
    %get3A_36 = arith.constant 0 : index
    %get3A_37 = arith.constant 0 : index
    %get3A_38 = vector.load %arg2[%get3A_35, %get3A_36, %get3A_37] : memref<2x1000x128xf32, #tpu.memory_space<vmem>>, vector<1x1000x1xf32>
    %get3A_39 = vector.shape_cast %get3A_38 : vector<1x1000x1xf32> to vector<1000x1xf32>
    %get3A_40 = arith.constant 1 : index
    %get3A_41 = arith.constant 0 : index
    %get3A_42 = arith.constant 0 : index
    %get3A_43 = vector.load %arg2[%get3A_40, %get3A_41, %get3A_42] : memref<2x1000x128xf32, #tpu.memory_space<vmem>>, vector<1x1000x1xf32>
    %get3A_44 = vector.shape_cast %get3A_43 : vector<1x1000x1xf32> to vector<1000x1xf32>
    %add3A_45 = arith.addf %get3A_39, %get3A_44 : vector<1000x1xf32>
    %dot_general3A_46 = arith.constant dense<0.000000e+00> : vector<1x128xf32>
    %dot_general3A_47 = tpu.matmul %add3A_45, %max3A_34, %dot_general3A_46 {dimension_numbers = #tpu.dot_dimension_numbers<[0], [0], [1], [1], [0, 1, 1, 1], [], []>, transpose_lhs_hint = false} : vector<1000x1xf32>, vector<1000x128xf32>, vector<1x128xf32> -> vector<1x128xf32>
    %reduce_sum3A = arith.constant dense<0.000000e+00> : vector<128xf32>
    %reduce_sum3A_48 = vector.multi_reduction <add>, %max3A_34, %reduce_sum3A [0] : vector<1000x128xf32> to vector<128xf32>
    %broadcast_in_dim3A = vector.shape_cast %reduce_sum3A_48 : vector<128xf32> to vector<1x128xf32>
    %get3A_49 = arith.constant 0 : index
    %get3A_50 = arith.constant 0 : index
    %get3A_51 = vector.load %arg14[%get3A_49, %get3A_50] : memref<8x128xf32, #tpu.memory_space<vmem>>, vector<1x128xf32>
    %add3A_52 = arith.addf %get3A_51, %dot_general3A_47 : vector<1x128xf32>
    %swap3A = arith.constant 0 : index
    %swap3A_53 = arith.constant 0 : index
    %swap3A_54 = vector.load %arg14[%swap3A, %swap3A_53] : memref<8x128xf32, #tpu.memory_space<vmem>>, vector<1x128xf32>
    tpu.vector_store %arg14[%swap3A, %swap3A_53], %add3A_52 {strides = array<i32>} : memref<8x128xf32, #tpu.memory_space<vmem>>, vector<1x128xf32>,
    %get3A_55 = arith.constant 1 : index
    %get3A_56 = arith.constant 0 : index
    %get3A_57 = vector.load %arg14[%get3A_55, %get3A_56] : memref<8x128xf32, #tpu.memory_space<vmem>>, vector<1x128xf32>
    %add3A_58 = arith.addf %get3A_57, %broadcast_in_dim3A : vector<1x128xf32>
    %swap3A_59 = arith.constant 1 : index
    %swap3A_60 = arith.constant 0 : index
    %swap3A_61 = vector.load %arg14[%swap3A_59, %swap3A_60] : memref<8x128xf32, #tpu.memory_space<vmem>>, vector<1x128xf32>
    tpu.vector_store %arg14[%swap3A_59, %swap3A_60], %add3A_58 {strides = array<i32>} : memref<8x128xf32, #tpu.memory_space<vmem>>, vector<1x128xf32>,
    %eq3A_62 = arith.constant 9 : i32
    %eq3A_63 = arith.cmpi eq, %arg0, %eq3A_62 : i32
    %convert_element_type3A_64 = arith.extui %eq3A_63 : i1 to i32
    %cond3A_65 = arith.constant 0 : i32
    %cond3A_66 = arith.cmpi ne, %convert_element_type3A_64, %cond3A_65 : i32
    scf.if %cond3A_66 {
      %get3A_67 = arith.constant 0 : index
      %get3A_68 = arith.constant 0 : index
      %get3A_69 = vector.load %arg14[%get3A_67, %get3A_68] : memref<8x128xf32, #tpu.memory_space<vmem>>, vector<1x128xf32>
      %mul3A_70 = arith.constant 9.99999974E-5 : f32
      %mul3A_71 = vector.broadcast %mul3A_70 : f32 to vector<1x128xf32>
      %mul3A_72 = arith.mulf %get3A_69, %mul3A_71 : vector<1x128xf32>
      %get3A_73 = arith.constant 0 : index
      %get3A_74 = arith.constant 0 : index
      %get3A_75 = vector.load %arg8[%get3A_73, %get3A_74] : memref<128x128xf32, #tpu.memory_space<vmem>>, vector<128x128xf32>
      %dot_general3A_76 = arith.constant dense<0.000000e+00> : vector<1x128xf32>
      %dot_general3A_77 = tpu.matmul %mul3A_72, %get3A_75, %dot_general3A_76 {dimension_numbers = #tpu.dot_dimension_numbers<[1], [1], [0], [0], [0, 0, 1, 0], [], []>, transpose_lhs_hint = false} : vector<1x128xf32>, vector<128x128xf32>, vector<1x128xf32> -> vector<1x128xf32>
      %get3A_78 = arith.constant 0 : index
      %get3A_79 = arith.constant 0 : index
      %get3A_80 = vector.load %arg9[%get3A_78, %get3A_79] : memref<1x128xf32, #tpu.memory_space<vmem>>, vector<1x128xf32>
      %add3A_81 = arith.addf %dot_general3A_77, %get3A_80 : vector<1x128xf32>
      %get3A_82 = arith.constant 1 : index
      %get3A_83 = arith.constant 0 : index
      %get3A_84 = vector.load %arg14[%get3A_82, %get3A_83] : memref<8x128xf32, #tpu.memory_space<vmem>>, vector<1x128xf32>
      %mul3A_85 = arith.constant 9.99999974E-5 : f32
      %mul3A_86 = vector.broadcast %mul3A_85 : f32 to vector<1x128xf32>
      %mul3A_87 = arith.mulf %get3A_84, %mul3A_86 : vector<1x128xf32>
      %get3A_88 = arith.constant 0 : index
      %get3A_89 = arith.constant 0 : index
      %get3A_90 = vector.load %arg10[%get3A_88, %get3A_89] : memref<128x128xf32, #tpu.memory_space<vmem>>, vector<128x128xf32>
      %dot_general3A_91 = arith.constant dense<0.000000e+00> : vector<1x128xf32>
      %dot_general3A_92 = tpu.matmul %mul3A_87, %get3A_90, %dot_general3A_91 {dimension_numbers = #tpu.dot_dimension_numbers<[1], [1], [0], [0], [0, 0, 1, 0], [], []>, transpose_lhs_hint = false} : vector<1x128xf32>, vector<128x128xf32>, vector<1x128xf32> -> vector<1x128xf32>
      %add3A_93 = arith.addf %add3A_81, %dot_general3A_92 : vector<1x128xf32>
      %get3A_94 = arith.constant 0 : index
      %get3A_95 = arith.constant 0 : index
      %get3A_96 = vector.load %arg11[%get3A_94, %get3A_95] : memref<5x128xf32, #tpu.memory_space<vmem>>, vector<5x128xf32>
      %dot_general3A_97 = arith.constant dense<0.000000e+00> : vector<1x5xf32>
      %dot_general3A_98 = tpu.matmul %add3A_93, %get3A_96, %dot_general3A_97 {dimension_numbers = #tpu.dot_dimension_numbers<[1], [1], [0], [0], [0, 0, 1, 0], [], []>, transpose_lhs_hint = false} : vector<1x128xf32>, vector<5x128xf32>, vector<1x5xf32> -> vector<1x5xf32>
      %get3A_99 = arith.constant 0 : index
      %get3A_100 = arith.constant 0 : index
      %get3A_101 = vector.load %arg12[%get3A_99, %get3A_100] : memref<1x5xf32, #tpu.memory_space<vmem>>, vector<1x5xf32>
      %add3A_102 = arith.addf %dot_general3A_98, %get3A_101 : vector<1x5xf32>
      %swap3A_103 = arith.constant 0 : index
      %swap3A_104 = arith.constant 0 : index
      %swap3A_105 = vector.load %arg13[%swap3A_103, %swap3A_104] : memref<1x5xf32, #tpu.memory_space<vmem>>, vector<1x5xf32>
      tpu.vector_store %arg13[%swap3A_103, %swap3A_104], %add3A_102 {strides = array<i32>} : memref<1x5xf32, #tpu.memory_space<vmem>>, vector<1x5xf32>,
    } else {
    }
    return
  }
  func.func @transform_0(%arg0: i32) -> (i32, i32, i32) {
    %c0_i32 = arith.constant 0 : i32
    %c0_i32_0 = arith.constant 0 : i32
    %c0_i32_1 = arith.constant 0 : i32
    return %c0_i32, %arg0, %c0_i32_0 : i32, i32, i32
  }
  func.func @transform_1(%arg0: i32) -> (i32, i32, i32) {
    %c0_i32 = arith.constant 0 : i32
    %c0_i32_0 = arith.constant 0 : i32
    %c0_i32_1 = arith.constant 0 : i32
    return %c0_i32, %arg0, %c0_i32_0 : i32, i32, i32
  }
  func.func @transform_2(%arg0: i32) -> (i32, i32) {
    %c0_i32 = arith.constant 0 : i32
    %c0_i32_0 = arith.constant 0 : i32
    return %arg0, %c0_i32 : i32, i32
  }
  func.func @transform_3(%arg0: i32) -> (i32, i32) {
    %c0_i32 = arith.constant 0 : i32
    %c0_i32_0 = arith.constant 0 : i32
    return %arg0, %c0_i32 : i32, i32
  }
  func.func @transform_4(%arg0: i32) -> (i32, i32) {
    %c0_i32 = arith.constant 0 : i32
    %c0_i32_0 = arith.constant 0 : i32
    %c0_i32_1 = arith.constant 0 : i32
    return %c0_i32, %c0_i32_0 : i32, i32
  }
  func.func @transform_5(%arg0: i32) -> (i32, i32) {
    %c0_i32 = arith.constant 0 : i32
    %c0_i32_0 = arith.constant 0 : i32
    %c0_i32_1 = arith.constant 0 : i32
    return %c0_i32, %c0_i32_0 : i32, i32
  }
  func.func @transform_6(%arg0: i32) -> (i32, i32) {
    %c0_i32 = arith.constant 0 : i32
    %c0_i32_0 = arith.constant 0 : i32
    %c0_i32_1 = arith.constant 0 : i32
    return %c0_i32, %c0_i32_0 : i32, i32
  }
  func.func @transform_7(%arg0: i32) -> (i32, i32) {
    %c0_i32 = arith.constant 0 : i32
    %c0_i32_0 = arith.constant 0 : i32
    %c0_i32_1 = arith.constant 0 : i32
    return %c0_i32, %c0_i32_0 : i32, i32
  }
  func.func @transform_8(%arg0: i32) -> (i32, i32) {
    %c0_i32 = arith.constant 0 : i32
    %c0_i32_0 = arith.constant 0 : i32
    %c0_i32_1 = arith.constant 0 : i32
    return %c0_i32, %c0_i32_0 : i32, i32
  }
  func.func @transform_9(%arg0: i32) -> (i32, i32) {
    %c0_i32 = arith.constant 0 : i32
    %c0_i32_0 = arith.constant 0 : i32
    %c0_i32_1 = arith.constant 0 : i32
    return %c0_i32, %c0_i32_0 : i32, i32
  }
  func.func @transform_10(%arg0: i32) -> (i32, i32) {
    %c0_i32 = arith.constant 0 : i32
    %c0_i32_0 = arith.constant 0 : i32
    %c0_i32_1 = arith.constant 0 : i32
    return %c0_i32, %c0_i32_0 : i32, i32
  }
  func.func @transform_11(%arg0: i32) -> (i32, i32) {
    %c0_i32 = arith.constant 0 : i32
    %c0_i32_0 = arith.constant 0 : i32
    %c0_i32_1 = arith.constant 0 : i32
    return %c0_i32, %c0_i32_0 : i32, i32
  }
  func.func @transform_12(%arg0: i32) -> (i32, i32) {
    %c0_i32 = arith.constant 0 : i32
    %c0_i32_0 = arith.constant 0 : i32
    %c0_i32_1 = arith.constant 0 : i32
    return %c0_i32, %c0_i32_0 : i32, i32
  }
}

module attributes {stable_mosaic.version = 14 : i64} {
  func.func @_tc1_body(%arg0: i32, %arg1: memref<2x1000x128xf32, #tpu.memory_space<vmem>>, %arg2: memref<2x1000x128xf32, #tpu.memory_space<vmem>>, %arg3: memref<1000x128xf32, #tpu.memory_space<vmem>>, %arg4: memref<128x128xf32, #tpu.memory_space<vmem>>, %arg5: memref<1x128xf32, #tpu.memory_space<vmem>>, %arg6: memref<128x128xf32, #tpu.memory_space<vmem>>, %arg7: memref<1000x128xf32, #tpu.memory_space<vmem>>, %arg8: memref<1000x16xf32, #tpu.memory_space<vmem>>) attributes {dimension_semantics = [#tpu.dimension_semantics<arbitrary>], iteration_bounds = array<i64: 10>, scalar_prefetch = 0 : i64, scratch_operands = 0 : i64, tpu.core_type = #tpu.core_type<tc>, window_params = [{transform_indices = @transform_0, window_bounds = array<i64: 2, 1000, 128>}, {transform_indices = @transform_1, window_bounds = array<i64: 2, 1000, 128>}, {transform_indices = @transform_2, window_bounds = array<i64: 1000, 128>}, {pipeline_mode = #tpu.pipeline_mode<synchronous>, transform_indices = @transform_3, window_bounds = array<i64: 128, 128>}, {pipeline_mode = #tpu.pipeline_mode<synchronous>, transform_indices = @transform_4, window_bounds = array<i64: 1, 128>}, {pipeline_mode = #tpu.pipeline_mode<synchronous>, transform_indices = @transform_5, window_bounds = array<i64: 128, 128>}, {transform_indices = @transform_6, window_bounds = array<i64: 1000, 128>}, {transform_indices = @transform_7, window_bounds = array<i64: 1000, 16>}]} {
    %get3A = arith.constant 0 : index
    %get3A_0 = arith.constant 0 : index
    %get3A_1 = arith.constant 0 : index
    %get3A_2 = vector.load %arg1[%get3A, %get3A_0, %get3A_1] : memref<2x1000x128xf32, #tpu.memory_space<vmem>>, vector<1x1000x128xf32>
    %get3A_3 = vector.shape_cast %get3A_2 : vector<1x1000x128xf32> to vector<1000x128xf32>
    %get3A_4 = arith.constant 1 : index
    %get3A_5 = arith.constant 0 : index
    %get3A_6 = arith.constant 0 : index
    %get3A_7 = vector.load %arg1[%get3A_4, %get3A_5, %get3A_6] : memref<2x1000x128xf32, #tpu.memory_space<vmem>>, vector<1x1000x128xf32>
    %get3A_8 = vector.shape_cast %get3A_7 : vector<1x1000x128xf32> to vector<1000x128xf32>
    %add3A = arith.addf %get3A_3, %get3A_8 : vector<1000x128xf32>
    %get3A_9 = arith.constant 0 : index
    %get3A_10 = arith.constant 0 : index
    %get3A_11 = arith.constant 0 : index
    %get3A_12 = vector.load %arg2[%get3A_9, %get3A_10, %get3A_11] : memref<2x1000x128xf32, #tpu.memory_space<vmem>>, vector<1x1000x1xf32>
    %get3A_13 = vector.shape_cast %get3A_12 : vector<1x1000x1xf32> to vector<1000x1xf32>
    %get3A_14 = arith.constant 1 : index
    %get3A_15 = arith.constant 0 : index
    %get3A_16 = arith.constant 0 : index
    %get3A_17 = vector.load %arg2[%get3A_14, %get3A_15, %get3A_16] : memref<2x1000x128xf32, #tpu.memory_space<vmem>>, vector<1x1000x1xf32>
    %get3A_18 = vector.shape_cast %get3A_17 : vector<1x1000x1xf32> to vector<1000x1xf32>
    %add3A_19 = arith.addf %get3A_13, %get3A_18 : vector<1000x1xf32>
    %max3A = arith.constant 1.000000e+00 : f32
    %max3A_20 = vector.broadcast %max3A : f32 to vector<1000x1xf32>
    %max3A_21 = arith.maximumf %add3A_19, %max3A_20 : vector<1000x1xf32>
    %div3A = arith.constant 1.000000e+00 : f32
    %div3A_22 = vector.broadcast %div3A : f32 to vector<1000x1xf32>
    %div3A_23 = arith.divf %div3A_22, %max3A_21 : vector<1000x1xf32>
    %mul3A = vector.broadcast %div3A_23 : vector<1000x1xf32> to vector<1000x128xf32>
    %mul3A_24 = arith.mulf %add3A, %mul3A : vector<1000x128xf32>
    %get3A_25 = arith.constant 0 : index
    %get3A_26 = arith.constant 0 : index
    %get3A_27 = vector.load %arg4[%get3A_25, %get3A_26] : memref<128x128xf32, #tpu.memory_space<vmem>>, vector<128x128xf32>
    %dot_general3A = arith.constant dense<0.000000e+00> : vector<1000x128xf32>
    %dot_general3A_28 = tpu.matmul %mul3A_24, %get3A_27, %dot_general3A {dimension_numbers = #tpu.dot_dimension_numbers<[1], [1], [0], [0], [0, 0, 1, 0], [], []>, transpose_lhs_hint = false} : vector<1000x128xf32>, vector<128x128xf32>, vector<1000x128xf32> -> vector<1000x128xf32>
    %get3A_29 = arith.constant 0 : index
    %get3A_30 = arith.constant 0 : index
    %get3A_31 = vector.load %arg5[%get3A_29, %get3A_30] : memref<1x128xf32, #tpu.memory_space<vmem>>, vector<1x128xf32>
    %add3A_32 = vector.broadcast %get3A_31 : vector<1x128xf32> to vector<1000x128xf32>
    %add3A_33 = arith.addf %dot_general3A_28, %add3A_32 : vector<1000x128xf32>
    %get3A_34 = arith.constant 0 : index
    %get3A_35 = arith.constant 0 : index
    %get3A_36 = vector.load %arg3[%get3A_34, %get3A_35] : memref<1000x128xf32, #tpu.memory_space<vmem>>, vector<1000x128xf32>
    %get3A_37 = arith.constant 0 : index
    %get3A_38 = arith.constant 0 : index
    %get3A_39 = vector.load %arg6[%get3A_37, %get3A_38] : memref<128x128xf32, #tpu.memory_space<vmem>>, vector<128x128xf32>
    %dot_general3A_40 = arith.constant dense<0.000000e+00> : vector<1000x128xf32>
    %dot_general3A_41 = tpu.matmul %get3A_36, %get3A_39, %dot_general3A_40 {dimension_numbers = #tpu.dot_dimension_numbers<[1], [1], [0], [0], [0, 0, 1, 0], [], []>, transpose_lhs_hint = false} : vector<1000x128xf32>, vector<128x128xf32>, vector<1000x128xf32> -> vector<1000x128xf32>
    %add3A_42 = arith.addf %add3A_33, %dot_general3A_41 : vector<1000x128xf32>
    %max3A_43 = arith.constant 0.000000e+00 : f32
    %max3A_44 = vector.broadcast %max3A_43 : f32 to vector<1000x128xf32>
    %max3A_45 = arith.maximumf %add3A_42, %max3A_44 : vector<1000x128xf32>
    %swap3A = arith.constant 0 : index
    %swap3A_46 = arith.constant 0 : index
    %swap3A_47 = vector.load %arg7[%swap3A, %swap3A_46] : memref<1000x128xf32, #tpu.memory_space<vmem>>, vector<1000x128xf32>
    tpu.vector_store %arg7[%swap3A, %swap3A_46], %max3A_45 {strides = array<i32>} : memref<1000x128xf32, #tpu.memory_space<vmem>>, vector<1000x128xf32>,
    %broadcast_in_dim3A = vector.shape_cast %div3A_23 : vector<1000x1xf32> to vector<1000x1xf32>
    %broadcast_in_dim3A_48 = vector.broadcast %broadcast_in_dim3A : vector<1000x1xf32> to vector<1000x16xf32>
    %swap3A_49 = arith.constant 0 : index
    %swap3A_50 = arith.constant 0 : index
    %swap3A_51 = vector.load %arg8[%swap3A_49, %swap3A_50] : memref<1000x16xf32, #tpu.memory_space<vmem>>, vector<1000x16xf32>
    tpu.vector_store %arg8[%swap3A_49, %swap3A_50], %broadcast_in_dim3A_48 {strides = array<i32>} : memref<1000x16xf32, #tpu.memory_space<vmem>>, vector<1000x16xf32>,
    return
  }
  func.func @transform_0(%arg0: i32) -> (i32, i32, i32) {
    %c0_i32 = arith.constant 0 : i32
    %c0_i32_0 = arith.constant 0 : i32
    %c0_i32_1 = arith.constant 0 : i32
    return %c0_i32, %arg0, %c0_i32_0 : i32, i32, i32
  }
  func.func @transform_1(%arg0: i32) -> (i32, i32, i32) {
    %c0_i32 = arith.constant 0 : i32
    %c0_i32_0 = arith.constant 0 : i32
    %c0_i32_1 = arith.constant 0 : i32
    return %c0_i32, %arg0, %c0_i32_0 : i32, i32, i32
  }
  func.func @transform_2(%arg0: i32) -> (i32, i32) {
    %c0_i32 = arith.constant 0 : i32
    %c0_i32_0 = arith.constant 0 : i32
    return %arg0, %c0_i32 : i32, i32
  }
  func.func @transform_3(%arg0: i32) -> (i32, i32) {
    %c0_i32 = arith.constant 0 : i32
    %c0_i32_0 = arith.constant 0 : i32
    %c0_i32_1 = arith.constant 0 : i32
    return %c0_i32, %c0_i32_0 : i32, i32
  }
  func.func @transform_4(%arg0: i32) -> (i32, i32) {
    %c0_i32 = arith.constant 0 : i32
    %c0_i32_0 = arith.constant 0 : i32
    %c0_i32_1 = arith.constant 0 : i32
    return %c0_i32, %c0_i32_0 : i32, i32
  }
  func.func @transform_5(%arg0: i32) -> (i32, i32) {
    %c0_i32 = arith.constant 0 : i32
    %c0_i32_0 = arith.constant 0 : i32
    %c0_i32_1 = arith.constant 0 : i32
    return %c0_i32, %c0_i32_0 : i32, i32
  }
  func.func @transform_6(%arg0: i32) -> (i32, i32) {
    %c0_i32 = arith.constant 0 : i32
    %c0_i32_0 = arith.constant 0 : i32
    return %arg0, %c0_i32 : i32, i32
  }
  func.func @transform_7(%arg0: i32) -> (i32, i32) {
    %c0_i32 = arith.constant 0 : i32
    %c0_i32_0 = arith.constant 0 : i32
    return %arg0, %c0_i32 : i32, i32
  }
}

</mosaic_0001>

<sc_bundles>
// kernel: kernel.11.cloned.1.call-start
scs
__scs_entry_jumppad:
0x0: {  	(pc) =	sbr.rel $0x88, $3  }
0x1: {  	(tag) =	ssettag $0x0;
	lr =	simm.s32 $0x1  }
0x2: {  	[smem:$0x3F94] =	sst lr;
	_ =	strace $0xD0000000  }
0x3: {  	_ = 	snop  }
0x4: {  	_ = 	snop  }
0x5: {  	_ = 	snop  }
0x6: {  	_ = 	snop  }
0x7: {  	_ = 	snop  }
__scs_overlays_trampoline_lowered:
0x8: {  	[smem:$0x3FA3] =	sst s0  }
0x9: {  	[smem:$0x3FA4] =	sst s1  }
0xa: {  	[smem:$0x3FA5] =	sst s2  }
0xb: {  	[smem:$0x3FA6] =	sst s3  }
0xc: {  	[smem:$0x3FA7] =	sst s4  }
0xd: {  	[smem:$0x3FA8] =	sst s5  }
0xe: {  	[smem:$0x3FA9] =	sst s6  }
0xf: {  	[smem:$0x3FAA] =	sst s7  }
0x10: {  	[smem:$0x3FAB] =	sst s8  }
0x11: {  	[smem:$0x3FAC] =	sst s9;
	s0 =	simm.s32 @!p0 $0x0  }
0x12: {  	s1 =	sld [smem:$0x3F92];
	s0 =	simm.s32 @p0 $0x1  }
0x13: {  	[smem:$0x3FAD] =	sst s0;
	s0 =	simm.s32 @!p1 $0x0  }
0x14: {  	s2 =	sld [smem:$0x3F91];
	s0 =	simm.s32 @p1 $0x1  }
0x15: {  	[smem:$0x3FAE] =	sst s0;
	s0 =	simm.s32 @!p2 $0x0  }
0x16: {  	s3 =	sld [smem:$0x3FDB];
	s0 =	simm.s32 @p2 $0x1  }
0x17: {  	s4 =	simm.s32 $0x1BF5;
	[smem:$0x3FB0] =	sst s0  }
0x18: {  	s0 =	sld [smem:$0x3F93];
	_ =	swait.ge [sflag:s4], $0x0  }
0x19: {  	s7 =	sld [smem:$0x3F94]  }
0x1a: {  	s8 =	sadd.s32 $0xFFFFE003, lr  }
0x1b: {  	s9 =	sadd.s32 $0xFFFFFEF7, lr;
	s5 =	simm.s32 $0xFFFFFFFF;
	p2 =	slt.u32 s8, $0xFFFFF086  }
0x1c: {  	p1 =	slt.u32 s9, $0xF7A;
	s5 =	simm.s32 @!p2 $0x0  }
0x1d: {  	s5 =	simm.s32 @p1 $0x1;
	p0 =	seq.s32 s7, s2  }
0x1e: {  	s7 =	smul.u32 @!p0 $0xF7A, s2;
	p2 =	seq.s32 @!p0 s5, $0x0  }
0x1f: {  	s9 =	smul.u32 $0xF7A, s1;
	s8 =	simm.s32 @!p0 $0x1BF5;
	p2 =	por !p2, p0  }
0x20: {  	[sflag:s8] =	ssyncset.s32 @!p0 $0xFFFFF086;
	s6 =	sadd.s32 @!p0 s3, s7;
	s7 =	simm.s32 @!p0 $0x108  }
0x21: {  	s3 =	sadd.s32 s3, s9;
	s6 =	sadd.s32 @!p0 $0x88, s6;
	s7 =	simm.s32 @p2 $0x1082  }
0x22: {  	[simem:s7], [sflag:s8] =	dma.local @!p0 [hbm:s6], $0xF7A  }
0x23: {  	s9 =	sor.u32 $0xD0000000, s2;
	s6 =	simm.s32 $0x108;
	_ =	swait.ge @!p0 [sflag:s8], $0x0  }
0x24: {  	s3 =	sadd.s32 $0x88, s3;
	s6 =	simm.s32 @!p1 $0x1082;
	[sflag:s4] =	ssyncset.s32 $0xFFFFF086  }
0x25: {  	[simem:s6], [sflag:s4] =	dma.local [hbm:s3], $0xF7A  }
0x26: {  	[smem:$0x3F94] =	sst s1;
	(tag) =	ssettag s2;
	_ =	strace s9  }
0x27: {  	s1 =	sld [smem:$0x3FA4]  }
0x28: {  	s2 =	sld [smem:$0x3FA5]  }
0x29: {  	s4 =	sld [smem:$0x3FA7]  }
0x2a: {  	p0 =	seq.s32 s5, $0x0;
	s5 =	sld [smem:$0x3FA8]  }
0x2b: {  	s6 =	sld [smem:$0x3FA9]  }
0x2c: {  	s7 =	sld [smem:$0x3FAA]  }
0x2d: {  	s3 =	simm.s32 $0x108;
	s8 =	sld [smem:$0x3FAB]  }
0x2e: {  	s3 =	simm.s32 @!p0 $0x1082;
	s9 =	sld [smem:$0x3FAC]  }
0x2f: {  	lr =	sadd.s32 s0, s3;
	s0 =	sld [smem:$0x3FA3]  }
0x30: {  	s3 =	sld [smem:$0x3FA6]  }
0x31: {  	[smem:$0x3FAF] =	sst s10  }
0x32: {  	s10 =	sld [smem:$0x3FAD];
	_ =	sdelay $0x3  }
0x33: {  	p0 =	seq.s32 s10, $0x1;
	s10 =	sld [smem:$0x3FAF];
	_ =	sdelay $0x3  }
0x34: {  	[smem:$0x3FAF] =	sst s10  }
0x35: {  	s10 =	sld [smem:$0x3FAE];
	_ =	sdelay $0x3  }
0x36: {  	p1 =	seq.s32 s10, $0x1;
	s10 =	sld [smem:$0x3FAF];
	_ =	sdelay $0x3  }
0x37: {  	[smem:$0x3FAF] =	sst s10  }
0x38: {  	s10 =	sld [smem:$0x3FB0]  }
0x39: {  	_ = 	snop;
	(pc) =	sbr.ind lr, $3  }
0x3a: {  	_ = 	snop  }
0x3b: {  	_ = 	snop  }
0x3c: {  	p2 =	seq.s32 s10, $0x1;
	s10 =	sld [smem:$0x3FAF]  }
0x3d: {  	_ =	shalt  }
0x3e: {  	_ =	shalt  }
0x3f: {  	_ =	shalt  }
0x40: {  	_ =	shalt  }
0x41: {  	_ =	shalt  }
0x42: {  	_ =	shalt  }
0x43: {  	_ =	shalt  }
0x44: {  	_ =	shalt  }
0x45: {  	_ =	shalt  }
0x46: {  	_ =	shalt  }
0x47: {  	_ =	shalt  }
0x48: {  	_ =	shalt  }
0x49: {  	_ =	shalt  }
0x4a: {  	_ =	shalt  }
0x4b: {  	_ =	shalt  }
0x4c: {  	_ =	shalt  }
0x4d: {  	_ =	shalt  }
0x4e: {  	_ =	shalt  }
0x4f: {  	_ =	shalt  }
0x50: {  	_ =	shalt  }
0x51: {  	_ =	shalt  }
0x52: {  	_ =	shalt  }
0x53: {  	_ =	shalt  }
0x54: {  	_ =	shalt  }
0x55: {  	_ =	shalt  }
0x56: {  	_ =	shalt  }
0x57: {  	_ =	shalt  }
0x58: {  	_ =	shalt  }
0x59: {  	_ =	shalt  }
0x5a: {  	_ =	shalt  }
0x5b: {  	_ =	shalt  }
0x5c: {  	_ =	shalt  }
0x5d: {  	_ =	shalt  }
0x5e: {  	_ =	shalt  }
0x5f: {  	_ =	shalt  }
0x60: {  	_ =	shalt  }
0x61: {  	_ =	shalt  }
0x62: {  	_ =	shalt  }
0x63: {  	_ =	shalt  }
0x64: {  	_ =	shalt  }
0x65: {  	_ =	shalt  }
0x66: {  	_ =	shalt  }
0x67: {  	_ =	shalt  }
0x68: {  	_ =	shalt  }
0x69: {  	_ =	shalt  }
0x6a: {  	_ =	shalt  }
0x6b: {  	_ =	shalt  }
0x6c: {  	_ =	shalt  }
0x6d: {  	_ =	shalt  }
0x6e: {  	_ =	shalt  }
0x6f: {  	_ =	shalt  }
0x70: {  	_ =	shalt  }
0x71: {  	_ =	shalt  }
0x72: {  	_ =	shalt  }
0x73: {  	_ =	shalt  }
0x74: {  	_ =	shalt  }
0x75: {  	_ =	shalt  }
0x76: {  	_ =	shalt  }
0x77: {  	_ =	shalt  }
0x78: {  	_ =	shalt  }
0x79: {  	_ =	shalt  }
0x7a: {  	_ =	shalt  }
0x7b: {  	_ =	shalt  }
0x7c: {  	_ =	shalt  }
0x7d: {  	_ =	shalt  }
0x7e: {  	_ =	shalt  }
0x7f: {  	_ =	shalt  }
0x80: {  	_ =	shalt  }
0x81: {  	_ =	shalt  }
0x82: {  	_ =	shalt  }
0x83: {  	_ =	shalt  }
0x84: {  	_ =	shalt  }
0x85: {  	_ =	shalt  }
0x86: {  	_ =	shalt  }
0x87: {  	_ =	shalt  }
.Lfunc_end0:
.L_simem_size_0:
called_computation.1_lowered:
.L_overlay_start_0:
0x88: {  	s2 =	sld [smem:$0x3FD9]  }
0x89: {  	s3 =	sld [smem:$0x3FFE];
	_ =	sdelay $0x1  }
0x8a: {  	s1 =	srdreg.scid  }
0x8b: {  	s0 =	sand.u32 $0x1, s1  }
0x8c: {  	s17 =	sshll.u32 s0, $0xA;
	s2 =	sadd.s32 s3, s2  }
0x8d: {  	s2 =	sadd.s32 s2, s17  }
0x8e: {  	[smem:$0x3FBB] =	sst s2  }
0x8f: {  	_ = 	snop  }
0x90: {  	s18 =	sld [smem:$0x3FC9];
	(tm) =	ssettm $0x1  }
0x91: {  	s19 =	sld [smem:$0x3FFB];
	_ =	sdelay $0x3  }
0x92: {  	_ =	strace s19  }
0x93: {  	s2 =	sld [smem:$0x3FFC];
	_ =	sdelay $0x3  }
0x94: {  	_ =	strace s2  }
0x95: {  	s2 =	sld [smem:$0x3FFD];
	_ =	sdelay $0x3  }
0x96: {  	_ =	strace s2  }
0x97: {  	_ =	strace $0x8FFFFFFF  }
0x98: {  	s20 =	sld [smem:$0x3FDB];
	_ =	sdelay $0x1  }
0x99: {  	s4 =	simm.s32 $_scs_section_size  }
0x9a: {  	s5 =	simm.s32 $_size__tile_overlayer_lowered;
	s6 =	simm.s32 $_tile_overlayer_lowered  }
0x9b: {  	s7 =	simm.s32 $0x1BFF;
	s21 =	sshll.u32 s6, $0x1;
	s4 =	sadd.s32 s4, s20  }
0x9c: {  	s22 =	simm.s32 $0x0;
	s5 =	sshll.u32 s5, $0x1;
	s6 =	sadd.s32 s21, s4  }
0x9d: {  	[timem:s22], [sflag:s7] =	dma.local [hbm:s6], s5  }
0x9e: {  	_ =	swait.ge [sflag:s7], s5  }
0x9f: {  	s5 =	ssub.s32 $0x0, s5;
	[sflag:s7] =	ssyncset.done $0x0  }
0xa0: {  	[sflag:s7] =	ssyncadd.s32 s5;
	_ =	sdelay $0x1  }
0xa1: {  	s23 =	simm.s32 $0x1B8B  }
0xa2: {  	_ =	swait.ge [sflag:s23], $0x1  }
0xa3: {  	[sflag:s23] =	ssyncset.done $0x0  }
0xa4: {  	[sflag:s23] =	ssyncadd.s32 $0xFFFFFFFF  }
0xa5: {  	s5 =	sld [smem:$0x0]  }
0xa6: {  	s6 =	sand.u32 $0xFFFFFFFE, s1  }
0xa7: {  	p0 =	sne.s32 s1, s6  }
0xa8: {  	s6 =	sshll.u32 @p0 s6, $0xE  }
0xa9: {  	s6 =	sadd.s32 @p0 $0x11B8D, s6;
	s7 =	sshll.u32 @p0 s5, $0x11  }
0xaa: {  	s6 =	sor.u32 @p0 s7, s6  }
0xab: {  	[sflag:s6] =	ssyncadd.remote.s32 @p0 $0x1;
	_ =	sdelay $0x1  }
0xac: {  	s6 =	simm.s32 @p0 $0x1B8D  }
0xad: {  	_ =	swait.eq @p0 [sflag:s6], $0x1  }
0xae: {  	[sflag:s6] =	ssyncadd.s32 @p0 $0xFFFFFFFF  }
0xaf: {  	s7 =	sshll.u32 @!p0 s1, $0xE  }
0xb0: {  	s7 =	sor.u32 @!p0 $0x4000, s7;
	s6 =	simm.s32 @!p0 $0x1B8D  }
0xb1: {  	s5 =	sshll.u32 @!p0 s5, $0x11;
	s7 =	sadd.s32 @!p0 $0x11B8D, s7;
	_ =	swait.eq @!p0 [sflag:s6], $0x1  }
0xb2: {  	s5 =	sor.u32 @!p0 s5, s7;
	[sflag:s6] =	ssyncadd.s32 @!p0 $0xFFFFFFFF  }
0xb3: {  	s25 =	simm.s32 $0x1B8E;
	s24 =	sld [smem:$0x3FFE];
	[sflag:s5] =	ssyncadd.remote.s32 @!p0 $0x1  }
0xb4: {  	s26 =	simm.s32 $execute0_lowered;
	[smem:$0x3FD2] =	sst s25  }
0xb5: {  	s6 =	sshll.u32 s26, $0x1;
	_ =	strace $0x80000049;
	[dreg:$0x1] =	wrdreg $0xFFFFFFFF  }
0xb6: {  	s28 =	simm.s32 $_size_execute0_lowered;
	s4 =	sadd.s32 s4, s6;
	[dreg:$0x0] =	wrdreg $0x0  }
0xb7: {  	s6 =	sshll.u32 s28, $0x1;
	[dreg:$0x2] =	wrdreg s4  }
0xb8: {  	[dreg:$0x3] =	wrdreg s6  }
0xb9: {  	[dreg:$0x4] =	wrdreg $0xC0  }
0xba: {  	_ =	task [dreg:s22], $0x5FFFF  }
0xbb: {  	[dreg:$0x1] =	wrdreg $0xFFFFFFFF  }
0xbc: {  	[dreg:$0x0] =	wrdreg $0x60  }
0xbd: {  	[dreg:$0x2] =	wrdreg s18  }
0xbe: {  	[dreg:$0x3] =	wrdreg s24  }
0xbf: {  	[dreg:$0x4] =	wrdreg $0x8B000  }
0xc0: {  	[dreg:$0x5] =	wrdreg $0xA  }
0xc1: {  	_ =	task.clear_ibuf [dreg:s22], $0x6FFFF;
	_ =	strace $0x90000049  }
0xc2: {  	s29 =	simm.s32 $0xA;
	_ =	strace $0x8000004B  }
0xc3: {  	_ =	swait.ge [sflag:s29], $0x1  }
0xc4: {  	[sflag:s29] =	ssyncadd.s32 $0xFFFFFFFF  }
0xc5: {  	_ =	strace $0x9000004B  }
0xc6: {  	_ =	sfence  }
0xc7: {  	s30 =	sld [smem:$0x0];
	_ =	sdelay $0x2  }
0xc8: {  	s31 =	sshll.u32 s1, $0xD;
	s1 =	sshrl.u32 s1, $0x2  }
0xc9: {  	s4 =	sand.u32 $0x4000, s31;
	s1 =	sadd.s32 s1, s30  }
0xca: {  	s0 =	sor.u32 s4, s0;
	s1 =	sshll.u32 s1, $0x11  }
0xcb: {  	s0 =	sor.u32 s1, s0  }
0xcc: {  	s0 =	sadd.s32 $0x8F2B, s0  }
0xcd: {  	[sflag:s0] =	ssyncadd.remote.s32 $0x1  }
0xce: {  	_ =	sfence.sel $0xFFFF  }
0xcf: {  	[dreg:$0x0] =	wrdreg $0xFFFFFFFF;
	(pc) =	sbr.abs _section_cstart, $3  }
0xd0: {  	[dreg:$0x1] =	wrdreg $0xFFFFFFFF  }
0xd1: {  	_ =	task.clear_ibuf [dreg:s22], $0x2FFFF;
	_ =	strace $0x9FFFFFFF  }
0xd2: {  	(tm) =	ssettm $0x7FFFFFFF  }
0xd3: {  	_ =	shalt  }
tec
execute0_lowered:
.L_overlay_start_1:
0x0: {  	(tag) =	ssettag $0x1  }
0x1: {  	s1 =	rddreg [dreg:$0x0]  }
0x2: {  	s0 =	rddreg [dreg:$0x1]  }
0x3: {  	s2 =	rddreg [dreg:$0x2];
	s3 =	srdreg.scid;
	s4 =	simm.s32 $0x0  }
0x4: {  	s12 =	stileid.u32;
	s28 =	simm.s32 $0x4;
	s29 =	simm.s32 $0x4200  }
0x5: {  	s30 =	simm.s32 $0x1;
	s31 =	simm.s32 $0x2;
	s3 =	sand.u32 $0x1, s3  }
0x6: {  	[smem:$0x7FF] =	sst s4;
	s8 =	smul.u32 $0x14000, s12;
	s5 =	sadd.s32 $0xC000, s0  }
0x7: {  	s6 =	sadd.s32 $0x2200, s0;
	s9 =	sadd.s32 $0x16600, s0;
	s17 =	smul.u32 $0x50000, s12  }
0x8: {  	s19 =	sshll.u32 s12, $0x6;
	s7 =	smul.u32 $0x140000, s3;
	_ =	strace $0x8000004A  }
0x9: {  	[dreg:$0x4] =	wrdreg s9;
	s16 =	sshll.u32 s3, $0x4;
	s18 =	ssub.s32 $0x2, s3  }
0xa: {  	s3 =	smul.u32 $0x27100, s3;
	s10 =	sshrl.u32 s18, $0x1;
	s9 =	sshrl.u32 s17, $0x2  }
0xb: {  	s7 =	sadd.s32 s8, s7;
	s8 =	sor.u32 s12, s16;
	s12 =	smul.u32 $0x2710, s12  }
0xc: {  	s9 =	sadd.s32 s9, s2;
	s7 =	sshrl.u32 s7, $0x3;
	s8 =	smul.u32 $0x2710, s8  }
0xd: {  	s0 =	sadd.s32 s7, s0;
	s7 =	ssub.s32 s18, s10;
	s3 =	sadd.s32 s12, s3  }
0xe: {  	s11 =	sshrl.u32 s8, $0x3;
	s8 =	sor.u32 $0x1C05, s19;
	s24 =	sadd.s32 $0x180, s3  }
0xf: {  	s0 =	sadd.s32 $0x68E00, s0;
	s16 =	smax.u32 s7, $0x1;
	s19 =	sadd.s32 $0x100, s3  }
0x10: {  	s3 =	simm.s32 $0x8280;
	s7 =	simm.s32 $0x10;
	s20 =	sadd.s32 s5, s11  }
0x11: {  	s21 =	sadd.s32 $0x10, s11;
	s13 =	sadd.s32 s6, s11;
	[dreg:$0xb] =	wrdreg s0  }
0x12: {  	s23 =	sadd.s32 $0x4E0, s11;
	s26 =	sshrl.u32 s24, $0x3;
	[dreg:$0x5] =	wrdreg s20  }
0x13: {  	s24 =	simm.s32 $0x100;
	s0 =	simm.s32 $0x8200;
	[dreg:$0x6] =	wrdreg s13  }
0x14: {  	s22 =	sadd.s32 s5, s21;
	s10 =	sadd.s32 s6, s21;
	s25 =	sadd.s32 s5, s23  }
0x15: {  	s17 =	sadd.s32 s26, s6;
	s18 =	sadd.s32 s26, s5;
	[dreg:$0x7] =	wrdreg s22  }
0x16: {  	s20 =	sshrl.u32 s9, $0x3;
	s21 =	simm.s32 $0x5;
	[dreg:$0x8] =	wrdreg s10  }
0x17: {  	s26 =	simm.s32 $0x4180;
	s9 =	simm.s32 $0x8300;
	[dreg:$0x9] =	wrdreg s25  }
0x18: {  	s10 =	sadd.s32 s6, s23;
	s22 =	simm.s32 $0x80;
	s23 =	simm.s32 $0x3  }
0x19: {  	s25 =	simm.s32 $0x4100;
	[dreg:$0xa] =	wrdreg s10;
	s10 =	simm.s32 $0x0  }
.LBB2_1:
0x1a: {  	s11 =	rddreg [dreg:$0x4]  }
0x1b: {  	[spmem:s20], [sflag:s8] =	dma.local [hbm:s11], $0x2800  }
0x1c: {  	_ =	swait.ge [sflag:s21], $0x2800  }
0x1d: {  	[sflag:s21] =	ssyncset.done $0x0  }
0x1e: {  	[sflag:s21] =	ssyncadd.s32 $0xFFFFD800  }
0x1f: {  	[bflag:$0x0] =	sbarrier.arrive $0xFFFF  }
0x20: {  	s14 =	rddreg [dreg:$0x5]  }
0x21: {  	[tilespmem:s4], [sflag:$0x3] =	stream.linear.gather [hbm4b:s14+s4], $0x80, $0x38;
	[tilespmem:$0x1CB00] =	vst v63  }
0x22: {  	s15 =	rddreg [dreg:$0x6]  }
0x23: {  	[tilespmem:s22], [sflag:$0x3] =	stream.linear.gather [hbm4b:s15+s4], $0x80, $0x38;
	[tilespmem:$0x1CB00] =	vst v63  }
0x24: {  	_ =	swait.ge [sflag:s23], $0x80  }
0x25: {  	[sflag:s23] =	ssyncset.done $0x0  }
0x26: {  	[sflag:s23] =	ssyncadd.s32 $0xFFFFFF80  }
0x27: {  	_ =	swait.ge [sflag:s23], $0x80  }
0x28: {  	[sflag:s23] =	ssyncset.done $0x0  }
0x29: {  	[sflag:s23] =	ssyncadd.s32 $0xFFFFFF80  }
0x2a: {  	[tilespmem:s24], [sflag:$0x1] =	stream.indirect.gather [hbm4b:s1+s22], $0x80, s4, s22, $0xb8;
	[tilespmem:$0x1CB00] =	vst v63  }
0x2b: {  	s12 =	rddreg [dreg:$0x7]  }
0x2c: {  	[tilespmem:s25], [sflag:$0x4] =	stream.linear.gather [hbm4b:s12+s4], $0x80, $0x38;
	[tilespmem:$0x1CB00] =	vst v63  }
0x2d: {  	s13 =	rddreg [dreg:$0x8]  }
0x2e: {  	[tilespmem:s26], [sflag:$0x4] =	stream.linear.gather [hbm4b:s13+s4], $0x80, $0x38;
	[tilespmem:$0x1CB00] =	vst v63  }
0x2f: {  	_ =	swait.ge [sflag:s28], $0x80  }
0x30: {  	[sflag:s28] =	ssyncset.done $0x0  }
0x31: {  	[sflag:s28] =	ssyncadd.s32 $0xFFFFFF80  }
0x32: {  	_ =	swait.ge [sflag:s28], $0x80  }
0x33: {  	[sflag:s28] =	ssyncset.done $0x0  }
0x34: {  	[sflag:s28] =	ssyncadd.s32 $0xFFFFFF80  }
0x35: {  	[tilespmem:s29], [sflag:$0x2] =	stream.indirect.gather [hbm4b:s1+s22], $0x80, s25, s22, $0xb8;
	[tilespmem:$0x1CB00] =	vst v63  }
0x36: {  	_ =	swait.ge [sflag:s30], $0x4000  }
0x37: {  	[sflag:s30] =	ssyncset.done $0x0  }
0x38: {  	[sflag:s30] =	ssyncadd.s32 $0xFFFFC000  }
0x39: {  	[spmem:s2] =	stream.indirect.scatter.add.f32 [tilespmem:s24], [sflag:$0x5], $0x80, s22, s22, $0xb8;
	[tilespmem:$0x1CB00] =	vst v63  }
0x3a: {  	_ =	swait.ge [sflag:s21], $0x4000  }
0x3b: {  	s14 =	sshrl.u32 s19, $0x3;
	[sflag:s21] =	ssyncset.done $0x0  }
0x3c: {  	s12 =	sadd.s32 s5, s14;
	[sflag:s21] =	ssyncadd.s32 $0xFFFFC000  }
0x3d: {  	[tilespmem:s4], [sflag:$0x3] =	stream.linear.gather [hbm4b:s12+s4], $0x80, $0x38;
	[tilespmem:$0x1CB00] =	vst v63  }
0x3e: {  	s11 =	sadd.s32 s6, s14  }
0x3f: {  	[tilespmem:s22], [sflag:$0x3] =	stream.linear.gather [hbm4b:s11+s4], $0x80, $0x38;
	[tilespmem:$0x1CB00] =	vst v63  }
0x40: {  	_ =	swait.ge [sflag:s23], $0x80  }
0x41: {  	[sflag:s23] =	ssyncset.done $0x0  }
0x42: {  	[sflag:s23] =	ssyncadd.s32 $0xFFFFFF80  }
0x43: {  	_ =	swait.ge [sflag:s23], $0x80  }
0x44: {  	[sflag:s23] =	ssyncset.done $0x0  }
0x45: {  	[sflag:s23] =	ssyncadd.s32 $0xFFFFFF80  }
0x46: {  	[tilespmem:s24], [sflag:$0x1] =	stream.indirect.gather [hbm4b:s1+s22], $0x80, s4, s22, $0xb8;
	[tilespmem:$0x1CB00] =	vst v63  }
0x47: {  	_ =	swait.ge [sflag:s31], $0x4000  }
0x48: {  	[sflag:s31] =	ssyncset.done $0x0  }
0x49: {  	[sflag:s31] =	ssyncadd.s32 $0xFFFFC000  }
0x4a: {  	[spmem:s2] =	stream.indirect.scatter.add.f32 [tilespmem:s29], [sflag:$0x5], $0x80, s26, s22, $0xb8;
	[tilespmem:$0x1CB00] =	vst v63  }
0x4b: {  	_ =	swait.ge [sflag:s21], $0x4000  }
0x4c: {  	s15 =	sadd.s32 $0x0, s18;
	s13 =	sadd.s32 $0x0, s17;
	[sflag:s21] =	ssyncset.done $0x0  }
0x4d: {  	s12 =	sadd.s32 $0x100, s19;
	s11 =	simm.s32 $0x20;
	[sflag:s21] =	ssyncadd.s32 $0xFFFFC000  }
0x4e: {  	[tilespmem:s25], [sflag:$0x4] =	stream.linear.gather [hbm4b:s15+s4], $0x80, $0x38;
	[tilespmem:$0x1CB00] =	vst v63  }
.LBB2_2:
0x4f: {  	[tilespmem:s26], [sflag:$0x4] =	stream.linear.gather [hbm4b:s13+s4], $0x80, $0x38;
	[tilespmem:$0x1CB00] =	vst v63  }
0x50: {  	s13 =	smov.u32 s11  }
0x51: {  	p0 =	sne.s32 s11, $0x4A0;
	s11 =	sadd.s32 $0x20, s11;
	_ =	swait.ge [sflag:s28], $0x80  }
0x52: {  	[sflag:s28] =	ssyncset.done $0x0  }
0x53: {  	[sflag:s28] =	ssyncadd.s32 $0xFFFFFF80  }
0x54: {  	_ =	swait.ge [sflag:s28], $0x80  }
0x55: {  	[sflag:s28] =	ssyncset.done $0x0  }
0x56: {  	[sflag:s28] =	ssyncadd.s32 $0xFFFFFF80  }
0x57: {  	[tilespmem:s29], [sflag:$0x2] =	stream.indirect.gather [hbm4b:s1+s22], $0x80, s25, s22, $0xb8;
	[tilespmem:$0x1CB00] =	vst v63  }
0x58: {  	_ =	swait.ge [sflag:s30], $0x4000  }
0x59: {  	[sflag:s30] =	ssyncset.done $0x0  }
0x5a: {  	[sflag:s30] =	ssyncadd.s32 $0xFFFFC000  }
0x5b: {  	[spmem:s2] =	stream.indirect.scatter.add.f32 [tilespmem:s24], [sflag:$0x5], $0x80, s22, s22, $0xb8;
	[tilespmem:$0x1CB00] =	vst v63  }
0x5c: {  	_ =	swait.ge [sflag:s21], $0x4000  }
0x5d: {  	s14 =	sshrl.u32 s12, $0x3;
	[sflag:s21] =	ssyncset.done $0x0  }
0x5e: {  	s15 =	sadd.s32 s5, s14;
	[sflag:s21] =	ssyncadd.s32 $0xFFFFC000  }
0x5f: {  	[tilespmem:s4], [sflag:$0x3] =	stream.linear.gather [hbm4b:s15+s4], $0x80, $0x38;
	[tilespmem:$0x1CB00] =	vst v63  }
0x60: {  	s14 =	sadd.s32 s6, s14  }
0x61: {  	[tilespmem:s22], [sflag:$0x3] =	stream.linear.gather [hbm4b:s14+s4], $0x80, $0x38;
	[tilespmem:$0x1CB00] =	vst v63  }
0x62: {  	_ =	swait.ge [sflag:s23], $0x80  }
0x63: {  	[sflag:s23] =	ssyncset.done $0x0  }
0x64: {  	[sflag:s23] =	ssyncadd.s32 $0xFFFFFF80  }
0x65: {  	_ =	swait.ge [sflag:s23], $0x80  }
0x66: {  	[sflag:s23] =	ssyncset.done $0x0  }
0x67: {  	[sflag:s23] =	ssyncadd.s32 $0xFFFFFF80  }
0x68: {  	[tilespmem:s24], [sflag:$0x1] =	stream.indirect.gather [hbm4b:s1+s22], $0x80, s4, s22, $0xb8;
	[tilespmem:$0x1CB00] =	vst v63  }
0x69: {  	_ =	swait.ge [sflag:s31], $0x4000  }
0x6a: {  	[sflag:s31] =	ssyncset.done $0x0  }
0x6b: {  	[sflag:s31] =	ssyncadd.s32 $0xFFFFC000  }
0x6c: {  	[spmem:s2] =	stream.indirect.scatter.add.f32 [tilespmem:s29], [sflag:$0x5], $0x80, s26, s22, $0xb8;
	[tilespmem:$0x1CB00] =	vst v63  }
.Ltmp0:
0x6d: {  	_ =	swait.ge [sflag:s21], $0x4000;
	(pc) =	sbr.rel @p0 .LBB2_2-.Ltmp0, $4  }
0x6e: {  	[sflag:s21] =	ssyncset.done $0x0  }
0x6f: {  	s14 =	sadd.s32 s13, s18;
	[sflag:s21] =	ssyncadd.s32 $0xFFFFC000  }
0x70: {  	[tilespmem:s25], [sflag:$0x4] =	stream.linear.gather [hbm4b:s14+s4], $0x80, $0x38;
	[tilespmem:$0x1CB00] =	vst v63  }
0x71: {  	s12 =	sadd.s32 $0x100, s12;
	s13 =	sadd.s32 s13, s17  }
0x72: {  	[tilespmem:s26], [sflag:$0x4] =	stream.linear.gather [hbm4b:s13+s4], $0x80, $0x38;
	[tilespmem:$0x1CB00] =	vst v63  }
0x73: {  	_ =	swait.ge [sflag:s28], $0x80  }
0x74: {  	[sflag:s28] =	ssyncset.done $0x0  }
0x75: {  	[sflag:s28] =	ssyncadd.s32 $0xFFFFFF80  }
0x76: {  	_ =	swait.ge [sflag:s28], $0x80  }
0x77: {  	[sflag:s28] =	ssyncset.done $0x0  }
0x78: {  	[sflag:s28] =	ssyncadd.s32 $0xFFFFFF80  }
0x79: {  	[tilespmem:s29], [sflag:$0x2] =	stream.indirect.gather [hbm4b:s1+s22], $0x80, s25, s22, $0xb8;
	[tilespmem:$0x1CB00] =	vst v63  }
0x7a: {  	_ =	swait.ge [sflag:s30], $0x4000  }
0x7b: {  	[sflag:s30] =	ssyncset.done $0x0  }
0x7c: {  	[sflag:s30] =	ssyncadd.s32 $0xFFFFC000  }
0x7d: {  	[spmem:s2] =	stream.indirect.scatter.add.f32 [tilespmem:s24], [sflag:$0x5], $0x80, s22, s22, $0xb8;
	[tilespmem:$0x1CB00] =	vst v63  }
0x7e: {  	_ =	swait.ge [sflag:s21], $0x4000  }
0x7f: {  	[sflag:s21] =	ssyncset.done $0x0  }
0x80: {  	[sflag:s21] =	ssyncadd.s32 $0xFFFFC000  }
0x81: {  	_ =	swait.ge [sflag:s31], $0x4000  }
0x82: {  	[sflag:s31] =	ssyncset.done $0x0  }
0x83: {  	[sflag:s31] =	ssyncadd.s32 $0xFFFFC000  }
0x84: {  	[spmem:s2] =	stream.indirect.scatter.add.f32 [tilespmem:s29], [sflag:$0x5], $0x80, s26, s22, $0xb8;
	[tilespmem:$0x1CB00] =	vst v63  }
0x85: {  	_ =	swait.ge [sflag:s21], $0x4000  }
0x86: {  	[sflag:s21] =	ssyncset.done $0x0  }
0x87: {  	s11 =	rddreg [dreg:$0x9];
	[sflag:s21] =	ssyncadd.s32 $0xFFFFC000  }
0x88: {  	[tilespmem:s0], [sflag:$0x5] =	stream.linear.gather [hbm4b:s11+s4], $0x10, $0x38;
	[tilespmem:$0x1CB00] =	vst v63  }
0x89: {  	_ =	swait.ge [sflag:s21], $0x10  }
0x8a: {  	[sflag:s21] =	ssyncset.done $0x0  }
0x8b: {  	s14 =	rddreg [dreg:$0xa];
	[sflag:s21] =	ssyncadd.s32 $0xFFFFFFF0  }
0x8c: {  	[tilespmem:s3], [sflag:$0x5] =	stream.linear.gather [hbm4b:s14+s4], $0x10, $0x38;
	[tilespmem:$0x1CB00] =	vst v63  }
0x8d: {  	_ =	swait.ge [sflag:s21], $0x10  }
0x8e: {  	[sflag:s21] =	ssyncset.done $0x0  }
0x8f: {  	[sflag:s21] =	ssyncadd.s32 $0xFFFFFFF0  }
0x90: {  	[tilespmem:s9], [sflag:$0x1] =	stream.indirect.gather [hbm4b:s1+s7], $0x80, s0, s7, $0xb8;
	[tilespmem:$0x1CB00] =	vst v63  }
0x91: {  	_ =	swait.ge [sflag:s30], $0x800  }
0x92: {  	[sflag:s30] =	ssyncset.done $0x0  }
0x93: {  	[sflag:s30] =	ssyncadd.s32 $0xFFFFF800  }
0x94: {  	[spmem:s2] =	stream.indirect.scatter.add.f32 [tilespmem:s9], [sflag:$0x5], $0x80, s3, s7, $0xb8;
	[tilespmem:$0x1CB00] =	vst v63  }
0x95: {  	_ =	swait.ge [sflag:s21], $0x800  }
0x96: {  	[sflag:s21] =	ssyncset.done $0x0  }
0x97: {  	s10 =	sadd.s32 $0x1, s10;
	[sflag:s21] =	ssyncadd.s32 $0xFFFFF800  }
0x98: {  	p0 =	sne.s32 s10, s16;
	[bflag:$0x0] =	sbarrier.arrive $0xFFFF  }
.Ltmp1:
0x99: {  	s15 =	rddreg [dreg:$0xb];
	(pc) =	sbr.rel @p0 .LBB2_1-.Ltmp1, $4  }
0x9a: {  	[hbm:s15], [sflag:s8] =	dma.local [spmem:s20], $0x2800  }
0x9b: {  	_ =	swait.ge [sflag:s21], $0x2800  }
0x9c: {  	[sflag:s21] =	ssyncset.done $0x0  }
0x9d: {  	[sflag:s21] =	ssyncadd.s32 $0xFFFFD800  }
0x9e: {  	_ =	sfence.sel $0x180000  }
0x9f: {  	[bflag:$0x0] =	sbarrier.arrive $0xFFFF  }
0xa0: {  	_ =	strace $0x9000004A  }
0xa1: {  	s0 =	stileid.u32;
	[bflag:$0x2] =	sbarrier.arrive $0xFFFF  }
0xa2: {  	p0 =	sne.s32 s0, $0x0;
	s0 =	rddreg [dreg:$0x3]  }
0xa3: {  	s0 =	sadd.s32 @!p0 $0x100000, s0  }
0xa4: {  	[sflag:s0] =	ssyncadd.tile.s32 @!p0 $0x1;
	_ =	shalt  }
.Lfunc_end2:
_tile_overlayer_lowered:
.L_overlay_start_2:
0xa5: {  	(tag) =	ssettag $0x2  }
0xa6: {  	s0 =	rddreg [dreg:$0x0];
	s2 =	stileid.u32  }
0xa7: {  	s1 =	rddreg [dreg:$0x1];
	p0 =	sne.s32 s2, $0x0  }
0xa8: {  	s3 =	rddreg [dreg:$0x2];
	[bflag:$0x3] =	sbarrier.arrive $0xFFFF;
	s2 =	simm.s32 @!p0 $0x1C05  }
0xa9: {  	[timem:s3], [sflag:s2] =	dma.local @!p0 [hbm:s0], s1  }
0xaa: {  	s0 =	simm.s32 @!p0 $0x5  }
0xab: {  	_ =	swait.ge @!p0 [sflag:s0], s1  }
0xac: {  	s1 =	ssub.s32 @!p0 $0x0, s1;
	[sflag:s0] =	ssyncset.done @!p0 $0x0  }
0xad: {  	[sflag:s0] =	ssyncadd.s32 @!p0 s1  }
0xae: {  	[bflag:$0x3] =	sbarrier.arrive $0xFFFF  }
0xaf: {  	_ =	shalt  }

// kernel: kernel.14.cloned.1.call-start
scs
__scs_entry_jumppad:
0x0: {  	(pc) =	sbr.rel $0x88, $3  }
0x1: {  	(tag) =	ssettag $0x0;
	lr =	simm.s32 $0x1  }
0x2: {  	[smem:$0x3F94] =	sst lr;
	_ =	strace $0xD0000000  }
0x3: {  	_ = 	snop  }
0x4: {  	_ = 	snop  }
0x5: {  	_ = 	snop  }
0x6: {  	_ = 	snop  }
0x7: {  	_ = 	snop  }
__scs_overlays_trampoline_lowered:
0x8: {  	[smem:$0x3FA3] =	sst s0  }
0x9: {  	[smem:$0x3FA4] =	sst s1  }
0xa: {  	[smem:$0x3FA5] =	sst s2  }
0xb: {  	[smem:$0x3FA6] =	sst s3  }
0xc: {  	[smem:$0x3FA7] =	sst s4  }
0xd: {  	[smem:$0x3FA8] =	sst s5  }
0xe: {  	[smem:$0x3FA9] =	sst s6  }
0xf: {  	[smem:$0x3FAA] =	sst s7  }
0x10: {  	[smem:$0x3FAB] =	sst s8  }
0x11: {  	[smem:$0x3FAC] =	sst s9;
	s0 =	simm.s32 @!p0 $0x0  }
0x12: {  	s1 =	sld [smem:$0x3F92];
	s0 =	simm.s32 @p0 $0x1  }
0x13: {  	[smem:$0x3FAD] =	sst s0;
	s0 =	simm.s32 @!p1 $0x0  }
0x14: {  	s2 =	sld [smem:$0x3F91];
	s0 =	simm.s32 @p1 $0x1  }
0x15: {  	[smem:$0x3FAE] =	sst s0;
	s0 =	simm.s32 @!p2 $0x0  }
0x16: {  	s3 =	sld [smem:$0x3FDB];
	s0 =	simm.s32 @p2 $0x1  }
0x17: {  	s4 =	simm.s32 $0x1BF5;
	[smem:$0x3FB0] =	sst s0  }
0x18: {  	s0 =	sld [smem:$0x3F93];
	_ =	swait.ge [sflag:s4], $0x0  }
0x19: {  	s7 =	sld [smem:$0x3F94]  }
0x1a: {  	s8 =	sadd.s32 $0xFFFFE003, lr  }
0x1b: {  	s9 =	sadd.s32 $0xFFFFFEF7, lr;
	s5 =	simm.s32 $0xFFFFFFFF;
	p2 =	slt.u32 s8, $0xFFFFF086  }
0x1c: {  	p1 =	slt.u32 s9, $0xF7A;
	s5 =	simm.s32 @!p2 $0x0  }
0x1d: {  	s5 =	simm.s32 @p1 $0x1;
	p0 =	seq.s32 s7, s2  }
0x1e: {  	s7 =	smul.u32 @!p0 $0xF7A, s2;
	p2 =	seq.s32 @!p0 s5, $0x0  }
0x1f: {  	s9 =	smul.u32 $0xF7A, s1;
	s8 =	simm.s32 @!p0 $0x1BF5;
	p2 =	por !p2, p0  }
0x20: {  	[sflag:s8] =	ssyncset.s32 @!p0 $0xFFFFF086;
	s6 =	sadd.s32 @!p0 s3, s7;
	s7 =	simm.s32 @!p0 $0x108  }
0x21: {  	s3 =	sadd.s32 s3, s9;
	s6 =	sadd.s32 @!p0 $0x88, s6;
	s7 =	simm.s32 @p2 $0x1082  }
0x22: {  	[simem:s7], [sflag:s8] =	dma.local @!p0 [hbm:s6], $0xF7A  }
0x23: {  	s9 =	sor.u32 $0xD0000000, s2;
	s6 =	simm.s32 $0x108;
	_ =	swait.ge @!p0 [sflag:s8], $0x0  }
0x24: {  	s3 =	sadd.s32 $0x88, s3;
	s6 =	simm.s32 @!p1 $0x1082;
	[sflag:s4] =	ssyncset.s32 $0xFFFFF086  }
0x25: {  	[simem:s6], [sflag:s4] =	dma.local [hbm:s3], $0xF7A  }
0x26: {  	[smem:$0x3F94] =	sst s1;
	(tag) =	ssettag s2;
	_ =	strace s9  }
0x27: {  	s1 =	sld [smem:$0x3FA4]  }
0x28: {  	s2 =	sld [smem:$0x3FA5]  }
0x29: {  	s4 =	sld [smem:$0x3FA7]  }
0x2a: {  	p0 =	seq.s32 s5, $0x0;
	s5 =	sld [smem:$0x3FA8]  }
0x2b: {  	s6 =	sld [smem:$0x3FA9]  }
0x2c: {  	s7 =	sld [smem:$0x3FAA]  }
0x2d: {  	s3 =	simm.s32 $0x108;
	s8 =	sld [smem:$0x3FAB]  }
0x2e: {  	s3 =	simm.s32 @!p0 $0x1082;
	s9 =	sld [smem:$0x3FAC]  }
0x2f: {  	lr =	sadd.s32 s0, s3;
	s0 =	sld [smem:$0x3FA3]  }
0x30: {  	s3 =	sld [smem:$0x3FA6]  }
0x31: {  	[smem:$0x3FAF] =	sst s10  }
0x32: {  	s10 =	sld [smem:$0x3FAD];
	_ =	sdelay $0x3  }
0x33: {  	p0 =	seq.s32 s10, $0x1;
	s10 =	sld [smem:$0x3FAF];
	_ =	sdelay $0x3  }
0x34: {  	[smem:$0x3FAF] =	sst s10  }
0x35: {  	s10 =	sld [smem:$0x3FAE];
	_ =	sdelay $0x3  }
0x36: {  	p1 =	seq.s32 s10, $0x1;
	s10 =	sld [smem:$0x3FAF];
	_ =	sdelay $0x3  }
0x37: {  	[smem:$0x3FAF] =	sst s10  }
0x38: {  	s10 =	sld [smem:$0x3FB0]  }
0x39: {  	_ = 	snop;
	(pc) =	sbr.ind lr, $3  }
0x3a: {  	_ = 	snop  }
0x3b: {  	_ = 	snop  }
0x3c: {  	p2 =	seq.s32 s10, $0x1;
	s10 =	sld [smem:$0x3FAF]  }
0x3d: {  	_ =	shalt  }
0x3e: {  	_ =	shalt  }
0x3f: {  	_ =	shalt  }
0x40: {  	_ =	shalt  }
0x41: {  	_ =	shalt  }
0x42: {  	_ =	shalt  }
0x43: {  	_ =	shalt  }
0x44: {  	_ =	shalt  }
0x45: {  	_ =	shalt  }
0x46: {  	_ =	shalt  }
0x47: {  	_ =	shalt  }
0x48: {  	_ =	shalt  }
0x49: {  	_ =	shalt  }
0x4a: {  	_ =	shalt  }
0x4b: {  	_ =	shalt  }
0x4c: {  	_ =	shalt  }
0x4d: {  	_ =	shalt  }
0x4e: {  	_ =	shalt  }
0x4f: {  	_ =	shalt  }
0x50: {  	_ =	shalt  }
0x51: {  	_ =	shalt  }
0x52: {  	_ =	shalt  }
0x53: {  	_ =	shalt  }
0x54: {  	_ =	shalt  }
0x55: {  	_ =	shalt  }
0x56: {  	_ =	shalt  }
0x57: {  	_ =	shalt  }
0x58: {  	_ =	shalt  }
0x59: {  	_ =	shalt  }
0x5a: {  	_ =	shalt  }
0x5b: {  	_ =	shalt  }
0x5c: {  	_ =	shalt  }
0x5d: {  	_ =	shalt  }
0x5e: {  	_ =	shalt  }
0x5f: {  	_ =	shalt  }
0x60: {  	_ =	shalt  }
0x61: {  	_ =	shalt  }
0x62: {  	_ =	shalt  }
0x63: {  	_ =	shalt  }
0x64: {  	_ =	shalt  }
0x65: {  	_ =	shalt  }
0x66: {  	_ =	shalt  }
0x67: {  	_ =	shalt  }
0x68: {  	_ =	shalt  }
0x69: {  	_ =	shalt  }
0x6a: {  	_ =	shalt  }
0x6b: {  	_ =	shalt  }
0x6c: {  	_ =	shalt  }
0x6d: {  	_ =	shalt  }
0x6e: {  	_ =	shalt  }
0x6f: {  	_ =	shalt  }
0x70: {  	_ =	shalt  }
0x71: {  	_ =	shalt  }
0x72: {  	_ =	shalt  }
0x73: {  	_ =	shalt  }
0x74: {  	_ =	shalt  }
0x75: {  	_ =	shalt  }
0x76: {  	_ =	shalt  }
0x77: {  	_ =	shalt  }
0x78: {  	_ =	shalt  }
0x79: {  	_ =	shalt  }
0x7a: {  	_ =	shalt  }
0x7b: {  	_ =	shalt  }
0x7c: {  	_ =	shalt  }
0x7d: {  	_ =	shalt  }
0x7e: {  	_ =	shalt  }
0x7f: {  	_ =	shalt  }
0x80: {  	_ =	shalt  }
0x81: {  	_ =	shalt  }
0x82: {  	_ =	shalt  }
0x83: {  	_ =	shalt  }
0x84: {  	_ =	shalt  }
0x85: {  	_ =	shalt  }
0x86: {  	_ =	shalt  }
0x87: {  	_ =	shalt  }
.Lfunc_end0:
.L_simem_size_0:
called_computation.2_lowered:
.L_overlay_start_0:
0x88: {  	s2 =	sld [smem:$0x3FD9]  }
0x89: {  	s3 =	sld [smem:$0x3FFE];
	_ =	sdelay $0x1  }
0x8a: {  	s1 =	srdreg.scid  }
0x8b: {  	s0 =	sand.u32 $0x1, s1  }
0x8c: {  	s16 =	sshll.u32 s0, $0xA;
	s2 =	sadd.s32 s3, s2  }
0x8d: {  	s2 =	sadd.s32 s2, s16  }
0x8e: {  	[smem:$0x3FBB] =	sst s2  }
0x8f: {  	_ = 	snop  }
0x90: {  	(tm) =	ssettm $0x1  }
0x91: {  	s17 =	sld [smem:$0x3FFB];
	_ =	sdelay $0x3  }
0x92: {  	_ =	strace s17  }
0x93: {  	s2 =	sld [smem:$0x3FFC];
	_ =	sdelay $0x3  }
0x94: {  	_ =	strace s2  }
0x95: {  	s2 =	sld [smem:$0x3FFD];
	_ =	sdelay $0x3  }
0x96: {  	_ =	strace s2  }
0x97: {  	_ =	strace $0x8FFFFFFF  }
0x98: {  	s18 =	sld [smem:$0x3FDB];
	_ =	sdelay $0x1  }
0x99: {  	s19 =	simm.s32 $_scs_section_size  }
0x9a: {  	s4 =	simm.s32 $_size__tile_overlayer_lowered;
	s5 =	simm.s32 $_tile_overlayer_lowered  }
0x9b: {  	s22 =	simm.s32 $0x1BFF;
	s21 =	sshll.u32 s5, $0x1;
	s2 =	sadd.s32 s19, s18  }
0x9c: {  	s6 =	simm.s32 $0x0;
	s20 =	sshll.u32 s4, $0x1;
	s4 =	sadd.s32 s21, s2  }
0x9d: {  	[timem:s6], [sflag:s22] =	dma.local [hbm:s4], s20  }
0x9e: {  	_ =	swait.ge [sflag:s22], s20  }
0x9f: {  	s3 =	ssub.s32 $0x0, s20;
	[sflag:s22] =	ssyncset.done $0x0  }
0xa0: {  	[sflag:s22] =	ssyncadd.s32 s3;
	_ =	sdelay $0x1  }
0xa1: {  	s23 =	simm.s32 $0x1B8B  }
0xa2: {  	_ =	swait.ge [sflag:s23], $0x1  }
0xa3: {  	[sflag:s23] =	ssyncset.done $0x0  }
0xa4: {  	s25 =	simm.s32 $0x1B8E;
	s24 =	sld [smem:$0x3FFE];
	[sflag:s23] =	ssyncadd.s32 $0xFFFFFFFF  }
0xa5: {  	s26 =	simm.s32 $execute0_lowered;
	[smem:$0x3FD2] =	sst s25  }
0xa6: {  	s4 =	sshll.u32 s26, $0x1;
	_ =	strace $0x8000004C;
	[dreg:$0x1] =	wrdreg $0xFFFFFFFF  }
0xa7: {  	s28 =	simm.s32 $_size_execute0_lowered;
	s2 =	sadd.s32 s2, s4;
	[dreg:$0x0] =	wrdreg $0x0  }
0xa8: {  	s4 =	sshll.u32 s28, $0x1;
	[dreg:$0x2] =	wrdreg s2  }
0xa9: {  	[dreg:$0x3] =	wrdreg s4  }
0xaa: {  	[dreg:$0x4] =	wrdreg $0xC0  }
0xab: {  	_ =	task [dreg:s6], $0x5FFFF  }
0xac: {  	[dreg:$0x1] =	wrdreg $0xFFFFFFFF  }
0xad: {  	[dreg:$0x0] =	wrdreg $0x60  }
0xae: {  	[dreg:$0x2] =	wrdreg s24  }
0xaf: {  	[dreg:$0x3] =	wrdreg $0x83000  }
0xb0: {  	[dreg:$0x4] =	wrdreg $0x9  }
0xb1: {  	_ =	task.clear_ibuf [dreg:s6], $0x5FFFF;
	_ =	strace $0x9000004C  }
0xb2: {  	s29 =	simm.s32 $0x9;
	_ =	strace $0x8000004E  }
0xb3: {  	_ =	swait.ge [sflag:s29], $0x1  }
0xb4: {  	[sflag:s29] =	ssyncadd.s32 $0xFFFFFFFF  }
0xb5: {  	_ =	strace $0x9000004E  }
0xb6: {  	_ =	sfence  }
0xb7: {  	s30 =	sld [smem:$0x0];
	_ =	sdelay $0x2  }
0xb8: {  	s31 =	sshll.u32 s1, $0xD;
	s1 =	sshrl.u32 s1, $0x2  }
0xb9: {  	s3 =	sand.u32 $0x4000, s31;
	s1 =	sadd.s32 s1, s30  }
0xba: {  	s0 =	sor.u32 s3, s0;
	s1 =	sshll.u32 s1, $0x11  }
0xbb: {  	s0 =	sor.u32 s1, s0  }
0xbc: {  	s0 =	sadd.s32 $0x8F2B, s0  }
0xbd: {  	[sflag:s0] =	ssyncadd.remote.s32 $0x1  }
0xbe: {  	_ =	sfence.sel $0xFFFF  }
0xbf: {  	[dreg:$0x0] =	wrdreg $0xFFFFFFFF;
	(pc) =	sbr.abs _section_cstart, $3  }
0xc0: {  	[dreg:$0x1] =	wrdreg $0xFFFFFFFF  }
0xc1: {  	_ =	task.clear_ibuf [dreg:s6], $0x2FFFF;
	_ =	strace $0x9FFFFFFF  }
0xc2: {  	(tm) =	ssettm $0x7FFFFFFF  }
0xc3: {  	_ =	shalt  }
tec
execute0_lowered:
.L_overlay_start_1:
0x0: {  	(tag) =	ssettag $0x1  }
0x1: {  	s0 =	rddreg [dreg:$0x0]  }
0x2: {  	s1 =	rddreg [dreg:$0x1];
	s2 =	simm.s32 $0x0;
	s3 =	srdreg.scid  }
0x3: {  	s12 =	stileid.u32;
	s28 =	simm.s32 $0x2;
	s30 =	simm.s32 $0x8200  }
0x4: {  	[smem:$0x7FF] =	sst s2;
	s3 =	sand.u32 $0x1, s3;
	s8 =	smul.u32 $0x14000, s12  }
0x5: {  	s4 =	sadd.s32 $0xC000, s0;
	s5 =	sadd.s32 $0x2200, s0;
	s11 =	smul.u32 $0x50000, s12  }
0x6: {  	s7 =	sadd.s32 $0x15E00, s0;
	s19 =	sshll.u32 s12, $0x6;
	s20 =	smul.u32 $0x2710, s12  }
0x7: {  	_ =	strace $0x8000004D;
	s6 =	smul.u32 $0x140000, s3;
	s9 =	sshll.u32 s3, $0x4  }
0x8: {  	[dreg:$0x3] =	wrdreg s7;
	s7 =	sadd.s32 $0x16600, s0;
	s16 =	ssub.s32 $0x2, s3  }
0x9: {  	s3 =	smul.u32 $0x27100, s3;
	s9 =	sor.u32 s12, s9;
	s10 =	sshrl.u32 s16, $0x1  }
0xa: {  	s18 =	sshrl.u32 s11, $0x2;
	s6 =	sadd.s32 s8, s6;
	s9 =	smul.u32 $0x2710, s9  }
0xb: {  	s17 =	ssub.s32 s16, s10;
	s15 =	sadd.s32 s18, s1;
	s8 =	sor.u32 $0x1C03, s19  }
0xc: {  	s3 =	sadd.s32 s20, s3;
	s19 =	simm.s32 $0x3;
	s20 =	simm.s32 $0x1C300  }
0xd: {  	s6 =	sshrl.u32 s6, $0x3;
	s14 =	sadd.s32 $0x80, s3;
	s31 =	sadd.s32 $0x100, s3  }
0xe: {  	s18 =	sshrl.u32 s15, $0x3;
	s0 =	sadd.s32 s6, s0;
	s21 =	sshrl.u32 s9, $0x3  }
0xf: {  	s26 =	sshrl.u32 s14, $0x3;
	s14 =	smax.u32 s17, $0x1;
	s9 =	sadd.s32 s5, s21  }
0x10: {  	v0 =	vlaneseq.u32;
	s22 =	sadd.s32 $0x4E0, s21;
	s23 =	sadd.s32 s4, s21;
	s13 =	sadd.s32 $0x40000, s0  }
0x11: {  	v0 =	vmul.u32 $0x80, v0;
	s29 =	sadd.s32 s26, s4;
	s3 =	sadd.s32 s26, s5;
	s21 =	simm.s32 $0x100  }
0x12: {  	s26 =	simm.s32 $0x1;
	s0 =	simm.s32 $0x0;
	[dreg:$0x4] =	wrdreg s9  }
0x13: {  	v1 =	vor.u32 $0x800, v0;
	[dreg:$0x5] =	wrdreg s23;
	s24 =	sadd.s32 s5, s22;
	s25 =	sadd.s32 s4, s22  }
0x14: {  	v2 =	vor.u32 $0x1000, v0;
	v3 =	vor.u32 $0x1800, v0;
	v4 =	vor.u32 $0x2000, v0;
	s22 =	simm.s32 $0x4200;
	s23 =	simm.s32 $0x80;
	[dreg:$0x6] =	wrdreg s24  }
0x15: {  	v5 =	vor.u32 $0x2800, v0;
	v6 =	vor.u32 $0x3000, v0;
	v7 =	vor.u32 $0x3800, v0;
	[dreg:$0x7] =	wrdreg s25;
	s24 =	simm.s32 $0x4180;
	s25 =	simm.s32 $0x4100  }
.LBB2_1:
0x16: {  	[spmem:s18], [sflag:s8] =	dma.local [hbm:s7], $0x2800  }
0x17: {  	_ =	swait.ge [sflag:s19], $0x2800  }
0x18: {  	[sflag:s19] =	ssyncset.done $0x0  }
0x19: {  	s6 =	rddreg [dreg:$0x3];
	[sflag:s19] =	ssyncadd.s32 $0xFFFFD800  }
0x1a: {  	[tilespmem:s20], [sflag:$0x3] =	stream.linear.gather [hbm4b:s6+s2], $0x2780, $0x38;
	[tilespmem:$0x1EA80] =	vst v63  }
0x1b: {  	_ =	swait.ge [sflag:s19], $0x2780  }
0x1c: {  	[sflag:s19] =	ssyncset.done $0x0  }
0x1d: {  	[sflag:s19] =	ssyncadd.s32 $0xFFFFD880  }
0x1e: {  	[tilespmem:s21], [sflag:$0x3] =	stream.linear.gather [hbm4b:s7+s2], $0x4000, $0x38;
	[tilespmem:$0x1EA80] =	vst v63  }
0x1f: {  	_ =	swait.ge [sflag:s19], $0x4000  }
0x20: {  	[sflag:s19] =	ssyncset.done $0x0  }
0x21: {  	[sflag:s19] =	ssyncadd.s32 $0xFFFFC000  }
0x22: {  	[tilespmem:s22], [sflag:$0x3] =	stream.linear.gather [hbm4b:s7+s2], $0x4000, $0x38;
	[tilespmem:$0x1EA80] =	vst v63  }
0x23: {  	_ =	swait.ge [sflag:s19], $0x4000  }
0x24: {  	[sflag:s19] =	ssyncset.done $0x0  }
0x25: {  	[sflag:s19] =	ssyncadd.s32 $0xFFFFC000  }
0x26: {  	[bflag:$0x0] =	sbarrier.arrive $0xFFFF  }
0x27: {  	s16 =	rddreg [dreg:$0x4]  }
0x28: {  	[tilespmem:s23], [sflag:$0x3] =	stream.linear.gather [hbm4b:s16+s2], $0x80, $0x38;
	[tilespmem:$0x1EA80] =	vst v63  }
0x29: {  	_ =	swait.ge [sflag:s19], $0x80  }
0x2a: {  	[sflag:s19] =	ssyncset.done $0x0  }
0x2b: {  	s17 =	rddreg [dreg:$0x5];
	[sflag:s19] =	ssyncadd.s32 $0xFFFFFF80  }
0x2c: {  	[tilespmem:s2], [sflag:$0x3] =	stream.linear.gather [hbm4b:s17+s2], $0x80, $0x38;
	[tilespmem:$0x1EA80] =	vst v63  }
0x2d: {  	_ =	swait.ge [sflag:s19], $0x80  }
0x2e: {  	[sflag:s19] =	ssyncset.done $0x0  }
0x2f: {  	[sflag:s19] =	ssyncadd.s32 $0xFFFFFF80  }
0x30: {  	v8 =	vld [tilespmem:$0x80];
	_ =	sdelay $0x7  }
0x31: {  	v8 =	vld.idx.msk [tilespmem:v8+s20+$0x0], $0xffff;
	_ =	sdelay $0x4  }
0x32: {  	[tilespmem:v0+s21+$0x0] =	vst.idx.msk $0xffff, v8  }
0x33: {  	v8 =	vld [tilespmem:$0x90];
	_ =	sdelay $0x7  }
0x34: {  	v8 =	vld.idx.msk [tilespmem:v8+s20+$0x0], $0xffff;
	_ =	sdelay $0x4  }
0x35: {  	[tilespmem:v1+s21+$0x0] =	vst.idx.msk $0xffff, v8  }
0x36: {  	v8 =	vld [tilespmem:$0xA0];
	_ =	sdelay $0x7  }
0x37: {  	v8 =	vld.idx.msk [tilespmem:v8+s20+$0x0], $0xffff;
	_ =	sdelay $0x4  }
0x38: {  	[tilespmem:v2+s21+$0x0] =	vst.idx.msk $0xffff, v8  }
0x39: {  	v8 =	vld [tilespmem:$0xB0];
	_ =	sdelay $0x7  }
0x3a: {  	v8 =	vld.idx.msk [tilespmem:v8+s20+$0x0], $0xffff;
	_ =	sdelay $0x4  }
0x3b: {  	[tilespmem:v3+s21+$0x0] =	vst.idx.msk $0xffff, v8  }
0x3c: {  	v8 =	vld [tilespmem:$0xC0];
	_ =	sdelay $0x7  }
0x3d: {  	v8 =	vld.idx.msk [tilespmem:v8+s20+$0x0], $0xffff;
	_ =	sdelay $0x4  }
0x3e: {  	[tilespmem:v4+s21+$0x0] =	vst.idx.msk $0xffff, v8  }
0x3f: {  	v8 =	vld [tilespmem:$0xD0];
	_ =	sdelay $0x7  }
0x40: {  	v8 =	vld.idx.msk [tilespmem:v8+s20+$0x0], $0xffff;
	_ =	sdelay $0x4  }
0x41: {  	[tilespmem:v5+s21+$0x0] =	vst.idx.msk $0xffff, v8  }
0x42: {  	v8 =	vld [tilespmem:$0xE0];
	_ =	sdelay $0x7  }
0x43: {  	v8 =	vld.idx.msk [tilespmem:v8+s20+$0x0], $0xffff;
	_ =	sdelay $0x4  }
0x44: {  	[tilespmem:v6+s21+$0x0] =	vst.idx.msk $0xffff, v8  }
0x45: {  	v8 =	vld [tilespmem:$0xF0];
	_ =	sdelay $0x7  }
0x46: {  	v8 =	vld.idx.msk [tilespmem:v8+s20+$0x0], $0xffff;
	_ =	sdelay $0x3  }
0x47: {  	s15 =	smov.u32 s31  }
0x48: {  	s6 =	simm.s32 $0x0;
	s16 =	smov.u32 s29;
	s17 =	smov.u32 s3;
	[tilespmem:v7+s21+$0x0] =	vst.idx.msk $0xffff, v8  }
.LBB2_2:
0x49: {  	[spmem:s1] =	stream.indirect.scatter.add.f32 [tilespmem:s21], [sflag:$0x1], $0x80, s2, s23, $0xb8;
	[tilespmem:$0x1EA80] =	vst v63  }
0x4a: {  	p0 =	seq.s32 s6, $0x0  }
0x4b: {  	s9 =	simm.s32 @!p0 $0x2  }
0x4c: {  	_ =	swait.ge @!p0 [sflag:s9], $0x4000  }
0x4d: {  	[sflag:s9] =	ssyncset.done @!p0 $0x0  }
0x4e: {  	[sflag:s9] =	ssyncadd.s32 @!p0 $0xFFFFC000  }
0x4f: {  	[tilespmem:s24], [sflag:$0x3] =	stream.linear.gather [hbm4b:s17+s2], $0x80, $0x38;
	[tilespmem:$0x1EA80] =	vst v63  }
0x50: {  	_ =	swait.ge [sflag:s19], $0x80  }
0x51: {  	[sflag:s19] =	ssyncset.done $0x0  }
0x52: {  	[sflag:s19] =	ssyncadd.s32 $0xFFFFFF80  }
0x53: {  	[tilespmem:s25], [sflag:$0x3] =	stream.linear.gather [hbm4b:s16+s2], $0x80, $0x38;
	[tilespmem:$0x1EA80] =	vst v63  }
0x54: {  	_ =	swait.ge [sflag:s19], $0x80  }
0x55: {  	[sflag:s19] =	ssyncset.done $0x0  }
0x56: {  	[sflag:s19] =	ssyncadd.s32 $0xFFFFFF80  }
0x57: {  	v8 =	vld [tilespmem:$0x4180];
	_ =	sdelay $0x7  }
0x58: {  	v8 =	vld.idx.msk [tilespmem:v8+s20+$0x0], $0xffff;
	_ =	sdelay $0x4  }
0x59: {  	[tilespmem:v0+s22+$0x0] =	vst.idx.msk $0xffff, v8  }
0x5a: {  	v8 =	vld [tilespmem:$0x4190];
	_ =	sdelay $0x7  }
0x5b: {  	v8 =	vld.idx.msk [tilespmem:v8+s20+$0x0], $0xffff;
	_ =	sdelay $0x4  }
0x5c: {  	[tilespmem:v1+s22+$0x0] =	vst.idx.msk $0xffff, v8  }
0x5d: {  	v8 =	vld [tilespmem:$0x41A0];
	_ =	sdelay $0x7  }
0x5e: {  	v8 =	vld.idx.msk [tilespmem:v8+s20+$0x0], $0xffff;
	_ =	sdelay $0x4  }
0x5f: {  	[tilespmem:v2+s22+$0x0] =	vst.idx.msk $0xffff, v8  }
0x60: {  	v8 =	vld [tilespmem:$0x41B0];
	_ =	sdelay $0x7  }
0x61: {  	v8 =	vld.idx.msk [tilespmem:v8+s20+$0x0], $0xffff;
	_ =	sdelay $0x4  }
0x62: {  	[tilespmem:v3+s22+$0x0] =	vst.idx.msk $0xffff, v8  }
0x63: {  	v8 =	vld [tilespmem:$0x41C0];
	_ =	sdelay $0x7  }
0x64: {  	v8 =	vld.idx.msk [tilespmem:v8+s20+$0x0], $0xffff;
	_ =	sdelay $0x4  }
0x65: {  	[tilespmem:v4+s22+$0x0] =	vst.idx.msk $0xffff, v8  }
0x66: {  	v8 =	vld [tilespmem:$0x41D0];
	_ =	sdelay $0x7  }
0x67: {  	v8 =	vld.idx.msk [tilespmem:v8+s20+$0x0], $0xffff;
	_ =	sdelay $0x4  }
0x68: {  	[tilespmem:v5+s22+$0x0] =	vst.idx.msk $0xffff, v8  }
0x69: {  	v8 =	vld [tilespmem:$0x41E0];
	_ =	sdelay $0x7  }
0x6a: {  	v8 =	vld.idx.msk [tilespmem:v8+s20+$0x0], $0xffff;
	_ =	sdelay $0x4  }
0x6b: {  	[tilespmem:v6+s22+$0x0] =	vst.idx.msk $0xffff, v8  }
0x6c: {  	v8 =	vld [tilespmem:$0x41F0];
	_ =	sdelay $0x7  }
0x6d: {  	v8 =	vld.idx.msk [tilespmem:v8+s20+$0x0], $0xffff;
	_ =	sdelay $0x3  }
0x6e: {  	p0 =	sgt.u32 s6, $0x25  }
0x6f: {  	s9 =	simm.s32 @!p0 $0x1;
	[tilespmem:v7+s22+$0x0] =	vst.idx.msk $0xffff, v8  }
0x70: {  	[spmem:s1] =	stream.indirect.scatter.add.f32 [tilespmem:s22], [sflag:$0x2], $0x80, s25, s23, $0xb8;
	[tilespmem:$0x1EA80] =	vst v63  }
0x71: {  	_ =	swait.ge @!p0 [sflag:s9], $0x4000  }
0x72: {  	[sflag:s9] =	ssyncset.done @!p0 $0x0  }
0x73: {  	[sflag:s9] =	ssyncadd.s32 @!p0 $0xFFFFC000;
	s9 =	sshrl.u32 @!p0 s15, $0x3  }
0x74: {  	s11 =	simm.s32 @!p0 $0x0;
	s12 =	simm.s32 @!p0 $0x80;
	s10 =	sadd.s32 @!p0 s5, s9  }
0x75: {  	[tilespmem:s12], [sflag:$0x3] =	stream.linear.gather @!p0 [hbm4b:s10+s11], $0x80, $0x38;
	[tilespmem:$0x1EA80] =	vst v63  }
0x76: {  	s10 =	simm.s32 @!p0 $0x3  }
0x77: {  	_ =	swait.ge @!p0 [sflag:s10], $0x80  }
0x78: {  	[sflag:s10] =	ssyncset.done @!p0 $0x0  }
0x79: {  	s9 =	sadd.s32 @!p0 s4, s9;
	[sflag:s10] =	ssyncadd.s32 @!p0 $0xFFFFFF80  }
0x7a: {  	[tilespmem:s11], [sflag:$0x3] =	stream.linear.gather @!p0 [hbm4b:s9+s11], $0x80, $0x38;
	[tilespmem:$0x1EA80] =	vst v63  }
0x7b: {  	_ =	swait.ge @!p0 [sflag:s10], $0x80  }
0x7c: {  	[sflag:s10] =	ssyncset.done @!p0 $0x0  }
0x7d: {  	[sflag:s10] =	ssyncadd.s32 @!p0 $0xFFFFFF80  }
0x7e: {  	v8 =	vld @!p0 [tilespmem:$0x80];
	_ =	sdelay $0x5  }
0x7f: {  	v9 =	vlaneseq.u32 @!p0  }
0x80: {  	v9 =	vmul.u32 @!p0 $0x80, v9;
	s9 =	simm.s32 @!p0 $0x1C300  }
0x81: {  	v8 =	vld.idx.msk @!p0 [tilespmem:v8+s9+$0x0], $0xffff;
	_ =	sdelay $0x3  }
0x82: {  	s10 =	simm.s32 @!p0 $0x100  }
0x83: {  	[tilespmem:v9+s10+$0x0] =	vst.idx.msk @!p0 $0xffff, v8  }
0x84: {  	v8 =	vld @!p0 [tilespmem:$0x90];
	_ =	sdelay $0x7  }
0x85: {  	v10 =	vor.u32 @!p0 $0x800, v9;
	v8 =	vld.idx.msk @!p0 [tilespmem:v8+s9+$0x0], $0xffff;
	_ =	sdelay $0x4  }
0x86: {  	[tilespmem:v10+s10+$0x0] =	vst.idx.msk @!p0 $0xffff, v8  }
0x87: {  	v8 =	vld @!p0 [tilespmem:$0xA0];
	_ =	sdelay $0x7  }
0x88: {  	v10 =	vor.u32 @!p0 $0x1000, v9;
	v8 =	vld.idx.msk @!p0 [tilespmem:v8+s9+$0x0], $0xffff;
	_ =	sdelay $0x4  }
0x89: {  	[tilespmem:v10+s10+$0x0] =	vst.idx.msk @!p0 $0xffff, v8  }
0x8a: {  	v8 =	vld @!p0 [tilespmem:$0xB0];
	_ =	sdelay $0x7  }
0x8b: {  	v10 =	vor.u32 @!p0 $0x1800, v9;
	v8 =	vld.idx.msk @!p0 [tilespmem:v8+s9+$0x0], $0xffff;
	_ =	sdelay $0x4  }
0x8c: {  	[tilespmem:v10+s10+$0x0] =	vst.idx.msk @!p0 $0xffff, v8  }
0x8d: {  	v8 =	vld @!p0 [tilespmem:$0xC0];
	_ =	sdelay $0x7  }
0x8e: {  	v10 =	vor.u32 @!p0 $0x2000, v9;
	v8 =	vld.idx.msk @!p0 [tilespmem:v8+s9+$0x0], $0xffff;
	_ =	sdelay $0x4  }
0x8f: {  	[tilespmem:v10+s10+$0x0] =	vst.idx.msk @!p0 $0xffff, v8  }
0x90: {  	v8 =	vld @!p0 [tilespmem:$0xD0];
	_ =	sdelay $0x7  }
0x91: {  	v10 =	vor.u32 @!p0 $0x2800, v9;
	v8 =	vld.idx.msk @!p0 [tilespmem:v8+s9+$0x0], $0xffff;
	_ =	sdelay $0x4  }
0x92: {  	[tilespmem:v10+s10+$0x0] =	vst.idx.msk @!p0 $0xffff, v8  }
0x93: {  	v8 =	vld @!p0 [tilespmem:$0xE0];
	_ =	sdelay $0x7  }
0x94: {  	v10 =	vor.u32 @!p0 $0x3000, v9;
	v8 =	vld.idx.msk @!p0 [tilespmem:v8+s9+$0x0], $0xffff;
	_ =	sdelay $0x4  }
0x95: {  	[tilespmem:v10+s10+$0x0] =	vst.idx.msk @!p0 $0xffff, v8  }
0x96: {  	v8 =	vld @!p0 [tilespmem:$0xF0];
	_ =	sdelay $0x6  }
0x97: {  	s6 =	sadd.s32 $0x1, s6  }
0x98: {  	p1 =	sne.s32 s6, $0x27;
	v9 =	vor.u32 @!p0 $0x3800, v9;
	v8 =	vld.idx.msk @!p0 [tilespmem:v8+s9+$0x0], $0xffff  }
.Ltmp0:
0x99: {  	_ = 	snop;
	(pc) =	sbr.rel @p1 .LBB2_2-.Ltmp0, $2  }
0x9a: {  	_ =	sdelay $0x2  }
0x9b: {  	s17 =	sadd.s32 $0x20, s17;
	s16 =	sadd.s32 $0x20, s16;
	s15 =	sadd.s32 $0x100, s15;
	[tilespmem:v9+s10+$0x0] =	vst.idx.msk @!p0 $0xffff, v8  }
0x9c: {  	_ =	swait.ge [sflag:s26], $0x4000  }
0x9d: {  	[sflag:s26] =	ssyncset.done $0x0  }
0x9e: {  	[sflag:s26] =	ssyncadd.s32 $0xFFFFC000  }
0x9f: {  	_ =	swait.ge [sflag:s28], $0x4000  }
0xa0: {  	[sflag:s28] =	ssyncset.done $0x0  }
0xa1: {  	s9 =	simm.s32 $0x8280;
	s6 =	rddreg [dreg:$0x6];
	[sflag:s28] =	ssyncadd.s32 $0xFFFFC000  }
0xa2: {  	[tilespmem:s9], [sflag:$0x3] =	stream.linear.gather [hbm4b:s6+s2], $0x10, $0x38;
	[tilespmem:$0x1EA80] =	vst v63  }
0xa3: {  	_ =	swait.ge [sflag:s19], $0x10  }
0xa4: {  	[sflag:s19] =	ssyncset.done $0x0  }
0xa5: {  	s16 =	rddreg [dreg:$0x7];
	[sflag:s19] =	ssyncadd.s32 $0xFFFFFFF0  }
0xa6: {  	[tilespmem:s30], [sflag:$0x3] =	stream.linear.gather [hbm4b:s16+s2], $0x10, $0x38;
	[tilespmem:$0x1EA80] =	vst v63  }
0xa7: {  	_ =	swait.ge [sflag:s19], $0x10  }
0xa8: {  	[sflag:s19] =	ssyncset.done $0x0  }
0xa9: {  	[sflag:s19] =	ssyncadd.s32 $0xFFFFFFF0  }
0xaa: {  	v8 =	vld [tilespmem:$0x8280];
	_ =	sdelay $0x7  }
0xab: {  	v8 =	vld.idx.msk [tilespmem:v8+s20+$0x0], $0xffff;
	_ =	sdelay $0x4  }
0xac: {  	s17 =	simm.s32 $0x10;
	[tilespmem:v0+s21+$0x0] =	vst.idx.msk $0xffff, v8  }
0xad: {  	[spmem:s1] =	stream.indirect.scatter.add.f32 [tilespmem:s21], [sflag:$0x3], $0x80, s30, s17, $0xb8;
	[tilespmem:$0x1EA80] =	vst v63  }
0xae: {  	_ =	swait.ge [sflag:s19], $0x800  }
0xaf: {  	s0 =	sadd.s32 $0x1, s0;
	[sflag:s19] =	ssyncset.done $0x0  }
0xb0: {  	p0 =	sne.s32 s0, s14;
	[sflag:s19] =	ssyncadd.s32 $0xFFFFF800  }
.Ltmp1:
0xb1: {  	[bflag:$0x0] =	sbarrier.arrive $0xFFFF;
	(pc) =	sbr.rel @p0 .LBB2_1-.Ltmp1, $4  }
0xb2: {  	[hbm:s13], [sflag:s8] =	dma.local [spmem:s18], $0x2800  }
0xb3: {  	_ =	swait.ge [sflag:s19], $0x2800  }
0xb4: {  	[sflag:s19] =	ssyncset.done $0x0  }
0xb5: {  	[sflag:s19] =	ssyncadd.s32 $0xFFFFD800  }
0xb6: {  	_ =	sfence.sel $0x180000  }
0xb7: {  	[bflag:$0x0] =	sbarrier.arrive $0xFFFF  }
0xb8: {  	_ =	strace $0x9000004D  }
0xb9: {  	s0 =	stileid.u32;
	[bflag:$0x2] =	sbarrier.arrive $0xFFFF  }
0xba: {  	p0 =	sne.s32 s0, $0x0;
	s0 =	rddreg [dreg:$0x2]  }
0xbb: {  	s0 =	sadd.s32 @!p0 $0x100000, s0  }
0xbc: {  	[sflag:s0] =	ssyncadd.tile.s32 @!p0 $0x1;
	_ =	shalt  }
.Lfunc_end2:
_tile_overlayer_lowered:
.L_overlay_start_2:
0xbd: {  	(tag) =	ssettag $0x2  }
0xbe: {  	s0 =	rddreg [dreg:$0x0];
	s2 =	stileid.u32  }
0xbf: {  	s1 =	rddreg [dreg:$0x1];
	p0 =	sne.s32 s2, $0x0  }
0xc0: {  	s3 =	rddreg [dreg:$0x2];
	[bflag:$0x3] =	sbarrier.arrive $0xFFFF;
	s2 =	simm.s32 @!p0 $0x1C03  }
0xc1: {  	[timem:s3], [sflag:s2] =	dma.local @!p0 [hbm:s0], s1  }
0xc2: {  	s0 =	simm.s32 @!p0 $0x3  }
0xc3: {  	_ =	swait.ge @!p0 [sflag:s0], s1  }
0xc4: {  	s1 =	ssub.s32 @!p0 $0x0, s1;
	[sflag:s0] =	ssyncset.done @!p0 $0x0  }
0xc5: {  	[sflag:s0] =	ssyncadd.s32 @!p0 s1  }
0xc6: {  	[bflag:$0x3] =	sbarrier.arrive $0xFFFF  }
0xc7: {  	_ =	shalt  }

// kernel: kernel.17.cloned.1.call-start
scs
__scs_entry_jumppad:
0x0: {  	(pc) =	sbr.rel $0x88, $3  }
0x1: {  	(tag) =	ssettag $0x0;
	lr =	simm.s32 $0x1  }
0x2: {  	[smem:$0x3F94] =	sst lr;
	_ =	strace $0xD0000000  }
0x3: {  	_ = 	snop  }
0x4: {  	_ = 	snop  }
0x5: {  	_ = 	snop  }
0x6: {  	_ = 	snop  }
0x7: {  	_ = 	snop  }
__scs_overlays_trampoline_lowered:
0x8: {  	[smem:$0x3FA3] =	sst s0  }
0x9: {  	[smem:$0x3FA4] =	sst s1  }
0xa: {  	[smem:$0x3FA5] =	sst s2  }
0xb: {  	[smem:$0x3FA6] =	sst s3  }
0xc: {  	[smem:$0x3FA7] =	sst s4  }
0xd: {  	[smem:$0x3FA8] =	sst s5  }
0xe: {  	[smem:$0x3FA9] =	sst s6  }
0xf: {  	[smem:$0x3FAA] =	sst s7  }
0x10: {  	[smem:$0x3FAB] =	sst s8  }
0x11: {  	[smem:$0x3FAC] =	sst s9;
	s0 =	simm.s32 @!p0 $0x0  }
0x12: {  	s1 =	sld [smem:$0x3F92];
	s0 =	simm.s32 @p0 $0x1  }
0x13: {  	[smem:$0x3FAD] =	sst s0;
	s0 =	simm.s32 @!p1 $0x0  }
0x14: {  	s2 =	sld [smem:$0x3F91];
	s0 =	simm.s32 @p1 $0x1  }
0x15: {  	[smem:$0x3FAE] =	sst s0;
	s0 =	simm.s32 @!p2 $0x0  }
0x16: {  	s3 =	sld [smem:$0x3FDB];
	s0 =	simm.s32 @p2 $0x1  }
0x17: {  	s4 =	simm.s32 $0x1BF5;
	[smem:$0x3FB0] =	sst s0  }
0x18: {  	s0 =	sld [smem:$0x3F93];
	_ =	swait.ge [sflag:s4], $0x0  }
0x19: {  	s7 =	sld [smem:$0x3F94]  }
0x1a: {  	s8 =	sadd.s32 $0xFFFFE003, lr  }
0x1b: {  	s9 =	sadd.s32 $0xFFFFFEF7, lr;
	s5 =	simm.s32 $0xFFFFFFFF;
	p2 =	slt.u32 s8, $0xFFFFF086  }
0x1c: {  	p1 =	slt.u32 s9, $0xF7A;
	s5 =	simm.s32 @!p2 $0x0  }
0x1d: {  	s5 =	simm.s32 @p1 $0x1;
	p0 =	seq.s32 s7, s2  }
0x1e: {  	s7 =	smul.u32 @!p0 $0xF7A, s2;
	p2 =	seq.s32 @!p0 s5, $0x0  }
0x1f: {  	s9 =	smul.u32 $0xF7A, s1;
	s8 =	simm.s32 @!p0 $0x1BF5;
	p2 =	por !p2, p0  }
0x20: {  	[sflag:s8] =	ssyncset.s32 @!p0 $0xFFFFF086;
	s6 =	sadd.s32 @!p0 s3, s7;
	s7 =	simm.s32 @!p0 $0x108  }
0x21: {  	s3 =	sadd.s32 s3, s9;
	s6 =	sadd.s32 @!p0 $0x88, s6;
	s7 =	simm.s32 @p2 $0x1082  }
0x22: {  	[simem:s7], [sflag:s8] =	dma.local @!p0 [hbm:s6], $0xF7A  }
0x23: {  	s9 =	sor.u32 $0xD0000000, s2;
	s6 =	simm.s32 $0x108;
	_ =	swait.ge @!p0 [sflag:s8], $0x0  }
0x24: {  	s3 =	sadd.s32 $0x88, s3;
	s6 =	simm.s32 @!p1 $0x1082;
	[sflag:s4] =	ssyncset.s32 $0xFFFFF086  }
0x25: {  	[simem:s6], [sflag:s4] =	dma.local [hbm:s3], $0xF7A  }
0x26: {  	[smem:$0x3F94] =	sst s1;
	(tag) =	ssettag s2;
	_ =	strace s9  }
0x27: {  	s1 =	sld [smem:$0x3FA4]  }
0x28: {  	s2 =	sld [smem:$0x3FA5]  }
0x29: {  	s4 =	sld [smem:$0x3FA7]  }
0x2a: {  	p0 =	seq.s32 s5, $0x0;
	s5 =	sld [smem:$0x3FA8]  }
0x2b: {  	s6 =	sld [smem:$0x3FA9]  }
0x2c: {  	s7 =	sld [smem:$0x3FAA]  }
0x2d: {  	s3 =	simm.s32 $0x108;
	s8 =	sld [smem:$0x3FAB]  }
0x2e: {  	s3 =	simm.s32 @!p0 $0x1082;
	s9 =	sld [smem:$0x3FAC]  }
0x2f: {  	lr =	sadd.s32 s0, s3;
	s0 =	sld [smem:$0x3FA3]  }
0x30: {  	s3 =	sld [smem:$0x3FA6]  }
0x31: {  	[smem:$0x3FAF] =	sst s10  }
0x32: {  	s10 =	sld [smem:$0x3FAD];
	_ =	sdelay $0x3  }
0x33: {  	p0 =	seq.s32 s10, $0x1;
	s10 =	sld [smem:$0x3FAF];
	_ =	sdelay $0x3  }
0x34: {  	[smem:$0x3FAF] =	sst s10  }
0x35: {  	s10 =	sld [smem:$0x3FAE];
	_ =	sdelay $0x3  }
0x36: {  	p1 =	seq.s32 s10, $0x1;
	s10 =	sld [smem:$0x3FAF];
	_ =	sdelay $0x3  }
0x37: {  	[smem:$0x3FAF] =	sst s10  }
0x38: {  	s10 =	sld [smem:$0x3FB0]  }
0x39: {  	_ = 	snop;
	(pc) =	sbr.ind lr, $3  }
0x3a: {  	_ = 	snop  }
0x3b: {  	_ = 	snop  }
0x3c: {  	p2 =	seq.s32 s10, $0x1;
	s10 =	sld [smem:$0x3FAF]  }
0x3d: {  	_ =	shalt  }
0x3e: {  	_ =	shalt  }
0x3f: {  	_ =	shalt  }
0x40: {  	_ =	shalt  }
0x41: {  	_ =	shalt  }
0x42: {  	_ =	shalt  }
0x43: {  	_ =	shalt  }
0x44: {  	_ =	shalt  }
0x45: {  	_ =	shalt  }
0x46: {  	_ =	shalt  }
0x47: {  	_ =	shalt  }
0x48: {  	_ =	shalt  }
0x49: {  	_ =	shalt  }
0x4a: {  	_ =	shalt  }
0x4b: {  	_ =	shalt  }
0x4c: {  	_ =	shalt  }
0x4d: {  	_ =	shalt  }
0x4e: {  	_ =	shalt  }
0x4f: {  	_ =	shalt  }
0x50: {  	_ =	shalt  }
0x51: {  	_ =	shalt  }
0x52: {  	_ =	shalt  }
0x53: {  	_ =	shalt  }
0x54: {  	_ =	shalt  }
0x55: {  	_ =	shalt  }
0x56: {  	_ =	shalt  }
0x57: {  	_ =	shalt  }
0x58: {  	_ =	shalt  }
0x59: {  	_ =	shalt  }
0x5a: {  	_ =	shalt  }
0x5b: {  	_ =	shalt  }
0x5c: {  	_ =	shalt  }
0x5d: {  	_ =	shalt  }
0x5e: {  	_ =	shalt  }
0x5f: {  	_ =	shalt  }
0x60: {  	_ =	shalt  }
0x61: {  	_ =	shalt  }
0x62: {  	_ =	shalt  }
0x63: {  	_ =	shalt  }
0x64: {  	_ =	shalt  }
0x65: {  	_ =	shalt  }
0x66: {  	_ =	shalt  }
0x67: {  	_ =	shalt  }
0x68: {  	_ =	shalt  }
0x69: {  	_ =	shalt  }
0x6a: {  	_ =	shalt  }
0x6b: {  	_ =	shalt  }
0x6c: {  	_ =	shalt  }
0x6d: {  	_ =	shalt  }
0x6e: {  	_ =	shalt  }
0x6f: {  	_ =	shalt  }
0x70: {  	_ =	shalt  }
0x71: {  	_ =	shalt  }
0x72: {  	_ =	shalt  }
0x73: {  	_ =	shalt  }
0x74: {  	_ =	shalt  }
0x75: {  	_ =	shalt  }
0x76: {  	_ =	shalt  }
0x77: {  	_ =	shalt  }
0x78: {  	_ =	shalt  }
0x79: {  	_ =	shalt  }
0x7a: {  	_ =	shalt  }
0x7b: {  	_ =	shalt  }
0x7c: {  	_ =	shalt  }
0x7d: {  	_ =	shalt  }
0x7e: {  	_ =	shalt  }
0x7f: {  	_ =	shalt  }
0x80: {  	_ =	shalt  }
0x81: {  	_ =	shalt  }
0x82: {  	_ =	shalt  }
0x83: {  	_ =	shalt  }
0x84: {  	_ =	shalt  }
0x85: {  	_ =	shalt  }
0x86: {  	_ =	shalt  }
0x87: {  	_ =	shalt  }
.Lfunc_end0:
.L_simem_size_0:
called_computation.3_lowered:
.L_overlay_start_0:
0x88: {  	s2 =	sld [smem:$0x3FD9]  }
0x89: {  	s3 =	sld [smem:$0x3FFE];
	_ =	sdelay $0x1  }
0x8a: {  	s1 =	srdreg.scid  }
0x8b: {  	s0 =	sand.u32 $0x1, s1  }
0x8c: {  	s17 =	sshll.u32 s0, $0xA;
	s2 =	sadd.s32 s3, s2  }
0x8d: {  	s2 =	sadd.s32 s2, s17  }
0x8e: {  	[smem:$0x3FBB] =	sst s2  }
0x8f: {  	_ = 	snop  }
0x90: {  	(tm) =	ssettm $0x1  }
0x91: {  	s18 =	sld [smem:$0x3FFB];
	_ =	sdelay $0x3  }
0x92: {  	_ =	strace s18  }
0x93: {  	s2 =	sld [smem:$0x3FFC];
	_ =	sdelay $0x3  }
0x94: {  	_ =	strace s2  }
0x95: {  	s2 =	sld [smem:$0x3FFD];
	_ =	sdelay $0x3  }
0x96: {  	_ =	strace s2  }
0x97: {  	_ =	strace $0x8FFFFFFF  }
0x98: {  	s19 =	sld [smem:$0x3FDB];
	_ =	sdelay $0x1  }
0x99: {  	s20 =	simm.s32 $_scs_section_size  }
0x9a: {  	s4 =	simm.s32 $_size__tile_overlayer_lowered;
	s5 =	simm.s32 $_tile_overlayer_lowered  }
0x9b: {  	s6 =	simm.s32 $0x1BFF;
	s21 =	sshll.u32 s5, $0x1;
	s3 =	sadd.s32 s20, s19  }
0x9c: {  	s22 =	simm.s32 $0x0;
	s4 =	sshll.u32 s4, $0x1;
	s5 =	sadd.s32 s21, s3  }
0x9d: {  	[timem:s22], [sflag:s6] =	dma.local [hbm:s5], s4  }
0x9e: {  	_ =	swait.ge [sflag:s6], s4  }
0x9f: {  	s4 =	ssub.s32 $0x0, s4;
	[sflag:s6] =	ssyncset.done $0x0  }
0xa0: {  	[sflag:s6] =	ssyncadd.s32 s4;
	_ =	sdelay $0x1  }
0xa1: {  	s23 =	simm.s32 $0x1B8B  }
0xa2: {  	_ =	swait.ge [sflag:s23], $0x1  }
0xa3: {  	[sflag:s23] =	ssyncset.done $0x0  }
0xa4: {  	[sflag:s23] =	ssyncadd.s32 $0xFFFFFFFF  }
0xa5: {  	s4 =	sld [smem:$0x0]  }
0xa6: {  	s5 =	sand.u32 $0xFFFFFFFE, s1  }
0xa7: {  	p0 =	sne.s32 s1, s5  }
0xa8: {  	s5 =	sshll.u32 @p0 s5, $0xE  }
0xa9: {  	s5 =	sadd.s32 @p0 $0x11B8D, s5;
	s6 =	sshll.u32 @p0 s4, $0x11  }
0xaa: {  	s5 =	sor.u32 @p0 s6, s5  }
0xab: {  	[sflag:s5] =	ssyncadd.remote.s32 @p0 $0x1;
	_ =	sdelay $0x1  }
0xac: {  	s5 =	simm.s32 @p0 $0x1B8D  }
0xad: {  	_ =	swait.eq @p0 [sflag:s5], $0x1  }
0xae: {  	[sflag:s5] =	ssyncadd.s32 @p0 $0xFFFFFFFF  }
0xaf: {  	s6 =	sshll.u32 @!p0 s1, $0xE  }
0xb0: {  	s6 =	sor.u32 @!p0 $0x4000, s6;
	s5 =	simm.s32 @!p0 $0x1B8D  }
0xb1: {  	s4 =	sshll.u32 @!p0 s4, $0x11;
	s6 =	sadd.s32 @!p0 $0x11B8D, s6;
	_ =	swait.eq @!p0 [sflag:s5], $0x1  }
0xb2: {  	s4 =	sor.u32 @!p0 s4, s6;
	[sflag:s5] =	ssyncadd.s32 @!p0 $0xFFFFFFFF  }
0xb3: {  	s25 =	simm.s32 $0x1B8E;
	s24 =	sld [smem:$0x3FFE];
	[sflag:s4] =	ssyncadd.remote.s32 @!p0 $0x1  }
0xb4: {  	s26 =	simm.s32 $execute0_lowered;
	[smem:$0x3FD2] =	sst s25  }
0xb5: {  	s5 =	sshll.u32 s26, $0x1;
	_ =	strace $0x8000004F;
	[dreg:$0x1] =	wrdreg $0xFFFFFFFF  }
0xb6: {  	s28 =	simm.s32 $_size_execute0_lowered;
	s3 =	sadd.s32 s3, s5;
	[dreg:$0x0] =	wrdreg $0x0  }
0xb7: {  	s5 =	sshll.u32 s28, $0x1;
	[dreg:$0x2] =	wrdreg s3  }
0xb8: {  	[dreg:$0x3] =	wrdreg s5  }
0xb9: {  	[dreg:$0x4] =	wrdreg $0xC0  }
0xba: {  	_ =	task [dreg:s22], $0x5FFFF  }
0xbb: {  	[dreg:$0x1] =	wrdreg $0xFFFFFFFF  }
0xbc: {  	[dreg:$0x0] =	wrdreg $0x60  }
0xbd: {  	[dreg:$0x2] =	wrdreg s24  }
0xbe: {  	[dreg:$0x3] =	wrdreg $0x8B000  }
0xbf: {  	[dreg:$0x4] =	wrdreg $0xA  }
0xc0: {  	_ =	task.clear_ibuf [dreg:s22], $0x5FFFF;
	_ =	strace $0x9000004F  }
0xc1: {  	s29 =	simm.s32 $0xA;
	_ =	strace $0x80000051  }
0xc2: {  	_ =	swait.ge [sflag:s29], $0x1  }
0xc3: {  	[sflag:s29] =	ssyncadd.s32 $0xFFFFFFFF  }
0xc4: {  	_ =	strace $0x90000051  }
0xc5: {  	_ =	sfence  }
0xc6: {  	s30 =	sld [smem:$0x0];
	_ =	sdelay $0x2  }
0xc7: {  	s31 =	sshll.u32 s1, $0xD;
	s1 =	sshrl.u32 s1, $0x2  }
0xc8: {  	s4 =	sand.u32 $0x4000, s31;
	s1 =	sadd.s32 s1, s30  }
0xc9: {  	s0 =	sor.u32 s4, s0;
	s1 =	sshll.u32 s1, $0x11  }
0xca: {  	s0 =	sor.u32 s1, s0  }
0xcb: {  	s0 =	sadd.s32 $0x8F2B, s0  }
0xcc: {  	[sflag:s0] =	ssyncadd.remote.s32 $0x1  }
0xcd: {  	_ =	sfence.sel $0xFFFF  }
0xce: {  	[dreg:$0x0] =	wrdreg $0xFFFFFFFF;
	(pc) =	sbr.abs _section_cstart, $3  }
0xcf: {  	[dreg:$0x1] =	wrdreg $0xFFFFFFFF  }
0xd0: {  	_ =	task.clear_ibuf [dreg:s22], $0x2FFFF;
	_ =	strace $0x9FFFFFFF  }
0xd1: {  	(tm) =	ssettm $0x7FFFFFFF  }
tec
execute0_lowered:
.L_overlay_start_1:
0x0: {  	(tag) =	ssettag $0x1  }
0x1: {  	s0 =	rddreg [dreg:$0x0]  }
0x2: {  	s1 =	rddreg [dreg:$0x1]  }
0x3: {  	s2 =	srdreg.scid;
	s3 =	simm.s32 $0x0;
	s12 =	stileid.u32  }
0x4: {  	s28 =	simm.s32 $0x4;
	s29 =	simm.s32 $0x4200;
	s30 =	simm.s32 $0x1  }
0x5: {  	s31 =	simm.s32 $0x2;
	s2 =	sand.u32 $0x1, s2;
	[smem:$0x7FF] =	sst s3  }
0x6: {  	s8 =	smul.u32 $0x14000, s12;
	s4 =	sadd.s32 $0x18E00, s0;
	s5 =	sadd.s32 $0xC000, s0  }
0x7: {  	s6 =	sadd.s32 $0x2200, s0;
	s9 =	sadd.s32 $0x16600, s0;
	s17 =	smul.u32 $0x50000, s12  }
0x8: {  	s19 =	sshll.u32 s12, $0x6;
	s7 =	smul.u32 $0x140000, s2;
	_ =	strace $0x80000050  }
0x9: {  	[dreg:$0x3] =	wrdreg s9;
	s16 =	sshll.u32 s2, $0x4;
	s18 =	ssub.s32 $0x2, s2  }
0xa: {  	s2 =	smul.u32 $0x27100, s2;
	s10 =	sshrl.u32 s18, $0x1;
	s9 =	sshrl.u32 s17, $0x2  }
0xb: {  	s7 =	sadd.s32 s8, s7;
	s8 =	sor.u32 s12, s16;
	s12 =	smul.u32 $0x2710, s12  }
0xc: {  	s9 =	sadd.s32 s9, s1;
	s7 =	sshrl.u32 s7, $0x3;
	s8 =	smul.u32 $0x2710, s8  }
0xd: {  	s0 =	sadd.s32 s7, s0;
	s7 =	ssub.s32 s18, s10;
	s2 =	sadd.s32 s12, s2  }
0xe: {  	s11 =	sshrl.u32 s8, $0x3;
	s8 =	sor.u32 $0x1C05, s19;
	s24 =	sadd.s32 $0x180, s2  }
0xf: {  	s0 =	sadd.s32 $0x90000, s0;
	s16 =	smax.u32 s7, $0x1;
	s19 =	sadd.s32 $0x100, s2  }
0x10: {  	s2 =	simm.s32 $0x8280;
	s7 =	simm.s32 $0x10;
	s20 =	sadd.s32 s5, s11  }
0x11: {  	s21 =	sadd.s32 $0x10, s11;
	s13 =	sadd.s32 s6, s11;
	[dreg:$0xa] =	wrdreg s0  }
0x12: {  	s23 =	sadd.s32 $0x4E0, s11;
	s26 =	sshrl.u32 s24, $0x3;
	[dreg:$0x4] =	wrdreg s20  }
0x13: {  	s24 =	simm.s32 $0x100;
	s0 =	simm.s32 $0x8200;
	[dreg:$0x5] =	wrdreg s13  }
0x14: {  	s22 =	sadd.s32 s5, s21;
	s10 =	sadd.s32 s6, s21;
	s25 =	sadd.s32 s5, s23  }
0x15: {  	s17 =	sadd.s32 s26, s6;
	s18 =	sadd.s32 s26, s5;
	[dreg:$0x6] =	wrdreg s22  }
0x16: {  	s20 =	sshrl.u32 s9, $0x3;
	s21 =	simm.s32 $0x5;
	[dreg:$0x7] =	wrdreg s10  }
0x17: {  	s26 =	simm.s32 $0x4180;
	s9 =	simm.s32 $0x8300;
	[dreg:$0x8] =	wrdreg s25  }
0x18: {  	s10 =	sadd.s32 s6, s23;
	s22 =	simm.s32 $0x80;
	s23 =	simm.s32 $0x3  }
0x19: {  	s25 =	simm.s32 $0x4100;
	[dreg:$0x9] =	wrdreg s10;
	s10 =	simm.s32 $0x0  }
.LBB2_1:
0x1a: {  	s11 =	rddreg [dreg:$0x3]  }
0x1b: {  	[spmem:s20], [sflag:s8] =	dma.local [hbm:s11], $0x2800  }
0x1c: {  	_ =	swait.ge [sflag:s21], $0x2800  }
0x1d: {  	[sflag:s21] =	ssyncset.done $0x0  }
0x1e: {  	[sflag:s21] =	ssyncadd.s32 $0xFFFFD800  }
0x1f: {  	[bflag:$0x0] =	sbarrier.arrive $0xFFFF  }
0x20: {  	s14 =	rddreg [dreg:$0x4]  }
0x21: {  	[tilespmem:s3], [sflag:$0x3] =	stream.linear.gather [hbm4b:s14+s3], $0x80, $0x38;
	[tilespmem:$0x1CB00] =	vst v63  }
0x22: {  	s15 =	rddreg [dreg:$0x5]  }
0x23: {  	[tilespmem:s22], [sflag:$0x3] =	stream.linear.gather [hbm4b:s15+s3], $0x80, $0x38;
	[tilespmem:$0x1CB00] =	vst v63  }
0x24: {  	_ =	swait.ge [sflag:s23], $0x80  }
0x25: {  	[sflag:s23] =	ssyncset.done $0x0  }
0x26: {  	[sflag:s23] =	ssyncadd.s32 $0xFFFFFF80  }
0x27: {  	_ =	swait.ge [sflag:s23], $0x80  }
0x28: {  	[sflag:s23] =	ssyncset.done $0x0  }
0x29: {  	[sflag:s23] =	ssyncadd.s32 $0xFFFFFF80  }
0x2a: {  	[tilespmem:s24], [sflag:$0x1] =	stream.indirect.gather [hbm4b:s4+s22], $0x80, s3, s22, $0xb8;
	[tilespmem:$0x1CB00] =	vst v63  }
0x2b: {  	s12 =	rddreg [dreg:$0x6]  }
0x2c: {  	[tilespmem:s25], [sflag:$0x4] =	stream.linear.gather [hbm4b:s12+s3], $0x80, $0x38;
	[tilespmem:$0x1CB00] =	vst v63  }
0x2d: {  	s13 =	rddreg [dreg:$0x7]  }
0x2e: {  	[tilespmem:s26], [sflag:$0x4] =	stream.linear.gather [hbm4b:s13+s3], $0x80, $0x38;
	[tilespmem:$0x1CB00] =	vst v63  }
0x2f: {  	_ =	swait.ge [sflag:s28], $0x80  }
0x30: {  	[sflag:s28] =	ssyncset.done $0x0  }
0x31: {  	[sflag:s28] =	ssyncadd.s32 $0xFFFFFF80  }
0x32: {  	_ =	swait.ge [sflag:s28], $0x80  }
0x33: {  	[sflag:s28] =	ssyncset.done $0x0  }
0x34: {  	[sflag:s28] =	ssyncadd.s32 $0xFFFFFF80  }
0x35: {  	[tilespmem:s29], [sflag:$0x2] =	stream.indirect.gather [hbm4b:s4+s22], $0x80, s25, s22, $0xb8;
	[tilespmem:$0x1CB00] =	vst v63  }
0x36: {  	_ =	swait.ge [sflag:s30], $0x4000  }
0x37: {  	[sflag:s30] =	ssyncset.done $0x0  }
0x38: {  	[sflag:s30] =	ssyncadd.s32 $0xFFFFC000  }
0x39: {  	[spmem:s1] =	stream.indirect.scatter.add.f32 [tilespmem:s24], [sflag:$0x5], $0x80, s22, s22, $0xb8;
	[tilespmem:$0x1CB00] =	vst v63  }
0x3a: {  	_ =	swait.ge [sflag:s21], $0x4000  }
0x3b: {  	s14 =	sshrl.u32 s19, $0x3;
	[sflag:s21] =	ssyncset.done $0x0  }
0x3c: {  	s12 =	sadd.s32 s5, s14;
	[sflag:s21] =	ssyncadd.s32 $0xFFFFC000  }
0x3d: {  	[tilespmem:s3], [sflag:$0x3] =	stream.linear.gather [hbm4b:s12+s3], $0x80, $0x38;
	[tilespmem:$0x1CB00] =	vst v63  }
0x3e: {  	s11 =	sadd.s32 s6, s14  }
0x3f: {  	[tilespmem:s22], [sflag:$0x3] =	stream.linear.gather [hbm4b:s11+s3], $0x80, $0x38;
	[tilespmem:$0x1CB00] =	vst v63  }
0x40: {  	_ =	swait.ge [sflag:s23], $0x80  }
0x41: {  	[sflag:s23] =	ssyncset.done $0x0  }
0x42: {  	[sflag:s23] =	ssyncadd.s32 $0xFFFFFF80  }
0x43: {  	_ =	swait.ge [sflag:s23], $0x80  }
0x44: {  	[sflag:s23] =	ssyncset.done $0x0  }
0x45: {  	[sflag:s23] =	ssyncadd.s32 $0xFFFFFF80  }
0x46: {  	[tilespmem:s24], [sflag:$0x1] =	stream.indirect.gather [hbm4b:s4+s22], $0x80, s3, s22, $0xb8;
	[tilespmem:$0x1CB00] =	vst v63  }
0x47: {  	_ =	swait.ge [sflag:s31], $0x4000  }
0x48: {  	[sflag:s31] =	ssyncset.done $0x0  }
0x49: {  	[sflag:s31] =	ssyncadd.s32 $0xFFFFC000  }
0x4a: {  	[spmem:s1] =	stream.indirect.scatter.add.f32 [tilespmem:s29], [sflag:$0x5], $0x80, s26, s22, $0xb8;
	[tilespmem:$0x1CB00] =	vst v63  }
0x4b: {  	_ =	swait.ge [sflag:s21], $0x4000  }
0x4c: {  	s15 =	sadd.s32 $0x0, s18;
	s13 =	sadd.s32 $0x0, s17;
	[sflag:s21] =	ssyncset.done $0x0  }
0x4d: {  	s12 =	sadd.s32 $0x100, s19;
	s11 =	simm.s32 $0x20;
	[sflag:s21] =	ssyncadd.s32 $0xFFFFC000  }
0x4e: {  	[tilespmem:s25], [sflag:$0x4] =	stream.linear.gather [hbm4b:s15+s3], $0x80, $0x38;
	[tilespmem:$0x1CB00] =	vst v63  }
.LBB2_2:
0x4f: {  	[tilespmem:s26], [sflag:$0x4] =	stream.linear.gather [hbm4b:s13+s3], $0x80, $0x38;
	[tilespmem:$0x1CB00] =	vst v63  }
0x50: {  	s13 =	smov.u32 s11  }
0x51: {  	p0 =	sne.s32 s11, $0x4A0;
	s11 =	sadd.s32 $0x20, s11;
	_ =	swait.ge [sflag:s28], $0x80  }
0x52: {  	[sflag:s28] =	ssyncset.done $0x0  }
0x53: {  	[sflag:s28] =	ssyncadd.s32 $0xFFFFFF80  }
0x54: {  	_ =	swait.ge [sflag:s28], $0x80  }
0x55: {  	[sflag:s28] =	ssyncset.done $0x0  }
0x56: {  	[sflag:s28] =	ssyncadd.s32 $0xFFFFFF80  }
0x57: {  	[tilespmem:s29], [sflag:$0x2] =	stream.indirect.gather [hbm4b:s4+s22], $0x80, s25, s22, $0xb8;
	[tilespmem:$0x1CB00] =	vst v63  }
0x58: {  	_ =	swait.ge [sflag:s30], $0x4000  }
0x59: {  	[sflag:s30] =	ssyncset.done $0x0  }
0x5a: {  	[sflag:s30] =	ssyncadd.s32 $0xFFFFC000  }
0x5b: {  	[spmem:s1] =	stream.indirect.scatter.add.f32 [tilespmem:s24], [sflag:$0x5], $0x80, s22, s22, $0xb8;
	[tilespmem:$0x1CB00] =	vst v63  }
0x5c: {  	_ =	swait.ge [sflag:s21], $0x4000  }
0x5d: {  	s14 =	sshrl.u32 s12, $0x3;
	[sflag:s21] =	ssyncset.done $0x0  }
0x5e: {  	s15 =	sadd.s32 s5, s14;
	[sflag:s21] =	ssyncadd.s32 $0xFFFFC000  }
0x5f: {  	[tilespmem:s3], [sflag:$0x3] =	stream.linear.gather [hbm4b:s15+s3], $0x80, $0x38;
	[tilespmem:$0x1CB00] =	vst v63  }
0x60: {  	s14 =	sadd.s32 s6, s14  }
0x61: {  	[tilespmem:s22], [sflag:$0x3] =	stream.linear.gather [hbm4b:s14+s3], $0x80, $0x38;
	[tilespmem:$0x1CB00] =	vst v63  }
0x62: {  	_ =	swait.ge [sflag:s23], $0x80  }
0x63: {  	[sflag:s23] =	ssyncset.done $0x0  }
0x64: {  	[sflag:s23] =	ssyncadd.s32 $0xFFFFFF80  }
0x65: {  	_ =	swait.ge [sflag:s23], $0x80  }
0x66: {  	[sflag:s23] =	ssyncset.done $0x0  }
0x67: {  	[sflag:s23] =	ssyncadd.s32 $0xFFFFFF80  }
0x68: {  	[tilespmem:s24], [sflag:$0x1] =	stream.indirect.gather [hbm4b:s4+s22], $0x80, s3, s22, $0xb8;
	[tilespmem:$0x1CB00] =	vst v63  }
0x69: {  	_ =	swait.ge [sflag:s31], $0x4000  }
0x6a: {  	[sflag:s31] =	ssyncset.done $0x0  }
0x6b: {  	[sflag:s31] =	ssyncadd.s32 $0xFFFFC000  }
0x6c: {  	[spmem:s1] =	stream.indirect.scatter.add.f32 [tilespmem:s29], [sflag:$0x5], $0x80, s26, s22, $0xb8;
	[tilespmem:$0x1CB00] =	vst v63  }
.Ltmp0:
0x6d: {  	_ =	swait.ge [sflag:s21], $0x4000;
	(pc) =	sbr.rel @p0 .LBB2_2-.Ltmp0, $4  }
0x6e: {  	[sflag:s21] =	ssyncset.done $0x0  }
0x6f: {  	s14 =	sadd.s32 s13, s18;
	[sflag:s21] =	ssyncadd.s32 $0xFFFFC000  }
0x70: {  	[tilespmem:s25], [sflag:$0x4] =	stream.linear.gather [hbm4b:s14+s3], $0x80, $0x38;
	[tilespmem:$0x1CB00] =	vst v63  }
0x71: {  	s12 =	sadd.s32 $0x100, s12;
	s13 =	sadd.s32 s13, s17  }
0x72: {  	[tilespmem:s26], [sflag:$0x4] =	stream.linear.gather [hbm4b:s13+s3], $0x80, $0x38;
	[tilespmem:$0x1CB00] =	vst v63  }
0x73: {  	_ =	swait.ge [sflag:s28], $0x80  }
0x74: {  	[sflag:s28] =	ssyncset.done $0x0  }
0x75: {  	[sflag:s28] =	ssyncadd.s32 $0xFFFFFF80  }
0x76: {  	_ =	swait.ge [sflag:s28], $0x80  }
0x77: {  	[sflag:s28] =	ssyncset.done $0x0  }
0x78: {  	[sflag:s28] =	ssyncadd.s32 $0xFFFFFF80  }
0x79: {  	[tilespmem:s29], [sflag:$0x2] =	stream.indirect.gather [hbm4b:s4+s22], $0x80, s25, s22, $0xb8;
	[tilespmem:$0x1CB00] =	vst v63  }
0x7a: {  	_ =	swait.ge [sflag:s30], $0x4000  }
0x7b: {  	[sflag:s30] =	ssyncset.done $0x0  }
0x7c: {  	[sflag:s30] =	ssyncadd.s32 $0xFFFFC000  }
0x7d: {  	[spmem:s1] =	stream.indirect.scatter.add.f32 [tilespmem:s24], [sflag:$0x5], $0x80, s22, s22, $0xb8;
	[tilespmem:$0x1CB00] =	vst v63  }
0x7e: {  	_ =	swait.ge [sflag:s21], $0x4000  }
0x7f: {  	[sflag:s21] =	ssyncset.done $0x0  }
0x80: {  	[sflag:s21] =	ssyncadd.s32 $0xFFFFC000  }
0x81: {  	_ =	swait.ge [sflag:s31], $0x4000  }
0x82: {  	[sflag:s31] =	ssyncset.done $0x0  }
0x83: {  	[sflag:s31] =	ssyncadd.s32 $0xFFFFC000  }
0x84: {  	[spmem:s1] =	stream.indirect.scatter.add.f32 [tilespmem:s29], [sflag:$0x5], $0x80, s26, s22, $0xb8;
	[tilespmem:$0x1CB00] =	vst v63  }
0x85: {  	_ =	swait.ge [sflag:s21], $0x4000  }
0x86: {  	[sflag:s21] =	ssyncset.done $0x0  }
0x87: {  	s11 =	rddreg [dreg:$0x8];
	[sflag:s21] =	ssyncadd.s32 $0xFFFFC000  }
0x88: {  	[tilespmem:s0], [sflag:$0x5] =	stream.linear.gather [hbm4b:s11+s3], $0x10, $0x38;
	[tilespmem:$0x1CB00] =	vst v63  }
0x89: {  	_ =	swait.ge [sflag:s21], $0x10  }
0x8a: {  	[sflag:s21] =	ssyncset.done $0x0  }
0x8b: {  	s14 =	rddreg [dreg:$0x9];
	[sflag:s21] =	ssyncadd.s32 $0xFFFFFFF0  }
0x8c: {  	[tilespmem:s2], [sflag:$0x5] =	stream.linear.gather [hbm4b:s14+s3], $0x10, $0x38;
	[tilespmem:$0x1CB00] =	vst v63  }
0x8d: {  	_ =	swait.ge [sflag:s21], $0x10  }
0x8e: {  	[sflag:s21] =	ssyncset.done $0x0  }
0x8f: {  	[sflag:s21] =	ssyncadd.s32 $0xFFFFFFF0  }
0x90: {  	[tilespmem:s9], [sflag:$0x1] =	stream.indirect.gather [hbm4b:s4+s7], $0x80, s0, s7, $0xb8;
	[tilespmem:$0x1CB00] =	vst v63  }
0x91: {  	_ =	swait.ge [sflag:s30], $0x800  }
0x92: {  	[sflag:s30] =	ssyncset.done $0x0  }
0x93: {  	[sflag:s30] =	ssyncadd.s32 $0xFFFFF800  }
0x94: {  	[spmem:s1] =	stream.indirect.scatter.add.f32 [tilespmem:s9], [sflag:$0x5], $0x80, s2, s7, $0xb8;
	[tilespmem:$0x1CB00] =	vst v63  }
0x95: {  	_ =	swait.ge [sflag:s21], $0x800  }
0x96: {  	[sflag:s21] =	ssyncset.done $0x0  }
0x97: {  	s10 =	sadd.s32 $0x1, s10;
	[sflag:s21] =	ssyncadd.s32 $0xFFFFF800  }
0x98: {  	p0 =	sne.s32 s10, s16;
	[bflag:$0x0] =	sbarrier.arrive $0xFFFF  }
.Ltmp1:
0x99: {  	s15 =	rddreg [dreg:$0xa];
	(pc) =	sbr.rel @p0 .LBB2_1-.Ltmp1, $4  }
0x9a: {  	[hbm:s15], [sflag:s8] =	dma.local [spmem:s20], $0x2800  }
0x9b: {  	_ =	swait.ge [sflag:s21], $0x2800  }
0x9c: {  	[sflag:s21] =	ssyncset.done $0x0  }
0x9d: {  	[sflag:s21] =	ssyncadd.s32 $0xFFFFD800  }
0x9e: {  	_ =	sfence.sel $0x180000  }
0x9f: {  	[bflag:$0x0] =	sbarrier.arrive $0xFFFF  }
0xa0: {  	_ =	strace $0x90000050  }
0xa1: {  	s0 =	stileid.u32;
	[bflag:$0x2] =	sbarrier.arrive $0xFFFF  }
0xa2: {  	p0 =	sne.s32 s0, $0x0;
	s0 =	rddreg [dreg:$0x2]  }
0xa3: {  	s0 =	sadd.s32 @!p0 $0x100000, s0  }
0xa4: {  	[sflag:s0] =	ssyncadd.tile.s32 @!p0 $0x1;
	_ =	shalt  }
.Lfunc_end2:
_tile_overlayer_lowered:
.L_overlay_start_2:
0xa5: {  	(tag) =	ssettag $0x2  }
0xa6: {  	s0 =	rddreg [dreg:$0x0];
	s2 =	stileid.u32  }
0xa7: {  	s1 =	rddreg [dreg:$0x1];
	p0 =	sne.s32 s2, $0x0  }
0xa8: {  	s3 =	rddreg [dreg:$0x2];
	[bflag:$0x3] =	sbarrier.arrive $0xFFFF;
	s2 =	simm.s32 @!p0 $0x1C05  }
0xa9: {  	[timem:s3], [sflag:s2] =	dma.local @!p0 [hbm:s0], s1  }
0xaa: {  	s0 =	simm.s32 @!p0 $0x5  }
0xab: {  	_ =	swait.ge @!p0 [sflag:s0], s1  }
0xac: {  	s1 =	ssub.s32 @!p0 $0x0, s1;
	[sflag:s0] =	ssyncset.done @!p0 $0x0  }
0xad: {  	[sflag:s0] =	ssyncadd.s32 @!p0 s1  }
0xae: {  	[bflag:$0x3] =	sbarrier.arrive $0xFFFF  }
0xaf: {  	_ =	shalt  }

// kernel: kernel.8.cloned.1.call-start
scs
__scs_entry_jumppad:
0x0: {  	(pc) =	sbr.rel $0x88, $3  }
0x1: {  	(tag) =	ssettag $0x0;
	lr =	simm.s32 $0x1  }
0x2: {  	[smem:$0x3F94] =	sst lr;
	_ =	strace $0xD0000000  }
0x3: {  	_ = 	snop  }
0x4: {  	_ = 	snop  }
0x5: {  	_ = 	snop  }
0x6: {  	_ = 	snop  }
0x7: {  	_ = 	snop  }
__scs_overlays_trampoline_lowered:
0x8: {  	[smem:$0x3FA3] =	sst s0  }
0x9: {  	[smem:$0x3FA4] =	sst s1  }
0xa: {  	[smem:$0x3FA5] =	sst s2  }
0xb: {  	[smem:$0x3FA6] =	sst s3  }
0xc: {  	[smem:$0x3FA7] =	sst s4  }
0xd: {  	[smem:$0x3FA8] =	sst s5  }
0xe: {  	[smem:$0x3FA9] =	sst s6  }
0xf: {  	[smem:$0x3FAA] =	sst s7  }
0x10: {  	[smem:$0x3FAB] =	sst s8  }
0x11: {  	[smem:$0x3FAC] =	sst s9;
	s0 =	simm.s32 @!p0 $0x0  }
0x12: {  	s1 =	sld [smem:$0x3F92];
	s0 =	simm.s32 @p0 $0x1  }
0x13: {  	[smem:$0x3FAD] =	sst s0;
	s0 =	simm.s32 @!p1 $0x0  }
0x14: {  	s2 =	sld [smem:$0x3F91];
	s0 =	simm.s32 @p1 $0x1  }
0x15: {  	[smem:$0x3FAE] =	sst s0;
	s0 =	simm.s32 @!p2 $0x0  }
0x16: {  	s3 =	sld [smem:$0x3FDB];
	s0 =	simm.s32 @p2 $0x1  }
0x17: {  	s4 =	simm.s32 $0x1BF5;
	[smem:$0x3FB0] =	sst s0  }
0x18: {  	s0 =	sld [smem:$0x3F93];
	_ =	swait.ge [sflag:s4], $0x0  }
0x19: {  	s7 =	sld [smem:$0x3F94]  }
0x1a: {  	s8 =	sadd.s32 $0xFFFFE003, lr  }
0x1b: {  	s9 =	sadd.s32 $0xFFFFFEF7, lr;
	s5 =	simm.s32 $0xFFFFFFFF;
	p2 =	slt.u32 s8, $0xFFFFF086  }
0x1c: {  	p1 =	slt.u32 s9, $0xF7A;
	s5 =	simm.s32 @!p2 $0x0  }
0x1d: {  	s5 =	simm.s32 @p1 $0x1;
	p0 =	seq.s32 s7, s2  }
0x1e: {  	s7 =	smul.u32 @!p0 $0xF7A, s2;
	p2 =	seq.s32 @!p0 s5, $0x0  }
0x1f: {  	s9 =	smul.u32 $0xF7A, s1;
	s8 =	simm.s32 @!p0 $0x1BF5;
	p2 =	por !p2, p0  }
0x20: {  	[sflag:s8] =	ssyncset.s32 @!p0 $0xFFFFF086;
	s6 =	sadd.s32 @!p0 s3, s7;
	s7 =	simm.s32 @!p0 $0x108  }
0x21: {  	s3 =	sadd.s32 s3, s9;
	s6 =	sadd.s32 @!p0 $0x88, s6;
	s7 =	simm.s32 @p2 $0x1082  }
0x22: {  	[simem:s7], [sflag:s8] =	dma.local @!p0 [hbm:s6], $0xF7A  }
0x23: {  	s9 =	sor.u32 $0xD0000000, s2;
	s6 =	simm.s32 $0x108;
	_ =	swait.ge @!p0 [sflag:s8], $0x0  }
0x24: {  	s3 =	sadd.s32 $0x88, s3;
	s6 =	simm.s32 @!p1 $0x1082;
	[sflag:s4] =	ssyncset.s32 $0xFFFFF086  }
0x25: {  	[simem:s6], [sflag:s4] =	dma.local [hbm:s3], $0xF7A  }
0x26: {  	[smem:$0x3F94] =	sst s1;
	(tag) =	ssettag s2;
	_ =	strace s9  }
0x27: {  	s1 =	sld [smem:$0x3FA4]  }
0x28: {  	s2 =	sld [smem:$0x3FA5]  }
0x29: {  	s4 =	sld [smem:$0x3FA7]  }
0x2a: {  	p0 =	seq.s32 s5, $0x0;
	s5 =	sld [smem:$0x3FA8]  }
0x2b: {  	s6 =	sld [smem:$0x3FA9]  }
0x2c: {  	s7 =	sld [smem:$0x3FAA]  }
0x2d: {  	s3 =	simm.s32 $0x108;
	s8 =	sld [smem:$0x3FAB]  }
0x2e: {  	s3 =	simm.s32 @!p0 $0x1082;
	s9 =	sld [smem:$0x3FAC]  }
0x2f: {  	lr =	sadd.s32 s0, s3;
	s0 =	sld [smem:$0x3FA3]  }
0x30: {  	s3 =	sld [smem:$0x3FA6]  }
0x31: {  	[smem:$0x3FAF] =	sst s10  }
0x32: {  	s10 =	sld [smem:$0x3FAD];
	_ =	sdelay $0x3  }
0x33: {  	p0 =	seq.s32 s10, $0x1;
	s10 =	sld [smem:$0x3FAF];
	_ =	sdelay $0x3  }
0x34: {  	[smem:$0x3FAF] =	sst s10  }
0x35: {  	s10 =	sld [smem:$0x3FAE];
	_ =	sdelay $0x3  }
0x36: {  	p1 =	seq.s32 s10, $0x1;
	s10 =	sld [smem:$0x3FAF];
	_ =	sdelay $0x3  }
0x37: {  	[smem:$0x3FAF] =	sst s10  }
0x38: {  	s10 =	sld [smem:$0x3FB0]  }
0x39: {  	_ = 	snop;
	(pc) =	sbr.ind lr, $3  }
0x3a: {  	_ = 	snop  }
0x3b: {  	_ = 	snop  }
0x3c: {  	p2 =	seq.s32 s10, $0x1;
	s10 =	sld [smem:$0x3FAF]  }
0x3d: {  	_ =	shalt  }
0x3e: {  	_ =	shalt  }
0x3f: {  	_ =	shalt  }
0x40: {  	_ =	shalt  }
0x41: {  	_ =	shalt  }
0x42: {  	_ =	shalt  }
0x43: {  	_ =	shalt  }
0x44: {  	_ =	shalt  }
0x45: {  	_ =	shalt  }
0x46: {  	_ =	shalt  }
0x47: {  	_ =	shalt  }
0x48: {  	_ =	shalt  }
0x49: {  	_ =	shalt  }
0x4a: {  	_ =	shalt  }
0x4b: {  	_ =	shalt  }
0x4c: {  	_ =	shalt  }
0x4d: {  	_ =	shalt  }
0x4e: {  	_ =	shalt  }
0x4f: {  	_ =	shalt  }
0x50: {  	_ =	shalt  }
0x51: {  	_ =	shalt  }
0x52: {  	_ =	shalt  }
0x53: {  	_ =	shalt  }
0x54: {  	_ =	shalt  }
0x55: {  	_ =	shalt  }
0x56: {  	_ =	shalt  }
0x57: {  	_ =	shalt  }
0x58: {  	_ =	shalt  }
0x59: {  	_ =	shalt  }
0x5a: {  	_ =	shalt  }
0x5b: {  	_ =	shalt  }
0x5c: {  	_ =	shalt  }
0x5d: {  	_ =	shalt  }
0x5e: {  	_ =	shalt  }
0x5f: {  	_ =	shalt  }
0x60: {  	_ =	shalt  }
0x61: {  	_ =	shalt  }
0x62: {  	_ =	shalt  }
0x63: {  	_ =	shalt  }
0x64: {  	_ =	shalt  }
0x65: {  	_ =	shalt  }
0x66: {  	_ =	shalt  }
0x67: {  	_ =	shalt  }
0x68: {  	_ =	shalt  }
0x69: {  	_ =	shalt  }
0x6a: {  	_ =	shalt  }
0x6b: {  	_ =	shalt  }
0x6c: {  	_ =	shalt  }
0x6d: {  	_ =	shalt  }
0x6e: {  	_ =	shalt  }
0x6f: {  	_ =	shalt  }
0x70: {  	_ =	shalt  }
0x71: {  	_ =	shalt  }
0x72: {  	_ =	shalt  }
0x73: {  	_ =	shalt  }
0x74: {  	_ =	shalt  }
0x75: {  	_ =	shalt  }
0x76: {  	_ =	shalt  }
0x77: {  	_ =	shalt  }
0x78: {  	_ =	shalt  }
0x79: {  	_ =	shalt  }
0x7a: {  	_ =	shalt  }
0x7b: {  	_ =	shalt  }
0x7c: {  	_ =	shalt  }
0x7d: {  	_ =	shalt  }
0x7e: {  	_ =	shalt  }
0x7f: {  	_ =	shalt  }
0x80: {  	_ =	shalt  }
0x81: {  	_ =	shalt  }
0x82: {  	_ =	shalt  }
0x83: {  	_ =	shalt  }
0x84: {  	_ =	shalt  }
0x85: {  	_ =	shalt  }
0x86: {  	_ =	shalt  }
0x87: {  	_ =	shalt  }
.Lfunc_end0:
.L_simem_size_0:
called_computation_lowered:
.L_overlay_start_0:
0x88: {  	s2 =	sld [smem:$0x3FD9]  }
0x89: {  	s3 =	sld [smem:$0x3FFE];
	_ =	sdelay $0x1  }
0x8a: {  	s1 =	srdreg.scid  }
0x8b: {  	s0 =	sand.u32 $0x1, s1  }
0x8c: {  	s16 =	sshll.u32 s0, $0xA;
	s2 =	sadd.s32 s3, s2  }
0x8d: {  	s2 =	sadd.s32 s2, s16  }
0x8e: {  	[smem:$0x3FBB] =	sst s2  }
0x8f: {  	_ = 	snop  }
0x90: {  	(tm) =	ssettm $0x1  }
0x91: {  	s17 =	sld [smem:$0x3FFB];
	_ =	sdelay $0x3  }
0x92: {  	_ =	strace s17  }
0x93: {  	s2 =	sld [smem:$0x3FFC];
	_ =	sdelay $0x3  }
0x94: {  	_ =	strace s2  }
0x95: {  	s2 =	sld [smem:$0x3FFD];
	_ =	sdelay $0x3  }
0x96: {  	_ =	strace s2  }
0x97: {  	_ =	strace $0x8FFFFFFF  }
0x98: {  	s18 =	sld [smem:$0x3FDB];
	_ =	sdelay $0x1  }
0x99: {  	s19 =	simm.s32 $_scs_section_size  }
0x9a: {  	s4 =	simm.s32 $_size__tile_overlayer_lowered;
	s5 =	simm.s32 $_tile_overlayer_lowered  }
0x9b: {  	s22 =	simm.s32 $0x1BFF;
	s21 =	sshll.u32 s5, $0x1;
	s2 =	sadd.s32 s19, s18  }
0x9c: {  	s6 =	simm.s32 $0x0;
	s20 =	sshll.u32 s4, $0x1;
	s4 =	sadd.s32 s21, s2  }
0x9d: {  	[timem:s6], [sflag:s22] =	dma.local [hbm:s4], s20  }
0x9e: {  	_ =	swait.ge [sflag:s22], s20  }
0x9f: {  	s3 =	ssub.s32 $0x0, s20;
	[sflag:s22] =	ssyncset.done $0x0  }
0xa0: {  	[sflag:s22] =	ssyncadd.s32 s3;
	_ =	sdelay $0x1  }
0xa1: {  	s23 =	simm.s32 $0x1B8B  }
0xa2: {  	_ =	swait.ge [sflag:s23], $0x1  }
0xa3: {  	[sflag:s23] =	ssyncset.done $0x0  }
0xa4: {  	s25 =	simm.s32 $0x1B8E;
	s24 =	sld [smem:$0x3FFE];
	[sflag:s23] =	ssyncadd.s32 $0xFFFFFFFF  }
0xa5: {  	s26 =	simm.s32 $execute0_lowered;
	[smem:$0x3FD2] =	sst s25  }
0xa6: {  	s4 =	sshll.u32 s26, $0x1;
	_ =	strace $0x80000046;
	[dreg:$0x1] =	wrdreg $0xFFFFFFFF  }
0xa7: {  	s28 =	simm.s32 $_size_execute0_lowered;
	s2 =	sadd.s32 s2, s4;
	[dreg:$0x0] =	wrdreg $0x0  }
0xa8: {  	s4 =	sshll.u32 s28, $0x1;
	[dreg:$0x2] =	wrdreg s2  }
0xa9: {  	[dreg:$0x3] =	wrdreg s4  }
0xaa: {  	[dreg:$0x4] =	wrdreg $0xC0  }
0xab: {  	_ =	task [dreg:s6], $0x5FFFF  }
0xac: {  	[dreg:$0x1] =	wrdreg $0xFFFFFFFF  }
0xad: {  	[dreg:$0x0] =	wrdreg $0x60  }
0xae: {  	[dreg:$0x2] =	wrdreg s24  }
0xaf: {  	[dreg:$0x3] =	wrdreg $0x81800  }
0xb0: {  	[dreg:$0x4] =	wrdreg $0x9  }
0xb1: {  	_ =	task.clear_ibuf [dreg:s6], $0x5FFFF;
	_ =	strace $0x90000046  }
0xb2: {  	s29 =	simm.s32 $0x9;
	_ =	strace $0x80000048  }
0xb3: {  	_ =	swait.ge [sflag:s29], $0x1  }
0xb4: {  	[sflag:s29] =	ssyncadd.s32 $0xFFFFFFFF  }
0xb5: {  	_ =	strace $0x90000048  }
0xb6: {  	_ =	sfence  }
0xb7: {  	s30 =	sld [smem:$0x0];
	_ =	sdelay $0x2  }
0xb8: {  	s31 =	sshll.u32 s1, $0xD;
	s1 =	sshrl.u32 s1, $0x2  }
0xb9: {  	s3 =	sand.u32 $0x4000, s31;
	s1 =	sadd.s32 s1, s30  }
0xba: {  	s0 =	sor.u32 s3, s0;
	s1 =	sshll.u32 s1, $0x11  }
0xbb: {  	s0 =	sor.u32 s1, s0  }
0xbc: {  	s0 =	sadd.s32 $0x8F2B, s0  }
0xbd: {  	[sflag:s0] =	ssyncadd.remote.s32 $0x1  }
0xbe: {  	_ =	sfence.sel $0xFFFF  }
0xbf: {  	[dreg:$0x0] =	wrdreg $0xFFFFFFFF;
	(pc) =	sbr.abs _section_cstart, $3  }
0xc0: {  	[dreg:$0x1] =	wrdreg $0xFFFFFFFF  }
0xc1: {  	_ =	task.clear_ibuf [dreg:s6], $0x2FFFF;
	_ =	strace $0x9FFFFFFF  }
0xc2: {  	(tm) =	ssettm $0x7FFFFFFF  }
0xc3: {  	_ =	shalt  }
tec
execute0_lowered:
.L_overlay_start_1:
0x0: {  	(tag) =	ssettag $0x1  }
0x1: {  	s6 =	rddreg [dreg:$0x0]  }
0x2: {  	s1 =	rddreg [dreg:$0x1]  }
0x3: {  	s2 =	srdreg.scid;
	s0 =	rddreg [dreg:$0x2];
	s3 =	simm.s32 $0x0  }
0x4: {  	s18 =	simm.s32 $0x80;
	s19 =	simm.s32 $0x4100;
	s20 =	simm.s32 $0x4080  }
0x5: {  	s21 =	simm.s32 $0x4;
	s22 =	simm.s32 $0x1;
	s23 =	simm.s32 $0x2  }
0x6: {  	s24 =	simm.s32 $0x8100;
	s7 =	sand.u32 $0x1, s2;
	s2 =	stileid.u32  }
0x7: {  	s25 =	simm.s32 $0x10;
	[smem:$0x7FF] =	sst s3;
	s5 =	smul.u32 $0x140000, s7  }
0x8: {  	s15 =	sadd.s32 $0x2200, s6;
	s4 =	sadd.s32 $0x15E00, s6;
	s8 =	smul.u32 $0x14000, s2  }
0x9: {  	_ =	strace $0x80000047;
	s9 =	sshll.u32 s7, $0x4;
	s11 =	smul.u32 $0x50000, s2  }
0xa: {  	s10 =	ssub.s32 $0x2, s7;
	s30 =	smul.u32 $0x27100, s7;
	s31 =	sshll.u32 s2, $0x6  }
0xb: {  	s13 =	smul.u32 $0x2710, s2;
	s9 =	sor.u32 s2, s9;
	s26 =	sshrl.u32 s10, $0x1  }
0xc: {  	s8 =	sadd.s32 s8, s5;
	s5 =	sadd.s32 $0x16600, s6;
	s28 =	smul.u32 $0x2710, s9  }
0xd: {  	s10 =	ssub.s32 s10, s26;
	s29 =	sshrl.u32 s11, $0x2;
	s13 =	sadd.s32 s13, s30  }
0xe: {  	s26 =	simm.s32 $0x0;
	s8 =	sshrl.u32 s8, $0x3;
	s16 =	sadd.s32 s29, s1  }
0xf: {  	s10 =	smax.u32 s10, $0x1;
	s14 =	sadd.s32 $0x200, s13;
	s17 =	sadd.s32 $0x180, s13  }
0x10: {  	s12 =	sadd.s32 s8, s6;
	s8 =	sshrl.u32 s28, $0x3;
	s6 =	sor.u32 $0x1C03, s31  }
0x11: {  	s14 =	sshrl.u32 s14, $0x3;
	s17 =	sshrl.u32 s17, $0x3;
	s16 =	sshrl.u32 s16, $0x3  }
0x12: {  	s7 =	sadd.s32 s15, s8;
	s9 =	sadd.s32 $0x18E00, s12;
	s14 =	sadd.s32 s14, s15  }
0x13: {  	s15 =	sadd.s32 s17, s15;
	s17 =	simm.s32 $0x3;
	s8 =	sadd.s32 $0x4E0, s7  }
0x14: {  	s11 =	sadd.s32 $0x10, s7;
	s12 =	sadd.s32 $0x20, s7;
	s13 =	sadd.s32 $0x4D0, s7  }
.LBB2_1:
0x15: {  	[spmem:s16], [sflag:s6] =	dma.local [hbm:s5], $0x2800  }
0x16: {  	_ =	swait.ge [sflag:s17], $0x2800  }
0x17: {  	[sflag:s17] =	ssyncset.done $0x0  }
0x18: {  	[sflag:s17] =	ssyncadd.s32 $0xFFFFD800  }
0x19: {  	[tilespmem:s18], [sflag:$0x3] =	stream.linear.gather [hbm4b:s4+s3], $0x4000, $0x38;
	[tilespmem:$0x1C180] =	vst v63  }
0x1a: {  	_ =	swait.ge [sflag:s17], $0x4000  }
0x1b: {  	[sflag:s17] =	ssyncset.done $0x0  }
0x1c: {  	[sflag:s17] =	ssyncadd.s32 $0xFFFFC000  }
0x1d: {  	[tilespmem:s19], [sflag:$0x3] =	stream.linear.gather [hbm4b:s4+s3], $0x4000, $0x38;
	[tilespmem:$0x1C180] =	vst v63  }
0x1e: {  	_ =	swait.ge [sflag:s17], $0x4000  }
0x1f: {  	[sflag:s17] =	ssyncset.done $0x0  }
0x20: {  	[sflag:s17] =	ssyncadd.s32 $0xFFFFC000  }
0x21: {  	[bflag:$0x0] =	sbarrier.arrive $0xFFFF  }
0x22: {  	[tilespmem:s3], [sflag:$0x3] =	stream.linear.gather [hbm4b:s7+s3], $0x80, $0x38;
	[tilespmem:$0x1C180] =	vst v63  }
0x23: {  	_ =	swait.ge [sflag:s17], $0x80  }
0x24: {  	[sflag:s17] =	ssyncset.done $0x0  }
0x25: {  	[sflag:s17] =	ssyncadd.s32 $0xFFFFFF80  }
0x26: {  	[spmem:s1] =	stream.indirect.scatter.add.f32 [tilespmem:s18], [sflag:$0x1], $0x80, s3, s18, $0xb8;
	[tilespmem:$0x1C180] =	vst v63  }
0x27: {  	_ = 	snop  }
0x28: {  	[tilespmem:s20], [sflag:$0x4] =	stream.linear.gather [hbm4b:s11+s3], $0x80, $0x38;
	[tilespmem:$0x1C180] =	vst v63  }
0x29: {  	_ =	swait.ge [sflag:s21], $0x80  }
0x2a: {  	[sflag:s21] =	ssyncset.done $0x0  }
0x2b: {  	[sflag:s21] =	ssyncadd.s32 $0xFFFFFF80  }
0x2c: {  	[spmem:s1] =	stream.indirect.scatter.add.f32 [tilespmem:s19], [sflag:$0x2], $0x80, s20, s18, $0xb8;
	[tilespmem:$0x1C180] =	vst v63  }
0x2d: {  	_ =	swait.ge [sflag:s22], $0x4000  }
0x2e: {  	[sflag:s22] =	ssyncset.done $0x0  }
0x2f: {  	[sflag:s22] =	ssyncadd.s32 $0xFFFFC000  }
0x30: {  	[tilespmem:s3], [sflag:$0x3] =	stream.linear.gather [hbm4b:s12+s3], $0x80, $0x38;
	[tilespmem:$0x1C180] =	vst v63  }
0x31: {  	_ =	swait.ge [sflag:s17], $0x80  }
0x32: {  	[sflag:s17] =	ssyncset.done $0x0  }
0x33: {  	[sflag:s17] =	ssyncadd.s32 $0xFFFFFF80  }
0x34: {  	[spmem:s1] =	stream.indirect.scatter.add.f32 [tilespmem:s18], [sflag:$0x1], $0x80, s3, s18, $0xb8;
	[tilespmem:$0x1C180] =	vst v63  }
0x35: {  	_ =	swait.ge [sflag:s23], $0x4000  }
0x36: {  	[sflag:s23] =	ssyncset.done $0x0  }
0x37: {  	s28 =	sadd.s32 $0x0, s15;
	[sflag:s23] =	ssyncadd.s32 $0xFFFFC000  }
0x38: {  	[tilespmem:s20], [sflag:$0x4] =	stream.linear.gather [hbm4b:s28+s3], $0x80, $0x38;
	[tilespmem:$0x1C180] =	vst v63  }
0x39: {  	_ =	swait.ge [sflag:s21], $0x80  }
0x3a: {  	[sflag:s21] =	ssyncset.done $0x0  }
0x3b: {  	[sflag:s21] =	ssyncadd.s32 $0xFFFFFF80  }
0x3c: {  	[spmem:s1] =	stream.indirect.scatter.add.f32 [tilespmem:s19], [sflag:$0x2], $0x80, s20, s18, $0xb8;
	[tilespmem:$0x1C180] =	vst v63  }
0x3d: {  	_ =	swait.ge [sflag:s22], $0x4000  }
0x3e: {  	[sflag:s22] =	ssyncset.done $0x0  }
0x3f: {  	s28 =	sadd.s32 $0x0, s14;
	[sflag:s22] =	ssyncadd.s32 $0xFFFFC000  }
0x40: {  	[tilespmem:s3], [sflag:$0x3] =	stream.linear.gather [hbm4b:s28+s3], $0x80, $0x38;
	[tilespmem:$0x1C180] =	vst v63  }
0x41: {  	_ =	swait.ge [sflag:s17], $0x80  }
0x42: {  	s28 =	simm.s32 $0x20;
	[sflag:s17] =	ssyncset.done $0x0  }
.LBB2_2:
0x43: {  	p0 =	sne.s32 s28, $0x480  }
0x44: {  	[sflag:s17] =	ssyncadd.s32 $0xFFFFFF80;
	s29 =	smov.u32 s28;
	s28 =	sadd.s32 $0x20, s28  }
0x45: {  	[spmem:s1] =	stream.indirect.scatter.add.f32 [tilespmem:s18], [sflag:$0x1], $0x80, s3, s18, $0xb8;
	[tilespmem:$0x1C180] =	vst v63  }
0x46: {  	_ =	swait.ge [sflag:s23], $0x4000  }
0x47: {  	[sflag:s23] =	ssyncset.done $0x0  }
0x48: {  	s30 =	sadd.s32 s29, s15;
	[sflag:s23] =	ssyncadd.s32 $0xFFFFC000  }
0x49: {  	[tilespmem:s20], [sflag:$0x4] =	stream.linear.gather [hbm4b:s30+s3], $0x80, $0x38;
	[tilespmem:$0x1C180] =	vst v63  }
0x4a: {  	_ =	swait.ge [sflag:s21], $0x80  }
0x4b: {  	[sflag:s21] =	ssyncset.done $0x0  }
0x4c: {  	[sflag:s21] =	ssyncadd.s32 $0xFFFFFF80  }
0x4d: {  	[spmem:s1] =	stream.indirect.scatter.add.f32 [tilespmem:s19], [sflag:$0x2], $0x80, s20, s18, $0xb8;
	[tilespmem:$0x1C180] =	vst v63  }
0x4e: {  	_ =	swait.ge [sflag:s22], $0x4000  }
.Ltmp0:
0x4f: {  	[sflag:s22] =	ssyncset.done $0x0;
	(pc) =	sbr.rel @p0 .LBB2_2-.Ltmp0, $4  }
0x50: {  	s29 =	sadd.s32 s29, s14;
	[sflag:s22] =	ssyncadd.s32 $0xFFFFC000  }
0x51: {  	[tilespmem:s3], [sflag:$0x3] =	stream.linear.gather [hbm4b:s29+s3], $0x80, $0x38;
	[tilespmem:$0x1C180] =	vst v63  }
0x52: {  	_ =	swait.ge [sflag:s17], $0x80  }
0x53: {  	[sflag:s17] =	ssyncset.done $0x0  }
0x54: {  	[sflag:s17] =	ssyncadd.s32 $0xFFFFFF80  }
0x55: {  	[spmem:s1] =	stream.indirect.scatter.add.f32 [tilespmem:s18], [sflag:$0x1], $0x80, s3, s18, $0xb8;
	[tilespmem:$0x1C180] =	vst v63  }
0x56: {  	_ =	swait.ge [sflag:s23], $0x4000  }
0x57: {  	[sflag:s23] =	ssyncset.done $0x0  }
0x58: {  	[sflag:s23] =	ssyncadd.s32 $0xFFFFC000  }
0x59: {  	[tilespmem:s20], [sflag:$0x4] =	stream.linear.gather [hbm4b:s13+s3], $0x80, $0x38;
	[tilespmem:$0x1C180] =	vst v63  }
0x5a: {  	_ =	swait.ge [sflag:s21], $0x80  }
0x5b: {  	[sflag:s21] =	ssyncset.done $0x0  }
0x5c: {  	[sflag:s21] =	ssyncadd.s32 $0xFFFFFF80  }
0x5d: {  	[spmem:s1] =	stream.indirect.scatter.add.f32 [tilespmem:s19], [sflag:$0x2], $0x80, s20, s18, $0xb8;
	[tilespmem:$0x1C180] =	vst v63  }
0x5e: {  	_ =	swait.ge [sflag:s22], $0x4000  }
0x5f: {  	[sflag:s22] =	ssyncset.done $0x0  }
0x60: {  	[sflag:s22] =	ssyncadd.s32 $0xFFFFC000  }
0x61: {  	_ =	swait.ge [sflag:s23], $0x4000  }
0x62: {  	[sflag:s23] =	ssyncset.done $0x0  }
0x63: {  	[sflag:s23] =	ssyncadd.s32 $0xFFFFC000  }
0x64: {  	[tilespmem:s24], [sflag:$0x3] =	stream.linear.gather [hbm4b:s8+s3], $0x10, $0x38;
	[tilespmem:$0x1C180] =	vst v63  }
0x65: {  	_ =	swait.ge [sflag:s17], $0x10  }
0x66: {  	[sflag:s17] =	ssyncset.done $0x0  }
0x67: {  	[sflag:s17] =	ssyncadd.s32 $0xFFFFFFF0  }
0x68: {  	[spmem:s1] =	stream.indirect.scatter.add.f32 [tilespmem:s18], [sflag:$0x3], $0x80, s24, s25, $0xb8;
	[tilespmem:$0x1C180] =	vst v63  }
0x69: {  	_ =	swait.ge [sflag:s17], $0x800  }
0x6a: {  	s26 =	sadd.s32 $0x1, s26;
	[sflag:s17] =	ssyncset.done $0x0  }
0x6b: {  	p0 =	sne.s32 s26, s10;
	[sflag:s17] =	ssyncadd.s32 $0xFFFFF800  }
.Ltmp1:
0x6c: {  	[bflag:$0x0] =	sbarrier.arrive $0xFFFF;
	(pc) =	sbr.rel @p0 .LBB2_1-.Ltmp1, $4  }
0x6d: {  	[hbm:s9], [sflag:s6] =	dma.local [spmem:s16], $0x2800  }
0x6e: {  	_ =	swait.ge [sflag:s17], $0x2800  }
0x6f: {  	[sflag:s17] =	ssyncset.done $0x0  }
0x70: {  	[sflag:s17] =	ssyncadd.s32 $0xFFFFD800  }
0x71: {  	_ =	sfence.sel $0x180000  }
0x72: {  	[bflag:$0x0] =	sbarrier.arrive $0xFFFF  }
0x73: {  	p0 =	sne.s32 s2, $0x0;
	_ =	strace $0x90000047  }
0x74: {  	s0 =	sadd.s32 @!p0 $0x100000, s0;
	[bflag:$0x2] =	sbarrier.arrive $0xFFFF  }
0x75: {  	[sflag:s0] =	ssyncadd.tile.s32 @!p0 $0x1;
	_ =	shalt  }
.Lfunc_end2:
_tile_overlayer_lowered:
.L_overlay_start_2:
0x76: {  	(tag) =	ssettag $0x2  }
0x77: {  	s0 =	rddreg [dreg:$0x0];
	s2 =	stileid.u32  }
0x78: {  	s1 =	rddreg [dreg:$0x1];
	p0 =	sne.s32 s2, $0x0  }
0x79: {  	s3 =	rddreg [dreg:$0x2];
	[bflag:$0x3] =	sbarrier.arrive $0xFFFF;
	s2 =	simm.s32 @!p0 $0x1C03  }
0x7a: {  	[timem:s3], [sflag:s2] =	dma.local @!p0 [hbm:s0], s1  }
0x7b: {  	s0 =	simm.s32 @!p0 $0x3  }
0x7c: {  	_ =	swait.ge @!p0 [sflag:s0], s1  }
0x7d: {  	s1 =	ssub.s32 @!p0 $0x0, s1;
	[sflag:s0] =	ssyncset.done @!p0 $0x0  }
0x7e: {  	[sflag:s0] =	ssyncadd.s32 @!p0 s1  }
0x7f: {  	[bflag:$0x3] =	sbarrier.arrive $0xFFFF  }
0x80: {  	_ =	shalt  }

</sc_bundles>
